<compile_context>
chip_gen: v7x
topology: tpu7x:2x2x1
jax: 0.10.2.dev20260603
libtpu: 0.0.44.dev20260713+nightly
codegen_flags: <defaults>
</compile_context>

<pallas_src>
import functools

import jax
import jax.numpy as jnp
from jax import lax
from jax.experimental import pallas as pl
from jax.experimental.pallas import tpu as pltpu
from jax.experimental.pallas import tpu_sc as plsc

E = 16
TOPK = 2
DIM = 2048
INTER = 1024
T = 2048
TB = 384
G = (T * TOPK) // TB + E
NROWS = G * TB

NC = 2
NS = 16
L = 16
NW = NC * NS

TPW = T // NW
DCH = 16
DNCH = TPW // DCH
CCH = 8


def _router_body(x_ref, gw_ref, topi_ref, w0_ref, w1_ref):
    xb = x_ref[...]
    gw = gw_ref[...]
    logits = lax.dot_general(xb, gw, (((1,), (1,)), ((), ())),
                             preferred_element_type=jnp.float32)
    m = jnp.max(logits, axis=1, keepdims=True)
    ex = jnp.exp(logits - m)
    s = ex / jnp.sum(ex, axis=1, keepdims=True)
    col = lax.broadcasted_iota(jnp.int32, s.shape, 1)
    v1 = jnp.max(s, axis=1, keepdims=True)
    i1 = jnp.min(jnp.where(s == v1, col, E), axis=1, keepdims=True)
    s2 = jnp.where(col == i1, jnp.float32(-jnp.inf), s)
    v2 = jnp.max(s2, axis=1, keepdims=True)
    i2 = jnp.min(jnp.where(s2 == v2, col, E), axis=1, keepdims=True)
    topi_ref[...] = jnp.concatenate([i1, i2], axis=1)
    w0_ref[...] = jnp.broadcast_to(v1, v1.shape[:1] + (L,))
    w1_ref[...] = jnp.broadcast_to(v2, v2.shape[:1] + (L,))


def _router(xf, gate_w):
    rb = 256
    return pl.pallas_call(
        _router_body,
        grid=(T // rb,),
        in_specs=[
            pl.BlockSpec((rb, DIM), lambda g: (g, 0)),
            pl.BlockSpec((E, DIM), lambda g: (0, 0)),
        ],
        out_specs=[
            pl.BlockSpec((rb, TOPK), lambda g: (g, 0)),
            pl.BlockSpec((rb, L), lambda g: (g, 0)),
            pl.BlockSpec((rb, L), lambda g: (g, 0)),
        ],
        out_shape=[
            jax.ShapeDtypeStruct((T, TOPK), jnp.int32),
            jax.ShapeDtypeStruct((T, L), jnp.float32),
            jax.ShapeDtypeStruct((T, L), jnp.float32),
        ],
    )(xf, gate_w)


def _route_metadata(topi):
    flat_e = topi.reshape(-1)
    eids = jnp.arange(E, dtype=jnp.int32)
    oh = (flat_e[:, None] == eids[None, :]).astype(jnp.int32)
    csum = jnp.cumsum(oh, axis=0)
    rank = jnp.sum(csum * oh, axis=1) - 1
    counts = csum[-1]
    padded = ((counts + TB - 1) // TB) * TB
    ends = jnp.cumsum(padded)
    offs = ends - padded
    dest = jnp.sum(oh * offs[None, :], axis=1) + rank
    cb = ends // TB
    gids = jnp.arange(G, dtype=jnp.int32)
    block_expert = jnp.minimum(
        jnp.sum((gids[:, None] >= cb[None, :]).astype(jnp.int32), axis=1),
        E - 1).astype(jnp.int32)
    block_valid = (gids < cb[E - 1]).astype(jnp.int32)
    d2 = dest.reshape(T, TOPK)
    return d2[:, 0], d2[:, 1], block_expert, block_valid


def _sc_dispatch_body(x_hbm, d0_hbm, d1_hbm, out_hbm,
                      d0_v, d1_v, buf0, buf1, rs0, rs1, s00, s01, s10, s11):
    wid = lax.axis_index("s") * NC + lax.axis_index("c")
    base = wid * TPW
    pltpu.sync_copy(d0_hbm.at[wid], d0_v)
    pltpu.sync_copy(d1_hbm.at[wid], d1_v)
    bufs = (buf0, buf1)
    rsems = (rs0, rs1)
    ssems = ((s00, s01), (s10, s11))
    reads = [None, None]
    scats = [None, None, None, None]
    for c in range(DNCH):
        b = c % 2
        if scats[2 * b] is not None:
            scats[2 * b].wait()
            scats[2 * b + 1].wait()
        reads[b] = pltpu.async_copy(
            x_hbm.at[pl.ds(base + c * DCH, DCH)], bufs[b], rsems[b])
        reads[b].wait()
        scats[2 * b] = pltpu.async_copy(
            bufs[b], out_hbm.at[d0_v.at[c]], ssems[b][0])
        scats[2 * b + 1] = pltpu.async_copy(
            bufs[b], out_hbm.at[d1_v.at[c]], ssems[b][1])
    for cp in scats:
        if cp is not None:
            cp.wait()


def _sc_dispatch(xf, d0r, d1r):
    mesh = plsc.VectorSubcoreMesh(core_axis_name="c", subcore_axis_name="s")
    f = functools.partial(
        pl.kernel,
        mesh=mesh,
        out_type=jax.ShapeDtypeStruct((NROWS, DIM), jnp.float32),
        scratch_types=(
            [pltpu.VMEM((DNCH, DCH), jnp.int32)] * 2
            + [pltpu.VMEM((DCH, DIM), jnp.float32)] * 2
            + [pltpu.SemaphoreType.DMA] * 6
        ),
    )(_sc_dispatch_body)
    return f(xf, d0r, d1r)


def _gmm_body(be_ref, bv_ref, x_ref, w1_ref, w3_ref, w2_ref, out_ref):
    g = pl.program_id(0)

    @pl.when(bv_ref[g] != 0)
    def _():
        xb = x_ref[...]
        w1e = w1_ref[0]
        w3e = w3_ref[0]
        w2e = w2_ref[0]
        h1 = lax.dot_general(xb, w1e, (((1,), (1,)), ((), ())),
                             preferred_element_type=jnp.float32)
        h3 = lax.dot_general(xb, w3e, (((1,), (1,)), ((), ())),
                             preferred_element_type=jnp.float32)
        hh = h1 * (1.0 / (1.0 + jnp.exp(-h1))) * h3
        out_ref[...] = lax.dot_general(hh, w2e, (((1,), (1,)), ((), ())),
                                       preferred_element_type=jnp.float32)


def _gmm(block_expert, block_valid, xs, w1, w3, w2):
    grid_spec = pltpu.PrefetchScalarGridSpec(
        num_scalar_prefetch=2,
        grid=(G,),
        in_specs=[
            pl.BlockSpec((TB, DIM), lambda g, be, bv: (g, 0)),
            pl.BlockSpec((1, INTER, DIM), lambda g, be, bv: (be[g], 0, 0)),
            pl.BlockSpec((1, INTER, DIM), lambda g, be, bv: (be[g], 0, 0)),
            pl.BlockSpec((1, DIM, INTER), lambda g, be, bv: (be[g], 0, 0)),
        ],
        out_specs=pl.BlockSpec((TB, DIM), lambda g, be, bv: (g, 0)),
    )
    return pl.pallas_call(
        _gmm_body,
        grid_spec=grid_spec,
        out_shape=jax.ShapeDtypeStruct((NROWS, DIM), jnp.float32),
        compiler_params=pltpu.CompilerParams(
            dimension_semantics=("arbitrary",),
            vmem_limit_bytes=100 * 1024 * 1024),
    )(block_expert, block_valid, xs, w1, w3, w2)


def _shared_body(x_ref, sw1_ref, sw3_ref, sw2_ref, z_ref):
    xb = x_ref[...]
    h1 = lax.dot_general(xb, sw1_ref[...], (((1,), (1,)), ((), ())),
                         preferred_element_type=jnp.float32)
    h3 = lax.dot_general(xb, sw3_ref[...], (((1,), (1,)), ((), ())),
                         preferred_element_type=jnp.float32)
    hh = h1 * (1.0 / (1.0 + jnp.exp(-h1))) * h3
    z_ref[...] = lax.dot_general(hh, sw2_ref[...], (((1,), (1,)), ((), ())),
                                 preferred_element_type=jnp.float32)


def _shared(xf, sw1, sw3, sw2):
    sb = 512
    return pl.pallas_call(
        _shared_body,
        grid=(T // sb,),
        in_specs=[
            pl.BlockSpec((sb, DIM), lambda g: (g, 0)),
            pl.BlockSpec((INTER, DIM), lambda g: (0, 0)),
            pl.BlockSpec((INTER, DIM), lambda g: (0, 0)),
            pl.BlockSpec((DIM, INTER), lambda g: (0, 0)),
        ],
        out_specs=pl.BlockSpec((sb, DIM), lambda g: (g, 0)),
        out_shape=jax.ShapeDtypeStruct((T, DIM), jnp.float32),
        compiler_params=pltpu.CompilerParams(
            dimension_semantics=("arbitrary",),
            vmem_limit_bytes=100 * 1024 * 1024),
    )(xf, sw1, sw3, sw2)


def _sc_combine_body(contrib_hbm, d0_hbm, d1_hbm, z_hbm, w0b_hbm, w1b_hbm,
                     out_hbm,
                     d0_v, d1_v, w0_v, w1_v,
                     r0a, r1a, za, r0b, r1b, zb,
                     sa0, sa1, sa2, sb0, sb1, sb2, wsa, wsb):
    wid = lax.axis_index("s") * NC + lax.axis_index("c")
    base = wid * TPW
    pltpu.sync_copy(d0_hbm.at[pl.ds(base, TPW)], d0_v)
    pltpu.sync_copy(d1_hbm.at[pl.ds(base, TPW)], d1_v)
    pltpu.sync_copy(w0b_hbm.at[pl.ds(base, TPW)], w0_v)
    pltpu.sync_copy(w1b_hbm.at[pl.ds(base, TPW)], w1_v)

    def accum(c, dst, s0, s1):
        wv0 = [w0_v[c * CCH + i, :] for i in range(CCH)]
        wv1 = [w1_v[c * CCH + i, :] for i in range(CCH)]

        def add_body(j, carry2):
            sl = pl.ds(j * L, L)
            for i in range(CCH):
                dst[i, sl] = dst[i, sl] + wv0[i] * s0[i, sl] + wv1[i] * s1[i, sl]
            return carry2
        lax.fori_loop(0, DIM // L, add_body, 0)

    def pair(i, carry):
        c0 = i * 2
        c1 = c0 + 1
        ta = base + c0 * CCH
        tb = base + c1 * CCH
        ga0 = pltpu.async_copy(contrib_hbm.at[d0_v.at[pl.ds(c0 * CCH, CCH)]],
                               r0a, sa0)
        ga1 = pltpu.async_copy(contrib_hbm.at[d1_v.at[pl.ds(c0 * CCH, CCH)]],
                               r1a, sa1)
        ga2 = pltpu.async_copy(z_hbm.at[pl.ds(ta, CCH)], za, sa2)
        gb0 = pltpu.async_copy(contrib_hbm.at[d0_v.at[pl.ds(c1 * CCH, CCH)]],
                               r0b, sb0)
        gb1 = pltpu.async_copy(contrib_hbm.at[d1_v.at[pl.ds(c1 * CCH, CCH)]],
                               r1b, sb1)
        gb2 = pltpu.async_copy(z_hbm.at[pl.ds(tb, CCH)], zb, sb2)
        ga0.wait()
        ga1.wait()
        ga2.wait()
        accum(c0, za, r0a, r1a)
        wa = pltpu.async_copy(za, out_hbm.at[pl.ds(ta, CCH)], wsa)
        gb0.wait()
        gb1.wait()
        gb2.wait()
        accum(c1, zb, r0b, r1b)
        wb = pltpu.async_copy(zb, out_hbm.at[pl.ds(tb, CCH)], wsb)
        wa.wait()
        wb.wait()
        return carry

    lax.fori_loop(0, TPW // (2 * CCH), pair, 0)


def _sc_combine(contrib, d0, d1, z, w0b, w1b):
    mesh = plsc.VectorSubcoreMesh(core_axis_name="c", subcore_axis_name="s")
    f = functools.partial(
        pl.kernel,
        mesh=mesh,
        out_type=jax.ShapeDtypeStruct((T, DIM), jnp.float32),
        scratch_types=(
            [pltpu.VMEM((TPW,), jnp.int32)] * 2
            + [pltpu.VMEM((TPW, L), jnp.float32)] * 2
            + [pltpu.VMEM((CCH, DIM), jnp.float32)] * 6
            + [pltpu.SemaphoreType.DMA] * 8
        ),
    )(_sc_combine_body)
    return f(contrib, d0, d1, z, w0b, w1b)


def kernel(x, gate_w, w1, w2, w3, sw1, sw2, sw3):
    shape = x.shape
    xf = x.reshape(T, DIM)
    topi, w0b, w1b = _router(xf, gate_w)
    d0, d1, block_expert, block_valid = _route_metadata(topi)
    d0r = d0.reshape(NW, DNCH, DCH)
    d1r = d1.reshape(NW, DNCH, DCH)
    xs = _sc_dispatch(xf, d0r, d1r)
    z = _shared(xf, sw1, sw3, sw2)
    contrib = _gmm(block_expert, block_valid, xs, w1, w3, w2)
    y = _sc_combine(contrib, d0, d1, z, w0b, w1b)
    return y.reshape(shape)

# --- scband reference (transcript-rebuilt; emitter-appended) ---
"""Pipeline reference for scband-mo-e-72258529788657 (READ-ONLY COPY).

The authoritative reference and input builder live on the scoring server;
editing this copy changes nothing except your own understanding.
"""

import jax, jax.numpy as jnp
import numpy as np

E = 16
TOPK = 2
DIM = 2048
INTER = 1024
B = 1
S = 2048
ROUTE_SCALE = 1.0


def silu(v):
    return v * jax.nn.sigmoid(v)


def setup_inputs(seed: int = 0) -> dict:
    key = jax.random.key(seed)
    ks = jax.random.split(key, 8)
    x = jax.random.normal(ks[0], (B, S, DIM), dtype=jnp.float32)
    gate_w = jax.random.normal(ks[1], (E, DIM), dtype=jnp.float32) * (DIM ** -0.5)
    w1 = jax.random.normal(ks[2], (E, INTER, DIM), dtype=jnp.float32) * (DIM ** -0.5)
    w2 = jax.random.normal(ks[3], (E, DIM, INTER), dtype=jnp.float32) * (INTER ** -0.5)
    w3 = jax.random.normal(ks[4], (E, INTER, DIM), dtype=jnp.float32) * (DIM ** -0.5)
    sw1 = jax.random.normal(ks[5], (INTER, DIM), dtype=jnp.float32) * (DIM ** -0.5)
    sw2 = jax.random.normal(ks[6], (DIM, INTER), dtype=jnp.float32) * (INTER ** -0.5)
    sw3 = jax.random.normal(ks[7], (INTER, DIM), dtype=jnp.float32) * (DIM ** -0.5)
    return {"x": x, "gate_w": gate_w, "w1": w1, "w2": w2, "w3": w3,
            "sw1": sw1, "sw2": sw2, "sw3": sw3}


def reference(x, gate_w, w1, w2, w3, sw1, sw2, sw3):
    shape = x.shape
    xf = x.reshape(-1, DIM)
    # Gate: softmax scores (score_func='softmax'), no bias (dim != 7168),
    # n_groups == 1 so calc_group_score is identity; get_weight is identity.
    logits = xf @ gate_w.T
    scores = jax.nn.softmax(logits.astype(jnp.float32), axis=-1)
    topv, topi = jax.lax.top_k(scores, TOPK)
    weights = (topv * ROUTE_SCALE).astype(xf.dtype)  # [T, TOPK]
    y = jnp.zeros_like(xf)
    # Expert dispatch: y[idx] += expert(x[idx]) * weights[idx, top]
    for i in range(E):
        w_i = jnp.sum(jnp.where(topi == i, weights, jnp.zeros_like(weights)), axis=-1)
        h = silu(xf @ w1[i].T) * (xf @ w3[i].T)
        out = h @ w2[i].T
        y = y + out * w_i[:, None]
    # Shared experts MLP (n_shared_experts * moe_inter_dim = 1024)
    z = (silu(xf @ sw1.T) * (xf @ sw3.T)) @ sw2.T
    return (y + z).reshape(shape)

if __name__ == "__main__":
    import jax
    _d = setup_inputs()
    print(jax.jit(kernel)(*tuple(_d.values())))

</pallas_src>

<mosaic_0001>
#map = affine_map<(d0, d1) -> (0, 0)>
#map1 = affine_map<(d0, d1) -> (0, 0, 0)>
module attributes {stable_mosaic.version = 14 : i64} {
  func.func @_sc_dispatch_body(%arg0: i32, %arg1: i32, %arg2: memref<2048x2048xf32, #tpu.memory_space<hbm>>, %arg3: memref<32x4x16xi32, #tpu.memory_space<hbm>>, %arg4: memref<32x4x16xi32, #tpu.memory_space<hbm>>, %arg5: memref<9984x2048xf32, #tpu.memory_space<hbm>>, %arg6: memref<4x16xi32, #tpu.memory_space<vmem>>, %arg7: memref<4x16xi32, #tpu.memory_space<vmem>>, %arg8: memref<16x2048xf32, #tpu.memory_space<vmem>>, %arg9: memref<16x2048xf32, #tpu.memory_space<vmem>>, %arg10: memref<!tpu.dma_semaphore, #tpu.memory_space<semaphore_mem>>, %arg11: memref<!tpu.dma_semaphore, #tpu.memory_space<semaphore_mem>>, %arg12: memref<!tpu.dma_semaphore, #tpu.memory_space<semaphore_mem>>, %arg13: memref<!tpu.dma_semaphore, #tpu.memory_space<semaphore_mem>>, %arg14: memref<!tpu.dma_semaphore, #tpu.memory_space<semaphore_mem>>, %arg15: memref<!tpu.dma_semaphore, #tpu.memory_space<semaphore_mem>>) attributes {dimension_semantics = [#tpu.dimension_semantics<core_parallel>, #tpu.dimension_semantics<subcore_parallel>], iteration_bounds = array<i64: 2, 16>, scalar_prefetch = 0 : i64, scratch_operands = 10 : i64, tpu.core_type = #tpu.core_type<sc_vector_subcore>, window_params = [{transform_indices = #map}, {transform_indices = #map1}, {transform_indices = #map1}, {transform_indices = #map}]} {
    %mul3A = arith.constant 2 : i32
    %mul3A_0 = arith.muli %arg1, %mul3A : i32
    %add3A = arith.addi %mul3A_0, %arg0 : i32
    %mul3A_1 = arith.constant 64 : i32
    %mul3A_2 = arith.muli %add3A, %mul3A_1 : i32
    "tpu.region"() ({
      %run_scoped3A = tpu.sem_alloc : memref<!tpu.dma_semaphore, #tpu.memory_space<semaphore_mem>>
      %dma_start3A_153 = arith.constant 0 : i32
      %dma_start3A_154 = arith.constant 0 : i32
      %dma_start3A_155 = tpu.memref_slice %arg3[%add3A, %dma_start3A_153, %dma_start3A_154] : memref<32x4x16xi32, #tpu.memory_space<hbm>> -> memref<1x4x16xi32, #tpu.memory_space<hbm>>
      %dma_start3A_156 = tpu.memref_squeeze %dma_start3A_155 : memref<1x4x16xi32, #tpu.memory_space<hbm>> -> memref<4x16xi32, #tpu.memory_space<hbm>>
      %dma_start3A_157 = arith.constant 0 : i32
      %dma_start3A_158 = arith.constant 0 : i32
      %dma_start3A_159 = tpu.memref_slice %arg3[%add3A, %dma_start3A_157, %dma_start3A_158] : memref<32x4x16xi32, #tpu.memory_space<hbm>> -> memref<1x4x16xi32, #tpu.memory_space<hbm>>
      %dma_start3A_160 = tpu.memref_squeeze %dma_start3A_159 : memref<1x4x16xi32, #tpu.memory_space<hbm>> -> memref<4x16xi32, #tpu.memory_space<hbm>>
      tpu.enqueue_dma source(%dma_start3A_160 : memref<4x16xi32, #tpu.memory_space<hbm>>) target(%arg6 : memref<4x16xi32, #tpu.memory_space<vmem>>) target_semaphore(%run_scoped3A : memref<!tpu.dma_semaphore, #tpu.memory_space<semaphore_mem>>)
      %dma_wait3A_161 = arith.constant 0 : i32
      %dma_wait3A_162 = arith.constant 0 : i32
      %dma_wait3A_163 = tpu.memref_slice %arg3[%add3A, %dma_wait3A_161, %dma_wait3A_162] : memref<32x4x16xi32, #tpu.memory_space<hbm>> -> memref<1x4x16xi32, #tpu.memory_space<hbm>>
      %dma_wait3A_164 = tpu.memref_squeeze %dma_wait3A_163 : memref<1x4x16xi32, #tpu.memory_space<hbm>> -> memref<4x16xi32, #tpu.memory_space<hbm>>
      %dma_wait3A_165 = arith.constant 0 : i32
      %dma_wait3A_166 = arith.constant 0 : i32
      %dma_wait3A_167 = tpu.memref_slice %arg3[%add3A, %dma_wait3A_165, %dma_wait3A_166] : memref<32x4x16xi32, #tpu.memory_space<hbm>> -> memref<1x4x16xi32, #tpu.memory_space<hbm>>
      %dma_wait3A_168 = tpu.memref_squeeze %dma_wait3A_167 : memref<1x4x16xi32, #tpu.memory_space<hbm>> -> memref<4x16xi32, #tpu.memory_space<hbm>>
      tpu.wait_dma2 semaphore(%run_scoped3A : memref<!tpu.dma_semaphore, #tpu.memory_space<semaphore_mem>>) src(%dma_wait3A_168 : memref<4x16xi32, #tpu.memory_space<hbm>>) dst(%arg6 : memref<4x16xi32, #tpu.memory_space<vmem>>)
      tpu.yield
    }) : () -> ()
    "tpu.region"() ({
      %run_scoped3A = tpu.sem_alloc : memref<!tpu.dma_semaphore, #tpu.memory_space<semaphore_mem>>
      %dma_start3A_153 = arith.constant 0 : i32
      %dma_start3A_154 = arith.constant 0 : i32
      %dma_start3A_155 = tpu.memref_slice %arg4[%add3A, %dma_start3A_153, %dma_start3A_154] : memref<32x4x16xi32, #tpu.memory_space<hbm>> -> memref<1x4x16xi32, #tpu.memory_space<hbm>>
      %dma_start3A_156 = tpu.memref_squeeze %dma_start3A_155 : memref<1x4x16xi32, #tpu.memory_space<hbm>> -> memref<4x16xi32, #tpu.memory_space<hbm>>
      %dma_start3A_157 = arith.constant 0 : i32
      %dma_start3A_158 = arith.constant 0 : i32
      %dma_start3A_159 = tpu.memref_slice %arg4[%add3A, %dma_start3A_157, %dma_start3A_158] : memref<32x4x16xi32, #tpu.memory_space<hbm>> -> memref<1x4x16xi32, #tpu.memory_space<hbm>>
      %dma_start3A_160 = tpu.memref_squeeze %dma_start3A_159 : memref<1x4x16xi32, #tpu.memory_space<hbm>> -> memref<4x16xi32, #tpu.memory_space<hbm>>
      tpu.enqueue_dma source(%dma_start3A_160 : memref<4x16xi32, #tpu.memory_space<hbm>>) target(%arg7 : memref<4x16xi32, #tpu.memory_space<vmem>>) target_semaphore(%run_scoped3A : memref<!tpu.dma_semaphore, #tpu.memory_space<semaphore_mem>>)
      %dma_wait3A_161 = arith.constant 0 : i32
      %dma_wait3A_162 = arith.constant 0 : i32
      %dma_wait3A_163 = tpu.memref_slice %arg4[%add3A, %dma_wait3A_161, %dma_wait3A_162] : memref<32x4x16xi32, #tpu.memory_space<hbm>> -> memref<1x4x16xi32, #tpu.memory_space<hbm>>
      %dma_wait3A_164 = tpu.memref_squeeze %dma_wait3A_163 : memref<1x4x16xi32, #tpu.memory_space<hbm>> -> memref<4x16xi32, #tpu.memory_space<hbm>>
      %dma_wait3A_165 = arith.constant 0 : i32
      %dma_wait3A_166 = arith.constant 0 : i32
      %dma_wait3A_167 = tpu.memref_slice %arg4[%add3A, %dma_wait3A_165, %dma_wait3A_166] : memref<32x4x16xi32, #tpu.memory_space<hbm>> -> memref<1x4x16xi32, #tpu.memory_space<hbm>>
      %dma_wait3A_168 = tpu.memref_squeeze %dma_wait3A_167 : memref<1x4x16xi32, #tpu.memory_space<hbm>> -> memref<4x16xi32, #tpu.memory_space<hbm>>
      tpu.wait_dma2 semaphore(%run_scoped3A : memref<!tpu.dma_semaphore, #tpu.memory_space<semaphore_mem>>) src(%dma_wait3A_168 : memref<4x16xi32, #tpu.memory_space<hbm>>) dst(%arg7 : memref<4x16xi32, #tpu.memory_space<vmem>>)
      tpu.yield
    }) : () -> ()
    %add3A_3 = arith.constant 0 : i32
    %add3A_4 = arith.addi %mul3A_2, %add3A_3 : i32
    %dma_start3A = arith.constant 0 : i32
    %dma_start3A_5 = tpu.memref_slice %arg2[%add3A_4, %dma_start3A] : memref<2048x2048xf32, #tpu.memory_space<hbm>> -> memref<16x2048xf32, #tpu.memory_space<hbm>>
    %dma_start3A_6 = arith.constant 0 : i32
    %dma_start3A_7 = tpu.memref_slice %arg2[%add3A_4, %dma_start3A_6] : memref<2048x2048xf32, #tpu.memory_space<hbm>> -> memref<16x2048xf32, #tpu.memory_space<hbm>>
    tpu.enqueue_dma source(%dma_start3A_7 : memref<16x2048xf32, #tpu.memory_space<hbm>>) target(%arg8 : memref<16x2048xf32, #tpu.memory_space<vmem>>) target_semaphore(%arg10 : memref<!tpu.dma_semaphore, #tpu.memory_space<semaphore_mem>>)
    %dma_wait3A = arith.constant 0 : i32
    %dma_wait3A_8 = tpu.memref_slice %arg2[%add3A_4, %dma_wait3A] : memref<2048x2048xf32, #tpu.memory_space<hbm>> -> memref<16x2048xf32, #tpu.memory_space<hbm>>
    %dma_wait3A_9 = arith.constant 0 : i32
    %dma_wait3A_10 = tpu.memref_slice %arg2[%add3A_4, %dma_wait3A_9] : memref<2048x2048xf32, #tpu.memory_space<hbm>> -> memref<16x2048xf32, #tpu.memory_space<hbm>>
    tpu.wait_dma2 semaphore(%arg10 : memref<!tpu.dma_semaphore, #tpu.memory_space<semaphore_mem>>) src(%dma_wait3A_10 : memref<16x2048xf32, #tpu.memory_space<hbm>>) dst(%arg8 : memref<16x2048xf32, #tpu.memory_space<vmem>>)
    %dma_start3A_11 = arith.constant 0 : i32
    %dma_start3A_12 = arith.constant 0 : i32
    %dma_start3A_13 = tpu.memref_slice %arg6[%dma_start3A_11, %dma_start3A_12] : memref<4x16xi32, #tpu.memory_space<vmem>> -> memref<1x16xi32, #tpu.memory_space<vmem>>
    %dma_start3A_14 = tpu.memref_squeeze %dma_start3A_13 : memref<1x16xi32, #tpu.memory_space<vmem>> -> memref<16xi32, #tpu.memory_space<vmem>>
    %dma_start3A_15 = arith.constant 0 : i32
    %dma_start3A_16 = arith.constant 0 : i32
    %dma_start3A_17 = tpu.memref_slice %arg5[%dma_start3A_15, %dma_start3A_16] : memref<9984x2048xf32, #tpu.memory_space<hbm>> -> memref<9984x2048xf32, #tpu.memory_space<hbm>>
    tpu.enqueue_indirect_dma source(%arg8 : memref<16x2048xf32, #tpu.memory_space<vmem>>) target(%dma_start3A_17 : memref<9984x2048xf32, #tpu.memory_space<hbm>>) offsets(%dma_start3A_14 : memref<16xi32, #tpu.memory_space<vmem>>) semaphore(%arg12 : memref<!tpu.dma_semaphore, #tpu.memory_space<semaphore_mem>>)
    %dma_start3A_18 = arith.constant 0 : i32
    %dma_start3A_19 = arith.constant 0 : i32
    %dma_start3A_20 = tpu.memref_slice %arg7[%dma_start3A_18, %dma_start3A_19] : memref<4x16xi32, #tpu.memory_space<vmem>> -> memref<1x16xi32, #tpu.memory_space<vmem>>
    %dma_start3A_21 = tpu.memref_squeeze %dma_start3A_20 : memref<1x16xi32, #tpu.memory_space<vmem>> -> memref<16xi32, #tpu.memory_space<vmem>>
    %dma_start3A_22 = arith.constant 0 : i32
    %dma_start3A_23 = arith.constant 0 : i32
    %dma_start3A_24 = tpu.memref_slice %arg5[%dma_start3A_22, %dma_start3A_23] : memref<9984x2048xf32, #tpu.memory_space<hbm>> -> memref<9984x2048xf32, #tpu.memory_space<hbm>>
    tpu.enqueue_indirect_dma source(%arg8 : memref<16x2048xf32, #tpu.memory_space<vmem>>) target(%dma_start3A_24 : memref<9984x2048xf32, #tpu.memory_space<hbm>>) offsets(%dma_start3A_21 : memref<16xi32, #tpu.memory_space<vmem>>) semaphore(%arg13 : memref<!tpu.dma_semaphore, #tpu.memory_space<semaphore_mem>>)
    %add3A_25 = arith.constant 16 : i32
    %add3A_26 = arith.addi %mul3A_2, %add3A_25 : i32
    %dma_start3A_27 = arith.constant 0 : i32
    %dma_start3A_28 = tpu.memref_slice %arg2[%add3A_26, %dma_start3A_27] : memref<2048x2048xf32, #tpu.memory_space<hbm>> -> memref<16x2048xf32, #tpu.memory_space<hbm>>
    %dma_start3A_29 = arith.constant 0 : i32
    %dma_start3A_30 = tpu.memref_slice %arg2[%add3A_26, %dma_start3A_29] : memref<2048x2048xf32, #tpu.memory_space<hbm>> -> memref<16x2048xf32, #tpu.memory_space<hbm>>
    tpu.enqueue_dma source(%dma_start3A_30 : memref<16x2048xf32, #tpu.memory_space<hbm>>) target(%arg9 : memref<16x2048xf32, #tpu.memory_space<vmem>>) target_semaphore(%arg11 : memref<!tpu.dma_semaphore, #tpu.memory_space<semaphore_mem>>)
    %dma_wait3A_31 = arith.constant 0 : i32
    %dma_wait3A_32 = tpu.memref_slice %arg2[%add3A_26, %dma_wait3A_31] : memref<2048x2048xf32, #tpu.memory_space<hbm>> -> memref<16x2048xf32, #tpu.memory_space<hbm>>
    %dma_wait3A_33 = arith.constant 0 : i32
    %dma_wait3A_34 = tpu.memref_slice %arg2[%add3A_26, %dma_wait3A_33] : memref<2048x2048xf32, #tpu.memory_space<hbm>> -> memref<16x2048xf32, #tpu.memory_space<hbm>>
    tpu.wait_dma2 semaphore(%arg11 : memref<!tpu.dma_semaphore, #tpu.memory_space<semaphore_mem>>) src(%dma_wait3A_34 : memref<16x2048xf32, #tpu.memory_space<hbm>>) dst(%arg9 : memref<16x2048xf32, #tpu.memory_space<vmem>>)
    %dma_start3A_35 = arith.constant 1 : i32
    %dma_start3A_36 = arith.constant 0 : i32
    %dma_start3A_37 = tpu.memref_slice %arg6[%dma_start3A_35, %dma_start3A_36] : memref<4x16xi32, #tpu.memory_space<vmem>> -> memref<1x16xi32, #tpu.memory_space<vmem>>
    %dma_start3A_38 = tpu.memref_squeeze %dma_start3A_37 : memref<1x16xi32, #tpu.memory_space<vmem>> -> memref<16xi32, #tpu.memory_space<vmem>>
    %dma_start3A_39 = arith.constant 0 : i32
    %dma_start3A_40 = arith.constant 0 : i32
    %dma_start3A_41 = tpu.memref_slice %arg5[%dma_start3A_39, %dma_start3A_40] : memref<9984x2048xf32, #tpu.memory_space<hbm>> -> memref<9984x2048xf32, #tpu.memory_space<hbm>>
    tpu.enqueue_indirect_dma source(%arg9 : memref<16x2048xf32, #tpu.memory_space<vmem>>) target(%dma_start3A_41 : memref<9984x2048xf32, #tpu.memory_space<hbm>>) offsets(%dma_start3A_38 : memref<16xi32, #tpu.memory_space<vmem>>) semaphore(%arg14 : memref<!tpu.dma_semaphore, #tpu.memory_space<semaphore_mem>>)
    %dma_start3A_42 = arith.constant 1 : i32
    %dma_start3A_43 = arith.constant 0 : i32
    %dma_start3A_44 = tpu.memref_slice %arg7[%dma_start3A_42, %dma_start3A_43] : memref<4x16xi32, #tpu.memory_space<vmem>> -> memref<1x16xi32, #tpu.memory_space<vmem>>
    %dma_start3A_45 = tpu.memref_squeeze %dma_start3A_44 : memref<1x16xi32, #tpu.memory_space<vmem>> -> memref<16xi32, #tpu.memory_space<vmem>>
    %dma_start3A_46 = arith.constant 0 : i32
    %dma_start3A_47 = arith.constant 0 : i32
    %dma_start3A_48 = tpu.memref_slice %arg5[%dma_start3A_46, %dma_start3A_47] : memref<9984x2048xf32, #tpu.memory_space<hbm>> -> memref<9984x2048xf32, #tpu.memory_space<hbm>>
    tpu.enqueue_indirect_dma source(%arg9 : memref<16x2048xf32, #tpu.memory_space<vmem>>) target(%dma_start3A_48 : memref<9984x2048xf32, #tpu.memory_space<hbm>>) offsets(%dma_start3A_45 : memref<16xi32, #tpu.memory_space<vmem>>) semaphore(%arg15 : memref<!tpu.dma_semaphore, #tpu.memory_space<semaphore_mem>>)
    %dma_wait3A_49 = arith.constant 0 : i32
    %dma_wait3A_50 = arith.constant 0 : i32
    %dma_wait3A_51 = tpu.memref_slice %arg6[%dma_wait3A_49, %dma_wait3A_50] : memref<4x16xi32, #tpu.memory_space<vmem>> -> memref<1x16xi32, #tpu.memory_space<vmem>>
    %dma_wait3A_52 = tpu.memref_squeeze %dma_wait3A_51 : memref<1x16xi32, #tpu.memory_space<vmem>> -> memref<16xi32, #tpu.memory_space<vmem>>
    %dma_wait3A_53 = arith.constant 0 : i32
    %dma_wait3A_54 = arith.constant 0 : i32
    %dma_wait3A_55 = tpu.memref_slice %arg5[%dma_wait3A_53, %dma_wait3A_54] : memref<9984x2048xf32, #tpu.memory_space<hbm>> -> memref<9984x2048xf32, #tpu.memory_space<hbm>>
    tpu.wait_indirect_dma semaphore(%arg12 : memref<!tpu.dma_semaphore, #tpu.memory_space<semaphore_mem>>) src(%arg8 : memref<16x2048xf32, #tpu.memory_space<vmem>>) dst(%dma_wait3A_55 : memref<9984x2048xf32, #tpu.memory_space<hbm>>)
    %dma_wait3A_56 = arith.constant 0 : i32
    %dma_wait3A_57 = arith.constant 0 : i32
    %dma_wait3A_58 = tpu.memref_slice %arg7[%dma_wait3A_56, %dma_wait3A_57] : memref<4x16xi32, #tpu.memory_space<vmem>> -> memref<1x16xi32, #tpu.memory_space<vmem>>
    %dma_wait3A_59 = tpu.memref_squeeze %dma_wait3A_58 : memref<1x16xi32, #tpu.memory_space<vmem>> -> memref<16xi32, #tpu.memory_space<vmem>>
    %dma_wait3A_60 = arith.constant 0 : i32
    %dma_wait3A_61 = arith.constant 0 : i32
    %dma_wait3A_62 = tpu.memref_slice %arg5[%dma_wait3A_60, %dma_wait3A_61] : memref<9984x2048xf32, #tpu.memory_space<hbm>> -> memref<9984x2048xf32, #tpu.memory_space<hbm>>
    tpu.wait_indirect_dma semaphore(%arg13 : memref<!tpu.dma_semaphore, #tpu.memory_space<semaphore_mem>>) src(%arg8 : memref<16x2048xf32, #tpu.memory_space<vmem>>) dst(%dma_wait3A_62 : memref<9984x2048xf32, #tpu.memory_space<hbm>>)
    %add3A_63 = arith.constant 32 : i32
    %add3A_64 = arith.addi %mul3A_2, %add3A_63 : i32
    %dma_start3A_65 = arith.constant 0 : i32
    %dma_start3A_66 = tpu.memref_slice %arg2[%add3A_64, %dma_start3A_65] : memref<2048x2048xf32, #tpu.memory_space<hbm>> -> memref<16x2048xf32, #tpu.memory_space<hbm>>
    %dma_start3A_67 = arith.constant 0 : i32
    %dma_start3A_68 = tpu.memref_slice %arg2[%add3A_64, %dma_start3A_67] : memref<2048x2048xf32, #tpu.memory_space<hbm>> -> memref<16x2048xf32, #tpu.memory_space<hbm>>
    tpu.enqueue_dma source(%dma_start3A_68 : memref<16x2048xf32, #tpu.memory_space<hbm>>) target(%arg8 : memref<16x2048xf32, #tpu.memory_space<vmem>>) target_semaphore(%arg10 : memref<!tpu.dma_semaphore, #tpu.memory_space<semaphore_mem>>)
    %dma_wait3A_69 = arith.constant 0 : i32
    %dma_wait3A_70 = tpu.memref_slice %arg2[%add3A_64, %dma_wait3A_69] : memref<2048x2048xf32, #tpu.memory_space<hbm>> -> memref<16x2048xf32, #tpu.memory_space<hbm>>
    %dma_wait3A_71 = arith.constant 0 : i32
    %dma_wait3A_72 = tpu.memref_slice %arg2[%add3A_64, %dma_wait3A_71] : memref<2048x2048xf32, #tpu.memory_space<hbm>> -> memref<16x2048xf32, #tpu.memory_space<hbm>>
    tpu.wait_dma2 semaphore(%arg10 : memref<!tpu.dma_semaphore, #tpu.memory_space<semaphore_mem>>) src(%dma_wait3A_72 : memref<16x2048xf32, #tpu.memory_space<hbm>>) dst(%arg8 : memref<16x2048xf32, #tpu.memory_space<vmem>>)
    %dma_start3A_73 = arith.constant 2 : i32
    %dma_start3A_74 = arith.constant 0 : i32
    %dma_start3A_75 = tpu.memref_slice %arg6[%dma_start3A_73, %dma_start3A_74] : memref<4x16xi32, #tpu.memory_space<vmem>> -> memref<1x16xi32, #tpu.memory_space<vmem>>
    %dma_start3A_76 = tpu.memref_squeeze %dma_start3A_75 : memref<1x16xi32, #tpu.memory_space<vmem>> -> memref<16xi32, #tpu.memory_space<vmem>>
    %dma_start3A_77 = arith.constant 0 : i32
    %dma_start3A_78 = arith.constant 0 : i32
    %dma_start3A_79 = tpu.memref_slice %arg5[%dma_start3A_77, %dma_start3A_78] : memref<9984x2048xf32, #tpu.memory_space<hbm>> -> memref<9984x2048xf32, #tpu.memory_space<hbm>>
    tpu.enqueue_indirect_dma source(%arg8 : memref<16x2048xf32, #tpu.memory_space<vmem>>) target(%dma_start3A_79 : memref<9984x2048xf32, #tpu.memory_space<hbm>>) offsets(%dma_start3A_76 : memref<16xi32, #tpu.memory_space<vmem>>) semaphore(%arg12 : memref<!tpu.dma_semaphore, #tpu.memory_space<semaphore_mem>>)
    %dma_start3A_80 = arith.constant 2 : i32
    %dma_start3A_81 = arith.constant 0 : i32
    %dma_start3A_82 = tpu.memref_slice %arg7[%dma_start3A_80, %dma_start3A_81] : memref<4x16xi32, #tpu.memory_space<vmem>> -> memref<1x16xi32, #tpu.memory_space<vmem>>
    %dma_start3A_83 = tpu.memref_squeeze %dma_start3A_82 : memref<1x16xi32, #tpu.memory_space<vmem>> -> memref<16xi32, #tpu.memory_space<vmem>>
    %dma_start3A_84 = arith.constant 0 : i32
    %dma_start3A_85 = arith.constant 0 : i32
    %dma_start3A_86 = tpu.memref_slice %arg5[%dma_start3A_84, %dma_start3A_85] : memref<9984x2048xf32, #tpu.memory_space<hbm>> -> memref<9984x2048xf32, #tpu.memory_space<hbm>>
    tpu.enqueue_indirect_dma source(%arg8 : memref<16x2048xf32, #tpu.memory_space<vmem>>) target(%dma_start3A_86 : memref<9984x2048xf32, #tpu.memory_space<hbm>>) offsets(%dma_start3A_83 : memref<16xi32, #tpu.memory_space<vmem>>) semaphore(%arg13 : memref<!tpu.dma_semaphore, #tpu.memory_space<semaphore_mem>>)
    %dma_wait3A_87 = arith.constant 1 : i32
    %dma_wait3A_88 = arith.constant 0 : i32
    %dma_wait3A_89 = tpu.memref_slice %arg6[%dma_wait3A_87, %dma_wait3A_88] : memref<4x16xi32, #tpu.memory_space<vmem>> -> memref<1x16xi32, #tpu.memory_space<vmem>>
    %dma_wait3A_90 = tpu.memref_squeeze %dma_wait3A_89 : memref<1x16xi32, #tpu.memory_space<vmem>> -> memref<16xi32, #tpu.memory_space<vmem>>
    %dma_wait3A_91 = arith.constant 0 : i32
    %dma_wait3A_92 = arith.constant 0 : i32
    %dma_wait3A_93 = tpu.memref_slice %arg5[%dma_wait3A_91, %dma_wait3A_92] : memref<9984x2048xf32, #tpu.memory_space<hbm>> -> memref<9984x2048xf32, #tpu.memory_space<hbm>>
    tpu.wait_indirect_dma semaphore(%arg14 : memref<!tpu.dma_semaphore, #tpu.memory_space<semaphore_mem>>) src(%arg9 : memref<16x2048xf32, #tpu.memory_space<vmem>>) dst(%dma_wait3A_93 : memref<9984x2048xf32, #tpu.memory_space<hbm>>)
    %dma_wait3A_94 = arith.constant 1 : i32
    %dma_wait3A_95 = arith.constant 0 : i32
    %dma_wait3A_96 = tpu.memref_slice %arg7[%dma_wait3A_94, %dma_wait3A_95] : memref<4x16xi32, #tpu.memory_space<vmem>> -> memref<1x16xi32, #tpu.memory_space<vmem>>
    %dma_wait3A_97 = tpu.memref_squeeze %dma_wait3A_96 : memref<1x16xi32, #tpu.memory_space<vmem>> -> memref<16xi32, #tpu.memory_space<vmem>>
    %dma_wait3A_98 = arith.constant 0 : i32
    %dma_wait3A_99 = arith.constant 0 : i32
    %dma_wait3A_100 = tpu.memref_slice %arg5[%dma_wait3A_98, %dma_wait3A_99] : memref<9984x2048xf32, #tpu.memory_space<hbm>> -> memref<9984x2048xf32, #tpu.memory_space<hbm>>
    tpu.wait_indirect_dma semaphore(%arg15 : memref<!tpu.dma_semaphore, #tpu.memory_space<semaphore_mem>>) src(%arg9 : memref<16x2048xf32, #tpu.memory_space<vmem>>) dst(%dma_wait3A_100 : memref<9984x2048xf32, #tpu.memory_space<hbm>>)
    %add3A_101 = arith.constant 48 : i32
    %add3A_102 = arith.addi %mul3A_2, %add3A_101 : i32
    %dma_start3A_103 = arith.constant 0 : i32
    %dma_start3A_104 = tpu.memref_slice %arg2[%add3A_102, %dma_start3A_103] : memref<2048x2048xf32, #tpu.memory_space<hbm>> -> memref<16x2048xf32, #tpu.memory_space<hbm>>
    %dma_start3A_105 = arith.constant 0 : i32
    %dma_start3A_106 = tpu.memref_slice %arg2[%add3A_102, %dma_start3A_105] : memref<2048x2048xf32, #tpu.memory_space<hbm>> -> memref<16x2048xf32, #tpu.memory_space<hbm>>
    tpu.enqueue_dma source(%dma_start3A_106 : memref<16x2048xf32, #tpu.memory_space<hbm>>) target(%arg9 : memref<16x2048xf32, #tpu.memory_space<vmem>>) target_semaphore(%arg11 : memref<!tpu.dma_semaphore, #tpu.memory_space<semaphore_mem>>)
    %dma_wait3A_107 = arith.constant 0 : i32
    %dma_wait3A_108 = tpu.memref_slice %arg2[%add3A_102, %dma_wait3A_107] : memref<2048x2048xf32, #tpu.memory_space<hbm>> -> memref<16x2048xf32, #tpu.memory_space<hbm>>
    %dma_wait3A_109 = arith.constant 0 : i32
    %dma_wait3A_110 = tpu.memref_slice %arg2[%add3A_102, %dma_wait3A_109] : memref<2048x2048xf32, #tpu.memory_space<hbm>> -> memref<16x2048xf32, #tpu.memory_space<hbm>>
    tpu.wait_dma2 semaphore(%arg11 : memref<!tpu.dma_semaphore, #tpu.memory_space<semaphore_mem>>) src(%dma_wait3A_110 : memref<16x2048xf32, #tpu.memory_space<hbm>>) dst(%arg9 : memref<16x2048xf32, #tpu.memory_space<vmem>>)
    %dma_start3A_111 = arith.constant 3 : i32
    %dma_start3A_112 = arith.constant 0 : i32
    %dma_start3A_113 = tpu.memref_slice %arg6[%dma_start3A_111, %dma_start3A_112] : memref<4x16xi32, #tpu.memory_space<vmem>> -> memref<1x16xi32, #tpu.memory_space<vmem>>
    %dma_start3A_114 = tpu.memref_squeeze %dma_start3A_113 : memref<1x16xi32, #tpu.memory_space<vmem>> -> memref<16xi32, #tpu.memory_space<vmem>>
    %dma_start3A_115 = arith.constant 0 : i32
    %dma_start3A_116 = arith.constant 0 : i32
    %dma_start3A_117 = tpu.memref_slice %arg5[%dma_start3A_115, %dma_start3A_116] : memref<9984x2048xf32, #tpu.memory_space<hbm>> -> memref<9984x2048xf32, #tpu.memory_space<hbm>>
    tpu.enqueue_indirect_dma source(%arg9 : memref<16x2048xf32, #tpu.memory_space<vmem>>) target(%dma_start3A_117 : memref<9984x2048xf32, #tpu.memory_space<hbm>>) offsets(%dma_start3A_114 : memref<16xi32, #tpu.memory_space<vmem>>) semaphore(%arg14 : memref<!tpu.dma_semaphore, #tpu.memory_space<semaphore_mem>>)
    %dma_start3A_118 = arith.constant 3 : i32
    %dma_start3A_119 = arith.constant 0 : i32
    %dma_start3A_120 = tpu.memref_slice %arg7[%dma_start3A_118, %dma_start3A_119] : memref<4x16xi32, #tpu.memory_space<vmem>> -> memref<1x16xi32, #tpu.memory_space<vmem>>
    %dma_start3A_121 = tpu.memref_squeeze %dma_start3A_120 : memref<1x16xi32, #tpu.memory_space<vmem>> -> memref<16xi32, #tpu.memory_space<vmem>>
    %dma_start3A_122 = arith.constant 0 : i32
    %dma_start3A_123 = arith.constant 0 : i32
    %dma_start3A_124 = tpu.memref_slice %arg5[%dma_start3A_122, %dma_start3A_123] : memref<9984x2048xf32, #tpu.memory_space<hbm>> -> memref<9984x2048xf32, #tpu.memory_space<hbm>>
    tpu.enqueue_indirect_dma source(%arg9 : memref<16x2048xf32, #tpu.memory_space<vmem>>) target(%dma_start3A_124 : memref<9984x2048xf32, #tpu.memory_space<hbm>>) offsets(%dma_start3A_121 : memref<16xi32, #tpu.memory_space<vmem>>) semaphore(%arg15 : memref<!tpu.dma_semaphore, #tpu.memory_space<semaphore_mem>>)
    %dma_wait3A_125 = arith.constant 2 : i32
    %dma_wait3A_126 = arith.constant 0 : i32
    %dma_wait3A_127 = tpu.memref_slice %arg6[%dma_wait3A_125, %dma_wait3A_126] : memref<4x16xi32, #tpu.memory_space<vmem>> -> memref<1x16xi32, #tpu.memory_space<vmem>>
    %dma_wait3A_128 = tpu.memref_squeeze %dma_wait3A_127 : memref<1x16xi32, #tpu.memory_space<vmem>> -> memref<16xi32, #tpu.memory_space<vmem>>
    %dma_wait3A_129 = arith.constant 0 : i32
    %dma_wait3A_130 = arith.constant 0 : i32
    %dma_wait3A_131 = tpu.memref_slice %arg5[%dma_wait3A_129, %dma_wait3A_130] : memref<9984x2048xf32, #tpu.memory_space<hbm>> -> memref<9984x2048xf32, #tpu.memory_space<hbm>>
    tpu.wait_indirect_dma semaphore(%arg12 : memref<!tpu.dma_semaphore, #tpu.memory_space<semaphore_mem>>) src(%arg8 : memref<16x2048xf32, #tpu.memory_space<vmem>>) dst(%dma_wait3A_131 : memref<9984x2048xf32, #tpu.memory_space<hbm>>)
    %dma_wait3A_132 = arith.constant 2 : i32
    %dma_wait3A_133 = arith.constant 0 : i32
    %dma_wait3A_134 = tpu.memref_slice %arg7[%dma_wait3A_132, %dma_wait3A_133] : memref<4x16xi32, #tpu.memory_space<vmem>> -> memref<1x16xi32, #tpu.memory_space<vmem>>
    %dma_wait3A_135 = tpu.memref_squeeze %dma_wait3A_134 : memref<1x16xi32, #tpu.memory_space<vmem>> -> memref<16xi32, #tpu.memory_space<vmem>>
    %dma_wait3A_136 = arith.constant 0 : i32
    %dma_wait3A_137 = arith.constant 0 : i32
    %dma_wait3A_138 = tpu.memref_slice %arg5[%dma_wait3A_136, %dma_wait3A_137] : memref<9984x2048xf32, #tpu.memory_space<hbm>> -> memref<9984x2048xf32, #tpu.memory_space<hbm>>
    tpu.wait_indirect_dma semaphore(%arg13 : memref<!tpu.dma_semaphore, #tpu.memory_space<semaphore_mem>>) src(%arg8 : memref<16x2048xf32, #tpu.memory_space<vmem>>) dst(%dma_wait3A_138 : memref<9984x2048xf32, #tpu.memory_space<hbm>>)
    %dma_wait3A_139 = arith.constant 3 : i32
    %dma_wait3A_140 = arith.constant 0 : i32
    %dma_wait3A_141 = tpu.memref_slice %arg6[%dma_wait3A_139, %dma_wait3A_140] : memref<4x16xi32, #tpu.memory_space<vmem>> -> memref<1x16xi32, #tpu.memory_space<vmem>>
    %dma_wait3A_142 = tpu.memref_squeeze %dma_wait3A_141 : memref<1x16xi32, #tpu.memory_space<vmem>> -> memref<16xi32, #tpu.memory_space<vmem>>
    %dma_wait3A_143 = arith.constant 0 : i32
    %dma_wait3A_144 = arith.constant 0 : i32
    %dma_wait3A_145 = tpu.memref_slice %arg5[%dma_wait3A_143, %dma_wait3A_144] : memref<9984x2048xf32, #tpu.memory_space<hbm>> -> memref<9984x2048xf32, #tpu.memory_space<hbm>>
    tpu.wait_indirect_dma semaphore(%arg14 : memref<!tpu.dma_semaphore, #tpu.memory_space<semaphore_mem>>) src(%arg9 : memref<16x2048xf32, #tpu.memory_space<vmem>>) dst(%dma_wait3A_145 : memref<9984x2048xf32, #tpu.memory_space<hbm>>)
    %dma_wait3A_146 = arith.constant 3 : i32
    %dma_wait3A_147 = arith.constant 0 : i32
    %dma_wait3A_148 = tpu.memref_slice %arg7[%dma_wait3A_146, %dma_wait3A_147] : memref<4x16xi32, #tpu.memory_space<vmem>> -> memref<1x16xi32, #tpu.memory_space<vmem>>
    %dma_wait3A_149 = tpu.memref_squeeze %dma_wait3A_148 : memref<1x16xi32, #tpu.memory_space<vmem>> -> memref<16xi32, #tpu.memory_space<vmem>>
    %dma_wait3A_150 = arith.constant 0 : i32
    %dma_wait3A_151 = arith.constant 0 : i32
    %dma_wait3A_152 = tpu.memref_slice %arg5[%dma_wait3A_150, %dma_wait3A_151] : memref<9984x2048xf32, #tpu.memory_space<hbm>> -> memref<9984x2048xf32, #tpu.memory_space<hbm>>
    tpu.wait_indirect_dma semaphore(%arg15 : memref<!tpu.dma_semaphore, #tpu.memory_space<semaphore_mem>>) src(%arg9 : memref<16x2048xf32, #tpu.memory_space<vmem>>) dst(%dma_wait3A_152 : memref<9984x2048xf32, #tpu.memory_space<hbm>>)
    return
  }
}

#map = affine_map<(d0, d1) -> (0, 0)>
#map1 = affine_map<(d0, d1) -> (0)>
module attributes {stable_mosaic.version = 14 : i64} {
  func.func @_sc_combine_body(%arg0: i32, %arg1: i32, %arg2: memref<9984x2048xf32, #tpu.memory_space<hbm>>, %arg3: memref<2048xi32, #tpu.memory_space<hbm>>, %arg4: memref<2048xi32, #tpu.memory_space<hbm>>, %arg5: memref<2048x2048xf32, #tpu.memory_space<hbm>>, %arg6: memref<2048x16xf32, #tpu.memory_space<hbm>>, %arg7: memref<2048x16xf32, #tpu.memory_space<hbm>>, %arg8: memref<2048x2048xf32, #tpu.memory_space<hbm>>, %arg9: memref<64xi32, #tpu.memory_space<vmem>>, %arg10: memref<64xi32, #tpu.memory_space<vmem>>, %arg11: memref<64x16xf32, #tpu.memory_space<vmem>>, %arg12: memref<64x16xf32, #tpu.memory_space<vmem>>, %arg13: memref<8x2048xf32, #tpu.memory_space<vmem>>, %arg14: memref<8x2048xf32, #tpu.memory_space<vmem>>, %arg15: memref<8x2048xf32, #tpu.memory_space<vmem>>, %arg16: memref<8x2048xf32, #tpu.memory_space<vmem>>, %arg17: memref<8x2048xf32, #tpu.memory_space<vmem>>, %arg18: memref<8x2048xf32, #tpu.memory_space<vmem>>, %arg19: memref<!tpu.dma_semaphore, #tpu.memory_space<semaphore_mem>>, %arg20: memref<!tpu.dma_semaphore, #tpu.memory_space<semaphore_mem>>, %arg21: memref<!tpu.dma_semaphore, #tpu.memory_space<semaphore_mem>>, %arg22: memref<!tpu.dma_semaphore, #tpu.memory_space<semaphore_mem>>, %arg23: memref<!tpu.dma_semaphore, #tpu.memory_space<semaphore_mem>>, %arg24: memref<!tpu.dma_semaphore, #tpu.memory_space<semaphore_mem>>, %arg25: memref<!tpu.dma_semaphore, #tpu.memory_space<semaphore_mem>>, %arg26: memref<!tpu.dma_semaphore, #tpu.memory_space<semaphore_mem>>) attributes {dimension_semantics = [#tpu.dimension_semantics<core_parallel>, #tpu.dimension_semantics<subcore_parallel>], iteration_bounds = array<i64: 2, 16>, scalar_prefetch = 0 : i64, scratch_operands = 18 : i64, tpu.core_type = #tpu.core_type<sc_vector_subcore>, window_params = [{transform_indices = #map}, {transform_indices = #map1}, {transform_indices = #map1}, {transform_indices = #map}, {transform_indices = #map}, {transform_indices = #map}, {transform_indices = #map}]} {
    %mul3A = arith.constant 2 : i32
    %mul3A_0 = arith.muli %arg1, %mul3A : i32
    %add3A = arith.addi %mul3A_0, %arg0 : i32
    %mul3A_1 = arith.constant 64 : i32
    %mul3A_2 = arith.muli %add3A, %mul3A_1 : i32
    "tpu.region"() ({
      %run_scoped3A = tpu.sem_alloc : memref<!tpu.dma_semaphore, #tpu.memory_space<semaphore_mem>>
      %dma_start3A = tpu.memref_slice %arg3[%mul3A_2] : memref<2048xi32, #tpu.memory_space<hbm>> -> memref<64xi32, #tpu.memory_space<hbm>>
      %dma_start3A_8 = tpu.memref_slice %arg3[%mul3A_2] : memref<2048xi32, #tpu.memory_space<hbm>> -> memref<64xi32, #tpu.memory_space<hbm>>
      tpu.enqueue_dma source(%dma_start3A_8 : memref<64xi32, #tpu.memory_space<hbm>>) target(%arg9 : memref<64xi32, #tpu.memory_space<vmem>>) target_semaphore(%run_scoped3A : memref<!tpu.dma_semaphore, #tpu.memory_space<semaphore_mem>>)
      %dma_wait3A = tpu.memref_slice %arg3[%mul3A_2] : memref<2048xi32, #tpu.memory_space<hbm>> -> memref<64xi32, #tpu.memory_space<hbm>>
      %dma_wait3A_9 = tpu.memref_slice %arg3[%mul3A_2] : memref<2048xi32, #tpu.memory_space<hbm>> -> memref<64xi32, #tpu.memory_space<hbm>>
      tpu.wait_dma2 semaphore(%run_scoped3A : memref<!tpu.dma_semaphore, #tpu.memory_space<semaphore_mem>>) src(%dma_wait3A_9 : memref<64xi32, #tpu.memory_space<hbm>>) dst(%arg9 : memref<64xi32, #tpu.memory_space<vmem>>)
      tpu.yield
    }) : () -> ()
    "tpu.region"() ({
      %run_scoped3A = tpu.sem_alloc : memref<!tpu.dma_semaphore, #tpu.memory_space<semaphore_mem>>
      %dma_start3A = tpu.memref_slice %arg4[%mul3A_2] : memref<2048xi32, #tpu.memory_space<hbm>> -> memref<64xi32, #tpu.memory_space<hbm>>
      %dma_start3A_8 = tpu.memref_slice %arg4[%mul3A_2] : memref<2048xi32, #tpu.memory_space<hbm>> -> memref<64xi32, #tpu.memory_space<hbm>>
      tpu.enqueue_dma source(%dma_start3A_8 : memref<64xi32, #tpu.memory_space<hbm>>) target(%arg10 : memref<64xi32, #tpu.memory_space<vmem>>) target_semaphore(%run_scoped3A : memref<!tpu.dma_semaphore, #tpu.memory_space<semaphore_mem>>)
      %dma_wait3A = tpu.memref_slice %arg4[%mul3A_2] : memref<2048xi32, #tpu.memory_space<hbm>> -> memref<64xi32, #tpu.memory_space<hbm>>
      %dma_wait3A_9 = tpu.memref_slice %arg4[%mul3A_2] : memref<2048xi32, #tpu.memory_space<hbm>> -> memref<64xi32, #tpu.memory_space<hbm>>
      tpu.wait_dma2 semaphore(%run_scoped3A : memref<!tpu.dma_semaphore, #tpu.memory_space<semaphore_mem>>) src(%dma_wait3A_9 : memref<64xi32, #tpu.memory_space<hbm>>) dst(%arg10 : memref<64xi32, #tpu.memory_space<vmem>>)
      tpu.yield
    }) : () -> ()
    "tpu.region"() ({
      %run_scoped3A = tpu.sem_alloc : memref<!tpu.dma_semaphore, #tpu.memory_space<semaphore_mem>>
      %dma_start3A = arith.constant 0 : i32
      %dma_start3A_8 = tpu.memref_slice %arg6[%mul3A_2, %dma_start3A] : memref<2048x16xf32, #tpu.memory_space<hbm>> -> memref<64x16xf32, #tpu.memory_space<hbm>>
      %dma_start3A_9 = arith.constant 0 : i32
      %dma_start3A_10 = tpu.memref_slice %arg6[%mul3A_2, %dma_start3A_9] : memref<2048x16xf32, #tpu.memory_space<hbm>> -> memref<64x16xf32, #tpu.memory_space<hbm>>
      tpu.enqueue_dma source(%dma_start3A_10 : memref<64x16xf32, #tpu.memory_space<hbm>>) target(%arg11 : memref<64x16xf32, #tpu.memory_space<vmem>>) target_semaphore(%run_scoped3A : memref<!tpu.dma_semaphore, #tpu.memory_space<semaphore_mem>>)
      %dma_wait3A = arith.constant 0 : i32
      %dma_wait3A_11 = tpu.memref_slice %arg6[%mul3A_2, %dma_wait3A] : memref<2048x16xf32, #tpu.memory_space<hbm>> -> memref<64x16xf32, #tpu.memory_space<hbm>>
      %dma_wait3A_12 = arith.constant 0 : i32
      %dma_wait3A_13 = tpu.memref_slice %arg6[%mul3A_2, %dma_wait3A_12] : memref<2048x16xf32, #tpu.memory_space<hbm>> -> memref<64x16xf32, #tpu.memory_space<hbm>>
      tpu.wait_dma2 semaphore(%run_scoped3A : memref<!tpu.dma_semaphore, #tpu.memory_space<semaphore_mem>>) src(%dma_wait3A_13 : memref<64x16xf32, #tpu.memory_space<hbm>>) dst(%arg11 : memref<64x16xf32, #tpu.memory_space<vmem>>)
      tpu.yield
    }) : () -> ()
    "tpu.region"() ({
      %run_scoped3A = tpu.sem_alloc : memref<!tpu.dma_semaphore, #tpu.memory_space<semaphore_mem>>
      %dma_start3A = arith.constant 0 : i32
      %dma_start3A_8 = tpu.memref_slice %arg7[%mul3A_2, %dma_start3A] : memref<2048x16xf32, #tpu.memory_space<hbm>> -> memref<64x16xf32, #tpu.memory_space<hbm>>
      %dma_start3A_9 = arith.constant 0 : i32
      %dma_start3A_10 = tpu.memref_slice %arg7[%mul3A_2, %dma_start3A_9] : memref<2048x16xf32, #tpu.memory_space<hbm>> -> memref<64x16xf32, #tpu.memory_space<hbm>>
      tpu.enqueue_dma source(%dma_start3A_10 : memref<64x16xf32, #tpu.memory_space<hbm>>) target(%arg12 : memref<64x16xf32, #tpu.memory_space<vmem>>) target_semaphore(%run_scoped3A : memref<!tpu.dma_semaphore, #tpu.memory_space<semaphore_mem>>)
      %dma_wait3A = arith.constant 0 : i32
      %dma_wait3A_11 = tpu.memref_slice %arg7[%mul3A_2, %dma_wait3A] : memref<2048x16xf32, #tpu.memory_space<hbm>> -> memref<64x16xf32, #tpu.memory_space<hbm>>
      %dma_wait3A_12 = arith.constant 0 : i32
      %dma_wait3A_13 = tpu.memref_slice %arg7[%mul3A_2, %dma_wait3A_12] : memref<2048x16xf32, #tpu.memory_space<hbm>> -> memref<64x16xf32, #tpu.memory_space<hbm>>
      tpu.wait_dma2 semaphore(%run_scoped3A : memref<!tpu.dma_semaphore, #tpu.memory_space<semaphore_mem>>) src(%dma_wait3A_13 : memref<64x16xf32, #tpu.memory_space<hbm>>) dst(%arg12 : memref<64x16xf32, #tpu.memory_space<vmem>>)
      tpu.yield
    }) : () -> ()
    %scan3A = arith.constant 0 : i32
    %scan3A_3 = arith.constant 0 : i32
    %scan3A_4 = arith.constant 4 : i32
    %scan3A_5 = arith.addi %scan3A_3, %scan3A_4 : i32
    %scan3A_6 = arith.constant 1 : i32
    scf.for %scan3A_8 = %scan3A_3 to %scan3A_5 step %scan3A_6  : i32 {
      %mul3A_9 = arith.constant 2 : i32
      %mul3A_10 = arith.muli %scan3A_8, %mul3A_9 : i32
      %add3A_11 = arith.constant 1 : i32
      %add3A_12 = arith.addi %mul3A_10, %add3A_11 : i32
      %mul3A_13 = arith.constant 8 : i32
      %mul3A_14 = arith.muli %mul3A_10, %mul3A_13 : i32
      %add3A_15 = arith.addi %mul3A_2, %mul3A_14 : i32
      %mul3A_16 = arith.constant 8 : i32
      %mul3A_17 = arith.muli %add3A_12, %mul3A_16 : i32
      %add3A_18 = arith.addi %mul3A_2, %mul3A_17 : i32
      %mul3A_19 = arith.constant 8 : i32
      %mul3A_20 = arith.muli %mul3A_10, %mul3A_19 : i32
      %dma_start3A = tpu.memref_slice %arg9[%mul3A_20] : memref<64xi32, #tpu.memory_space<vmem>> -> memref<8xi32, #tpu.memory_space<vmem>>
      %dma_start3A_21 = arith.constant 0 : i32
      %dma_start3A_22 = arith.constant 0 : i32
      %dma_start3A_23 = tpu.memref_slice %arg2[%dma_start3A_21, %dma_start3A_22] : memref<9984x2048xf32, #tpu.memory_space<hbm>> -> memref<9984x2048xf32, #tpu.memory_space<hbm>>
      tpu.enqueue_indirect_dma source(%dma_start3A_23 : memref<9984x2048xf32, #tpu.memory_space<hbm>>) target(%arg13 : memref<8x2048xf32, #tpu.memory_space<vmem>>) offsets(%dma_start3A : memref<8xi32, #tpu.memory_space<vmem>>) semaphore(%arg19 : memref<!tpu.dma_semaphore, #tpu.memory_space<semaphore_mem>>)
      %mul3A_24 = arith.constant 8 : i32
      %mul3A_25 = arith.muli %mul3A_10, %mul3A_24 : i32
      %dma_start3A_26 = tpu.memref_slice %arg10[%mul3A_25] : memref<64xi32, #tpu.memory_space<vmem>> -> memref<8xi32, #tpu.memory_space<vmem>>
      %dma_start3A_27 = arith.constant 0 : i32
      %dma_start3A_28 = arith.constant 0 : i32
      %dma_start3A_29 = tpu.memref_slice %arg2[%dma_start3A_27, %dma_start3A_28] : memref<9984x2048xf32, #tpu.memory_space<hbm>> -> memref<9984x2048xf32, #tpu.memory_space<hbm>>
      tpu.enqueue_indirect_dma source(%dma_start3A_29 : memref<9984x2048xf32, #tpu.memory_space<hbm>>) target(%arg14 : memref<8x2048xf32, #tpu.memory_space<vmem>>) offsets(%dma_start3A_26 : memref<8xi32, #tpu.memory_space<vmem>>) semaphore(%arg20 : memref<!tpu.dma_semaphore, #tpu.memory_space<semaphore_mem>>)
      %dma_start3A_30 = arith.constant 0 : i32
      %dma_start3A_31 = tpu.memref_slice %arg5[%add3A_15, %dma_start3A_30] : memref<2048x2048xf32, #tpu.memory_space<hbm>> -> memref<8x2048xf32, #tpu.memory_space<hbm>>
      %dma_start3A_32 = arith.constant 0 : i32
      %dma_start3A_33 = tpu.memref_slice %arg5[%add3A_15, %dma_start3A_32] : memref<2048x2048xf32, #tpu.memory_space<hbm>> -> memref<8x2048xf32, #tpu.memory_space<hbm>>
      tpu.enqueue_dma source(%dma_start3A_33 : memref<8x2048xf32, #tpu.memory_space<hbm>>) target(%arg15 : memref<8x2048xf32, #tpu.memory_space<vmem>>) target_semaphore(%arg21 : memref<!tpu.dma_semaphore, #tpu.memory_space<semaphore_mem>>)
      %mul3A_34 = arith.constant 8 : i32
      %mul3A_35 = arith.muli %add3A_12, %mul3A_34 : i32
      %dma_start3A_36 = tpu.memref_slice %arg9[%mul3A_35] : memref<64xi32, #tpu.memory_space<vmem>> -> memref<8xi32, #tpu.memory_space<vmem>>
      %dma_start3A_37 = arith.constant 0 : i32
      %dma_start3A_38 = arith.constant 0 : i32
      %dma_start3A_39 = tpu.memref_slice %arg2[%dma_start3A_37, %dma_start3A_38] : memref<9984x2048xf32, #tpu.memory_space<hbm>> -> memref<9984x2048xf32, #tpu.memory_space<hbm>>
      tpu.enqueue_indirect_dma source(%dma_start3A_39 : memref<9984x2048xf32, #tpu.memory_space<hbm>>) target(%arg16 : memref<8x2048xf32, #tpu.memory_space<vmem>>) offsets(%dma_start3A_36 : memref<8xi32, #tpu.memory_space<vmem>>) semaphore(%arg22 : memref<!tpu.dma_semaphore, #tpu.memory_space<semaphore_mem>>)
      %mul3A_40 = arith.constant 8 : i32
      %mul3A_41 = arith.muli %add3A_12, %mul3A_40 : i32
      %dma_start3A_42 = tpu.memref_slice %arg10[%mul3A_41] : memref<64xi32, #tpu.memory_space<vmem>> -> memref<8xi32, #tpu.memory_space<vmem>>
      %dma_start3A_43 = arith.constant 0 : i32
      %dma_start3A_44 = arith.constant 0 : i32
      %dma_start3A_45 = tpu.memref_slice %arg2[%dma_start3A_43, %dma_start3A_44] : memref<9984x2048xf32, #tpu.memory_space<hbm>> -> memref<9984x2048xf32, #tpu.memory_space<hbm>>
      tpu.enqueue_indirect_dma source(%dma_start3A_45 : memref<9984x2048xf32, #tpu.memory_space<hbm>>) target(%arg17 : memref<8x2048xf32, #tpu.memory_space<vmem>>) offsets(%dma_start3A_42 : memref<8xi32, #tpu.memory_space<vmem>>) semaphore(%arg23 : memref<!tpu.dma_semaphore, #tpu.memory_space<semaphore_mem>>)
      %dma_start3A_46 = arith.constant 0 : i32
      %dma_start3A_47 = tpu.memref_slice %arg5[%add3A_18, %dma_start3A_46] : memref<2048x2048xf32, #tpu.memory_space<hbm>> -> memref<8x2048xf32, #tpu.memory_space<hbm>>
      %dma_start3A_48 = arith.constant 0 : i32
      %dma_start3A_49 = tpu.memref_slice %arg5[%add3A_18, %dma_start3A_48] : memref<2048x2048xf32, #tpu.memory_space<hbm>> -> memref<8x2048xf32, #tpu.memory_space<hbm>>
      tpu.enqueue_dma source(%dma_start3A_49 : memref<8x2048xf32, #tpu.memory_space<hbm>>) target(%arg18 : memref<8x2048xf32, #tpu.memory_space<vmem>>) target_semaphore(%arg24 : memref<!tpu.dma_semaphore, #tpu.memory_space<semaphore_mem>>)
      %dma_wait3A = tpu.memref_slice %arg9[%mul3A_20] : memref<64xi32, #tpu.memory_space<vmem>> -> memref<8xi32, #tpu.memory_space<vmem>>
      %dma_wait3A_50 = arith.constant 0 : i32
      %dma_wait3A_51 = arith.constant 0 : i32
      %dma_wait3A_52 = tpu.memref_slice %arg2[%dma_wait3A_50, %dma_wait3A_51] : memref<9984x2048xf32, #tpu.memory_space<hbm>> -> memref<9984x2048xf32, #tpu.memory_space<hbm>>
      tpu.wait_indirect_dma semaphore(%arg19 : memref<!tpu.dma_semaphore, #tpu.memory_space<semaphore_mem>>) src(%dma_wait3A_52 : memref<9984x2048xf32, #tpu.memory_space<hbm>>) dst(%arg13 : memref<8x2048xf32, #tpu.memory_space<vmem>>)
      %dma_wait3A_53 = tpu.memref_slice %arg10[%mul3A_25] : memref<64xi32, #tpu.memory_space<vmem>> -> memref<8xi32, #tpu.memory_space<vmem>>
      %dma_wait3A_54 = arith.constant 0 : i32
      %dma_wait3A_55 = arith.constant 0 : i32
      %dma_wait3A_56 = tpu.memref_slice %arg2[%dma_wait3A_54, %dma_wait3A_55] : memref<9984x2048xf32, #tpu.memory_space<hbm>> -> memref<9984x2048xf32, #tpu.memory_space<hbm>>
      tpu.wait_indirect_dma semaphore(%arg20 : memref<!tpu.dma_semaphore, #tpu.memory_space<semaphore_mem>>) src(%dma_wait3A_56 : memref<9984x2048xf32, #tpu.memory_space<hbm>>) dst(%arg14 : memref<8x2048xf32, #tpu.memory_space<vmem>>)
      %dma_wait3A_57 = arith.constant 0 : i32
      %dma_wait3A_58 = tpu.memref_slice %arg5[%add3A_15, %dma_wait3A_57] : memref<2048x2048xf32, #tpu.memory_space<hbm>> -> memref<8x2048xf32, #tpu.memory_space<hbm>>
      %dma_wait3A_59 = arith.constant 0 : i32
      %dma_wait3A_60 = tpu.memref_slice %arg5[%add3A_15, %dma_wait3A_59] : memref<2048x2048xf32, #tpu.memory_space<hbm>> -> memref<8x2048xf32, #tpu.memory_space<hbm>>
      tpu.wait_dma2 semaphore(%arg21 : memref<!tpu.dma_semaphore, #tpu.memory_space<semaphore_mem>>) src(%dma_wait3A_60 : memref<8x2048xf32, #tpu.memory_space<hbm>>) dst(%arg15 : memref<8x2048xf32, #tpu.memory_space<vmem>>)
      %mul3A_61 = arith.constant 8 : i32
      %mul3A_62 = arith.muli %mul3A_10, %mul3A_61 : i32
      %add3A_63 = arith.constant 0 : i32
      %add3A_64 = arith.addi %mul3A_62, %add3A_63 : i32
      %get3A = arith.index_cast %add3A_64 : i32 to index
      %get3A_65 = arith.constant 0 : index
      %get3A_66 = tpu.vector_load %arg11[%get3A, %get3A_65] {strides = array<i32>} : memref<64x16xf32, #tpu.memory_space<vmem>>, vector<1x16xf32>,
      %get3A_67 = vector.shape_cast %get3A_66 : vector<1x16xf32> to vector<16xf32>
      %mul3A_68 = arith.constant 8 : i32
      %mul3A_69 = arith.muli %mul3A_10, %mul3A_68 : i32
      %add3A_70 = arith.constant 1 : i32
      %add3A_71 = arith.addi %mul3A_69, %add3A_70 : i32
      %get3A_72 = arith.index_cast %add3A_71 : i32 to index
      %get3A_73 = arith.constant 0 : index
      %get3A_74 = tpu.vector_load %arg11[%get3A_72, %get3A_73] {strides = array<i32>} : memref<64x16xf32, #tpu.memory_space<vmem>>, vector<1x16xf32>,
      %get3A_75 = vector.shape_cast %get3A_74 : vector<1x16xf32> to vector<16xf32>
      %mul3A_76 = arith.constant 8 : i32
      %mul3A_77 = arith.muli %mul3A_10, %mul3A_76 : i32
      %add3A_78 = arith.constant 2 : i32
      %add3A_79 = arith.addi %mul3A_77, %add3A_78 : i32
      %get3A_80 = arith.index_cast %add3A_79 : i32 to index
      %get3A_81 = arith.constant 0 : index
      %get3A_82 = tpu.vector_load %arg11[%get3A_80, %get3A_81] {strides = array<i32>} : memref<64x16xf32, #tpu.memory_space<vmem>>, vector<1x16xf32>,
      %get3A_83 = vector.shape_cast %get3A_82 : vector<1x16xf32> to vector<16xf32>
      %mul3A_84 = arith.constant 8 : i32
      %mul3A_85 = arith.muli %mul3A_10, %mul3A_84 : i32
      %add3A_86 = arith.constant 3 : i32
      %add3A_87 = arith.addi %mul3A_85, %add3A_86 : i32
      %get3A_88 = arith.index_cast %add3A_87 : i32 to index
      %get3A_89 = arith.constant 0 : index
      %get3A_90 = tpu.vector_load %arg11[%get3A_88, %get3A_89] {strides = array<i32>} : memref<64x16xf32, #tpu.memory_space<vmem>>, vector<1x16xf32>,
      %get3A_91 = vector.shape_cast %get3A_90 : vector<1x16xf32> to vector<16xf32>
      %mul3A_92 = arith.constant 8 : i32
      %mul3A_93 = arith.muli %mul3A_10, %mul3A_92 : i32
      %add3A_94 = arith.constant 4 : i32
      %add3A_95 = arith.addi %mul3A_93, %add3A_94 : i32
      %get3A_96 = arith.index_cast %add3A_95 : i32 to index
      %get3A_97 = arith.constant 0 : index
      %get3A_98 = tpu.vector_load %arg11[%get3A_96, %get3A_97] {strides = array<i32>} : memref<64x16xf32, #tpu.memory_space<vmem>>, vector<1x16xf32>,
      %get3A_99 = vector.shape_cast %get3A_98 : vector<1x16xf32> to vector<16xf32>
      %mul3A_100 = arith.constant 8 : i32
      %mul3A_101 = arith.muli %mul3A_10, %mul3A_100 : i32
      %add3A_102 = arith.constant 5 : i32
      %add3A_103 = arith.addi %mul3A_101, %add3A_102 : i32
      %get3A_104 = arith.index_cast %add3A_103 : i32 to index
      %get3A_105 = arith.constant 0 : index
      %get3A_106 = tpu.vector_load %arg11[%get3A_104, %get3A_105] {strides = array<i32>} : memref<64x16xf32, #tpu.memory_space<vmem>>, vector<1x16xf32>,
      %get3A_107 = vector.shape_cast %get3A_106 : vector<1x16xf32> to vector<16xf32>
      %mul3A_108 = arith.constant 8 : i32
      %mul3A_109 = arith.muli %mul3A_10, %mul3A_108 : i32
      %add3A_110 = arith.constant 6 : i32
      %add3A_111 = arith.addi %mul3A_109, %add3A_110 : i32
      %get3A_112 = arith.index_cast %add3A_111 : i32 to index
      %get3A_113 = arith.constant 0 : index
      %get3A_114 = tpu.vector_load %arg11[%get3A_112, %get3A_113] {strides = array<i32>} : memref<64x16xf32, #tpu.memory_space<vmem>>, vector<1x16xf32>,
      %get3A_115 = vector.shape_cast %get3A_114 : vector<1x16xf32> to vector<16xf32>
      %mul3A_116 = arith.constant 8 : i32
      %mul3A_117 = arith.muli %mul3A_10, %mul3A_116 : i32
      %add3A_118 = arith.constant 7 : i32
      %add3A_119 = arith.addi %mul3A_117, %add3A_118 : i32
      %get3A_120 = arith.index_cast %add3A_119 : i32 to index
      %get3A_121 = arith.constant 0 : index
      %get3A_122 = tpu.vector_load %arg11[%get3A_120, %get3A_121] {strides = array<i32>} : memref<64x16xf32, #tpu.memory_space<vmem>>, vector<1x16xf32>,
      %get3A_123 = vector.shape_cast %get3A_122 : vector<1x16xf32> to vector<16xf32>
      %mul3A_124 = arith.constant 8 : i32
      %mul3A_125 = arith.muli %mul3A_10, %mul3A_124 : i32
      %add3A_126 = arith.constant 0 : i32
      %add3A_127 = arith.addi %mul3A_125, %add3A_126 : i32
      %get3A_128 = arith.index_cast %add3A_127 : i32 to index
      %get3A_129 = arith.constant 0 : index
      %get3A_130 = tpu.vector_load %arg12[%get3A_128, %get3A_129] {strides = array<i32>} : memref<64x16xf32, #tpu.memory_space<vmem>>, vector<1x16xf32>,
      %get3A_131 = vector.shape_cast %get3A_130 : vector<1x16xf32> to vector<16xf32>
      %mul3A_132 = arith.constant 8 : i32
      %mul3A_133 = arith.muli %mul3A_10, %mul3A_132 : i32
      %add3A_134 = arith.constant 1 : i32
      %add3A_135 = arith.addi %mul3A_133, %add3A_134 : i32
      %get3A_136 = arith.index_cast %add3A_135 : i32 to index
      %get3A_137 = arith.constant 0 : index
      %get3A_138 = tpu.vector_load %arg12[%get3A_136, %get3A_137] {strides = array<i32>} : memref<64x16xf32, #tpu.memory_space<vmem>>, vector<1x16xf32>,
      %get3A_139 = vector.shape_cast %get3A_138 : vector<1x16xf32> to vector<16xf32>
      %mul3A_140 = arith.constant 8 : i32
      %mul3A_141 = arith.muli %mul3A_10, %mul3A_140 : i32
      %add3A_142 = arith.constant 2 : i32
      %add3A_143 = arith.addi %mul3A_141, %add3A_142 : i32
      %get3A_144 = arith.index_cast %add3A_143 : i32 to index
      %get3A_145 = arith.constant 0 : index
      %get3A_146 = tpu.vector_load %arg12[%get3A_144, %get3A_145] {strides = array<i32>} : memref<64x16xf32, #tpu.memory_space<vmem>>, vector<1x16xf32>,
      %get3A_147 = vector.shape_cast %get3A_146 : vector<1x16xf32> to vector<16xf32>
      %mul3A_148 = arith.constant 8 : i32
      %mul3A_149 = arith.muli %mul3A_10, %mul3A_148 : i32
      %add3A_150 = arith.constant 3 : i32
      %add3A_151 = arith.addi %mul3A_149, %add3A_150 : i32
      %get3A_152 = arith.index_cast %add3A_151 : i32 to index
      %get3A_153 = arith.constant 0 : index
      %get3A_154 = tpu.vector_load %arg12[%get3A_152, %get3A_153] {strides = array<i32>} : memref<64x16xf32, #tpu.memory_space<vmem>>, vector<1x16xf32>,
      %get3A_155 = vector.shape_cast %get3A_154 : vector<1x16xf32> to vector<16xf32>
      %mul3A_156 = arith.constant 8 : i32
      %mul3A_157 = arith.muli %mul3A_10, %mul3A_156 : i32
      %add3A_158 = arith.constant 4 : i32
      %add3A_159 = arith.addi %mul3A_157, %add3A_158 : i32
      %get3A_160 = arith.index_cast %add3A_159 : i32 to index
      %get3A_161 = arith.constant 0 : index
      %get3A_162 = tpu.vector_load %arg12[%get3A_160, %get3A_161] {strides = array<i32>} : memref<64x16xf32, #tpu.memory_space<vmem>>, vector<1x16xf32>,
      %get3A_163 = vector.shape_cast %get3A_162 : vector<1x16xf32> to vector<16xf32>
      %mul3A_164 = arith.constant 8 : i32
      %mul3A_165 = arith.muli %mul3A_10, %mul3A_164 : i32
      %add3A_166 = arith.constant 5 : i32
      %add3A_167 = arith.addi %mul3A_165, %add3A_166 : i32
      %get3A_168 = arith.index_cast %add3A_167 : i32 to index
      %get3A_169 = arith.constant 0 : index
      %get3A_170 = tpu.vector_load %arg12[%get3A_168, %get3A_169] {strides = array<i32>} : memref<64x16xf32, #tpu.memory_space<vmem>>, vector<1x16xf32>,
      %get3A_171 = vector.shape_cast %get3A_170 : vector<1x16xf32> to vector<16xf32>
      %mul3A_172 = arith.constant 8 : i32
      %mul3A_173 = arith.muli %mul3A_10, %mul3A_172 : i32
      %add3A_174 = arith.constant 6 : i32
      %add3A_175 = arith.addi %mul3A_173, %add3A_174 : i32
      %get3A_176 = arith.index_cast %add3A_175 : i32 to index
      %get3A_177 = arith.constant 0 : index
      %get3A_178 = tpu.vector_load %arg12[%get3A_176, %get3A_177] {strides = array<i32>} : memref<64x16xf32, #tpu.memory_space<vmem>>, vector<1x16xf32>,
      %get3A_179 = vector.shape_cast %get3A_178 : vector<1x16xf32> to vector<16xf32>
      %mul3A_180 = arith.constant 8 : i32
      %mul3A_181 = arith.muli %mul3A_10, %mul3A_180 : i32
      %add3A_182 = arith.constant 7 : i32
      %add3A_183 = arith.addi %mul3A_181, %add3A_182 : i32
      %get3A_184 = arith.index_cast %add3A_183 : i32 to index
      %get3A_185 = arith.constant 0 : index
      %get3A_186 = tpu.vector_load %arg12[%get3A_184, %get3A_185] {strides = array<i32>} : memref<64x16xf32, #tpu.memory_space<vmem>>, vector<1x16xf32>,
      %get3A_187 = vector.shape_cast %get3A_186 : vector<1x16xf32> to vector<16xf32>
      %scan3A_188 = arith.constant 0 : i32
      %scan3A_189 = arith.constant 0 : i32
      %scan3A_190 = arith.constant 128 : i32
      %scan3A_191 = arith.addi %scan3A_189, %scan3A_190 : i32
      %scan3A_192 = arith.constant 1 : i32
      scf.for %scan3A_356 = %scan3A_189 to %scan3A_191 step %scan3A_192  : i32 {
        %mul3A_357 = arith.constant 16 : i32
        %mul3A_358 = arith.muli %scan3A_356, %mul3A_357 : i32
        %get3A_359 = arith.constant 0 : i32
        %get3A_360 = arith.index_cast %get3A_359 : i32 to index
        %get3A_361 = arith.index_cast %mul3A_358 : i32 to index
        %get3A_362 = tpu.vector_load %arg15[%get3A_360, %get3A_361] {strides = array<i32>} : memref<8x2048xf32, #tpu.memory_space<vmem>>, vector<1x16xf32>,
        %get3A_363 = vector.shape_cast %get3A_362 : vector<1x16xf32> to vector<16xf32>
        %get3A_364 = arith.constant 0 : i32
        %get3A_365 = arith.index_cast %get3A_364 : i32 to index
        %get3A_366 = arith.index_cast %mul3A_358 : i32 to index
        %get3A_367 = tpu.vector_load %arg13[%get3A_365, %get3A_366] {strides = array<i32>} : memref<8x2048xf32, #tpu.memory_space<vmem>>, vector<1x16xf32>,
        %get3A_368 = vector.shape_cast %get3A_367 : vector<1x16xf32> to vector<16xf32>
        %mul3A_369 = arith.mulf %get3A_67, %get3A_368 : vector<16xf32>
        %add3A_370 = arith.addf %get3A_363, %mul3A_369 : vector<16xf32>
        %get3A_371 = arith.constant 0 : i32
        %get3A_372 = arith.index_cast %get3A_371 : i32 to index
        %get3A_373 = arith.index_cast %mul3A_358 : i32 to index
        %get3A_374 = tpu.vector_load %arg14[%get3A_372, %get3A_373] {strides = array<i32>} : memref<8x2048xf32, #tpu.memory_space<vmem>>, vector<1x16xf32>,
        %get3A_375 = vector.shape_cast %get3A_374 : vector<1x16xf32> to vector<16xf32>
        %mul3A_376 = arith.mulf %get3A_131, %get3A_375 : vector<16xf32>
        %add3A_377 = arith.addf %add3A_370, %mul3A_376 : vector<16xf32>
        %swap3A = arith.constant 0 : i32
        %swap3A_378 = arith.index_cast %swap3A : i32 to index
        %swap3A_379 = arith.index_cast %mul3A_358 : i32 to index
        %swap3A_380 = tpu.vector_load %arg15[%swap3A_378, %swap3A_379] {strides = array<i32>} : memref<8x2048xf32, #tpu.memory_space<vmem>>, vector<1x16xf32>,
        %swap3A_381 = vector.shape_cast %swap3A_380 : vector<1x16xf32> to vector<16xf32>
        %swap3A_382 = vector.shape_cast %add3A_377 : vector<16xf32> to vector<1x16xf32>
        tpu.vector_store %arg15[%swap3A_378, %swap3A_379], %swap3A_382 {strides = array<i32>} : memref<8x2048xf32, #tpu.memory_space<vmem>>, vector<1x16xf32>,
        %get3A_383 = arith.constant 1 : i32
        %get3A_384 = arith.index_cast %get3A_383 : i32 to index
        %get3A_385 = arith.index_cast %mul3A_358 : i32 to index
        %get3A_386 = tpu.vector_load %arg15[%get3A_384, %get3A_385] {strides = array<i32>} : memref<8x2048xf32, #tpu.memory_space<vmem>>, vector<1x16xf32>,
        %get3A_387 = vector.shape_cast %get3A_386 : vector<1x16xf32> to vector<16xf32>
        %get3A_388 = arith.constant 1 : i32
        %get3A_389 = arith.index_cast %get3A_388 : i32 to index
        %get3A_390 = arith.index_cast %mul3A_358 : i32 to index
        %get3A_391 = tpu.vector_load %arg13[%get3A_389, %get3A_390] {strides = array<i32>} : memref<8x2048xf32, #tpu.memory_space<vmem>>, vector<1x16xf32>,
        %get3A_392 = vector.shape_cast %get3A_391 : vector<1x16xf32> to vector<16xf32>
        %mul3A_393 = arith.mulf %get3A_75, %get3A_392 : vector<16xf32>
        %add3A_394 = arith.addf %get3A_387, %mul3A_393 : vector<16xf32>
        %get3A_395 = arith.constant 1 : i32
        %get3A_396 = arith.index_cast %get3A_395 : i32 to index
        %get3A_397 = arith.index_cast %mul3A_358 : i32 to index
        %get3A_398 = tpu.vector_load %arg14[%get3A_396, %get3A_397] {strides = array<i32>} : memref<8x2048xf32, #tpu.memory_space<vmem>>, vector<1x16xf32>,
        %get3A_399 = vector.shape_cast %get3A_398 : vector<1x16xf32> to vector<16xf32>
        %mul3A_400 = arith.mulf %get3A_139, %get3A_399 : vector<16xf32>
        %add3A_401 = arith.addf %add3A_394, %mul3A_400 : vector<16xf32>
        %swap3A_402 = arith.constant 1 : i32
        %swap3A_403 = arith.index_cast %swap3A_402 : i32 to index
        %swap3A_404 = arith.index_cast %mul3A_358 : i32 to index
        %swap3A_405 = tpu.vector_load %arg15[%swap3A_403, %swap3A_404] {strides = array<i32>} : memref<8x2048xf32, #tpu.memory_space<vmem>>, vector<1x16xf32>,
        %swap3A_406 = vector.shape_cast %swap3A_405 : vector<1x16xf32> to vector<16xf32>
        %swap3A_407 = vector.shape_cast %add3A_401 : vector<16xf32> to vector<1x16xf32>
        tpu.vector_store %arg15[%swap3A_403, %swap3A_404], %swap3A_407 {strides = array<i32>} : memref<8x2048xf32, #tpu.memory_space<vmem>>, vector<1x16xf32>,
        %get3A_408 = arith.constant 2 : i32
        %get3A_409 = arith.index_cast %get3A_408 : i32 to index
        %get3A_410 = arith.index_cast %mul3A_358 : i32 to index
        %get3A_411 = tpu.vector_load %arg15[%get3A_409, %get3A_410] {strides = array<i32>} : memref<8x2048xf32, #tpu.memory_space<vmem>>, vector<1x16xf32>,
        %get3A_412 = vector.shape_cast %get3A_411 : vector<1x16xf32> to vector<16xf32>
        %get3A_413 = arith.constant 2 : i32
        %get3A_414 = arith.index_cast %get3A_413 : i32 to index
        %get3A_415 = arith.index_cast %mul3A_358 : i32 to index
        %get3A_416 = tpu.vector_load %arg13[%get3A_414, %get3A_415] {strides = array<i32>} : memref<8x2048xf32, #tpu.memory_space<vmem>>, vector<1x16xf32>,
        %get3A_417 = vector.shape_cast %get3A_416 : vector<1x16xf32> to vector<16xf32>
        %mul3A_418 = arith.mulf %get3A_83, %get3A_417 : vector<16xf32>
        %add3A_419 = arith.addf %get3A_412, %mul3A_418 : vector<16xf32>
        %get3A_420 = arith.constant 2 : i32
        %get3A_421 = arith.index_cast %get3A_420 : i32 to index
        %get3A_422 = arith.index_cast %mul3A_358 : i32 to index
        %get3A_423 = tpu.vector_load %arg14[%get3A_421, %get3A_422] {strides = array<i32>} : memref<8x2048xf32, #tpu.memory_space<vmem>>, vector<1x16xf32>,
        %get3A_424 = vector.shape_cast %get3A_423 : vector<1x16xf32> to vector<16xf32>
        %mul3A_425 = arith.mulf %get3A_147, %get3A_424 : vector<16xf32>
        %add3A_426 = arith.addf %add3A_419, %mul3A_425 : vector<16xf32>
        %swap3A_427 = arith.constant 2 : i32
        %swap3A_428 = arith.index_cast %swap3A_427 : i32 to index
        %swap3A_429 = arith.index_cast %mul3A_358 : i32 to index
        %swap3A_430 = tpu.vector_load %arg15[%swap3A_428, %swap3A_429] {strides = array<i32>} : memref<8x2048xf32, #tpu.memory_space<vmem>>, vector<1x16xf32>,
        %swap3A_431 = vector.shape_cast %swap3A_430 : vector<1x16xf32> to vector<16xf32>
        %swap3A_432 = vector.shape_cast %add3A_426 : vector<16xf32> to vector<1x16xf32>
        tpu.vector_store %arg15[%swap3A_428, %swap3A_429], %swap3A_432 {strides = array<i32>} : memref<8x2048xf32, #tpu.memory_space<vmem>>, vector<1x16xf32>,
        %get3A_433 = arith.constant 3 : i32
        %get3A_434 = arith.index_cast %get3A_433 : i32 to index
        %get3A_435 = arith.index_cast %mul3A_358 : i32 to index
        %get3A_436 = tpu.vector_load %arg15[%get3A_434, %get3A_435] {strides = array<i32>} : memref<8x2048xf32, #tpu.memory_space<vmem>>, vector<1x16xf32>,
        %get3A_437 = vector.shape_cast %get3A_436 : vector<1x16xf32> to vector<16xf32>
        %get3A_438 = arith.constant 3 : i32
        %get3A_439 = arith.index_cast %get3A_438 : i32 to index
        %get3A_440 = arith.index_cast %mul3A_358 : i32 to index
        %get3A_441 = tpu.vector_load %arg13[%get3A_439, %get3A_440] {strides = array<i32>} : memref<8x2048xf32, #tpu.memory_space<vmem>>, vector<1x16xf32>,
        %get3A_442 = vector.shape_cast %get3A_441 : vector<1x16xf32> to vector<16xf32>
        %mul3A_443 = arith.mulf %get3A_91, %get3A_442 : vector<16xf32>
        %add3A_444 = arith.addf %get3A_437, %mul3A_443 : vector<16xf32>
        %get3A_445 = arith.constant 3 : i32
        %get3A_446 = arith.index_cast %get3A_445 : i32 to index
        %get3A_447 = arith.index_cast %mul3A_358 : i32 to index
        %get3A_448 = tpu.vector_load %arg14[%get3A_446, %get3A_447] {strides = array<i32>} : memref<8x2048xf32, #tpu.memory_space<vmem>>, vector<1x16xf32>,
        %get3A_449 = vector.shape_cast %get3A_448 : vector<1x16xf32> to vector<16xf32>
        %mul3A_450 = arith.mulf %get3A_155, %get3A_449 : vector<16xf32>
        %add3A_451 = arith.addf %add3A_444, %mul3A_450 : vector<16xf32>
        %swap3A_452 = arith.constant 3 : i32
        %swap3A_453 = arith.index_cast %swap3A_452 : i32 to index
        %swap3A_454 = arith.index_cast %mul3A_358 : i32 to index
        %swap3A_455 = tpu.vector_load %arg15[%swap3A_453, %swap3A_454] {strides = array<i32>} : memref<8x2048xf32, #tpu.memory_space<vmem>>, vector<1x16xf32>,
        %swap3A_456 = vector.shape_cast %swap3A_455 : vector<1x16xf32> to vector<16xf32>
        %swap3A_457 = vector.shape_cast %add3A_451 : vector<16xf32> to vector<1x16xf32>
        tpu.vector_store %arg15[%swap3A_453, %swap3A_454], %swap3A_457 {strides = array<i32>} : memref<8x2048xf32, #tpu.memory_space<vmem>>, vector<1x16xf32>,
        %get3A_458 = arith.constant 4 : i32
        %get3A_459 = arith.index_cast %get3A_458 : i32 to index
        %get3A_460 = arith.index_cast %mul3A_358 : i32 to index
        %get3A_461 = tpu.vector_load %arg15[%get3A_459, %get3A_460] {strides = array<i32>} : memref<8x2048xf32, #tpu.memory_space<vmem>>, vector<1x16xf32>,
        %get3A_462 = vector.shape_cast %get3A_461 : vector<1x16xf32> to vector<16xf32>
        %get3A_463 = arith.constant 4 : i32
        %get3A_464 = arith.index_cast %get3A_463 : i32 to index
        %get3A_465 = arith.index_cast %mul3A_358 : i32 to index
        %get3A_466 = tpu.vector_load %arg13[%get3A_464, %get3A_465] {strides = array<i32>} : memref<8x2048xf32, #tpu.memory_space<vmem>>, vector<1x16xf32>,
        %get3A_467 = vector.shape_cast %get3A_466 : vector<1x16xf32> to vector<16xf32>
        %mul3A_468 = arith.mulf %get3A_99, %get3A_467 : vector<16xf32>
        %add3A_469 = arith.addf %get3A_462, %mul3A_468 : vector<16xf32>
        %get3A_470 = arith.constant 4 : i32
        %get3A_471 = arith.index_cast %get3A_470 : i32 to index
        %get3A_472 = arith.index_cast %mul3A_358 : i32 to index
        %get3A_473 = tpu.vector_load %arg14[%get3A_471, %get3A_472] {strides = array<i32>} : memref<8x2048xf32, #tpu.memory_space<vmem>>, vector<1x16xf32>,
        %get3A_474 = vector.shape_cast %get3A_473 : vector<1x16xf32> to vector<16xf32>
        %mul3A_475 = arith.mulf %get3A_163, %get3A_474 : vector<16xf32>
        %add3A_476 = arith.addf %add3A_469, %mul3A_475 : vector<16xf32>
        %swap3A_477 = arith.constant 4 : i32
        %swap3A_478 = arith.index_cast %swap3A_477 : i32 to index
        %swap3A_479 = arith.index_cast %mul3A_358 : i32 to index
        %swap3A_480 = tpu.vector_load %arg15[%swap3A_478, %swap3A_479] {strides = array<i32>} : memref<8x2048xf32, #tpu.memory_space<vmem>>, vector<1x16xf32>,
        %swap3A_481 = vector.shape_cast %swap3A_480 : vector<1x16xf32> to vector<16xf32>
        %swap3A_482 = vector.shape_cast %add3A_476 : vector<16xf32> to vector<1x16xf32>
        tpu.vector_store %arg15[%swap3A_478, %swap3A_479], %swap3A_482 {strides = array<i32>} : memref<8x2048xf32, #tpu.memory_space<vmem>>, vector<1x16xf32>,
        %get3A_483 = arith.constant 5 : i32
        %get3A_484 = arith.index_cast %get3A_483 : i32 to index
        %get3A_485 = arith.index_cast %mul3A_358 : i32 to index
        %get3A_486 = tpu.vector_load %arg15[%get3A_484, %get3A_485] {strides = array<i32>} : memref<8x2048xf32, #tpu.memory_space<vmem>>, vector<1x16xf32>,
        %get3A_487 = vector.shape_cast %get3A_486 : vector<1x16xf32> to vector<16xf32>
        %get3A_488 = arith.constant 5 : i32
        %get3A_489 = arith.index_cast %get3A_488 : i32 to index
        %get3A_490 = arith.index_cast %mul3A_358 : i32 to index
        %get3A_491 = tpu.vector_load %arg13[%get3A_489, %get3A_490] {strides = array<i32>} : memref<8x2048xf32, #tpu.memory_space<vmem>>, vector<1x16xf32>,
        %get3A_492 = vector.shape_cast %get3A_491 : vector<1x16xf32> to vector<16xf32>
        %mul3A_493 = arith.mulf %get3A_107, %get3A_492 : vector<16xf32>
        %add3A_494 = arith.addf %get3A_487, %mul3A_493 : vector<16xf32>
        %get3A_495 = arith.constant 5 : i32
        %get3A_496 = arith.index_cast %get3A_495 : i32 to index
        %get3A_497 = arith.index_cast %mul3A_358 : i32 to index
        %get3A_498 = tpu.vector_load %arg14[%get3A_496, %get3A_497] {strides = array<i32>} : memref<8x2048xf32, #tpu.memory_space<vmem>>, vector<1x16xf32>,
        %get3A_499 = vector.shape_cast %get3A_498 : vector<1x16xf32> to vector<16xf32>
        %mul3A_500 = arith.mulf %get3A_171, %get3A_499 : vector<16xf32>
        %add3A_501 = arith.addf %add3A_494, %mul3A_500 : vector<16xf32>
        %swap3A_502 = arith.constant 5 : i32
        %swap3A_503 = arith.index_cast %swap3A_502 : i32 to index
        %swap3A_504 = arith.index_cast %mul3A_358 : i32 to index
        %swap3A_505 = tpu.vector_load %arg15[%swap3A_503, %swap3A_504] {strides = array<i32>} : memref<8x2048xf32, #tpu.memory_space<vmem>>, vector<1x16xf32>,
        %swap3A_506 = vector.shape_cast %swap3A_505 : vector<1x16xf32> to vector<16xf32>
        %swap3A_507 = vector.shape_cast %add3A_501 : vector<16xf32> to vector<1x16xf32>
        tpu.vector_store %arg15[%swap3A_503, %swap3A_504], %swap3A_507 {strides = array<i32>} : memref<8x2048xf32, #tpu.memory_space<vmem>>, vector<1x16xf32>,
        %get3A_508 = arith.constant 6 : i32
        %get3A_509 = arith.index_cast %get3A_508 : i32 to index
        %get3A_510 = arith.index_cast %mul3A_358 : i32 to index
        %get3A_511 = tpu.vector_load %arg15[%get3A_509, %get3A_510] {strides = array<i32>} : memref<8x2048xf32, #tpu.memory_space<vmem>>, vector<1x16xf32>,
        %get3A_512 = vector.shape_cast %get3A_511 : vector<1x16xf32> to vector<16xf32>
        %get3A_513 = arith.constant 6 : i32
        %get3A_514 = arith.index_cast %get3A_513 : i32 to index
        %get3A_515 = arith.index_cast %mul3A_358 : i32 to index
        %get3A_516 = tpu.vector_load %arg13[%get3A_514, %get3A_515] {strides = array<i32>} : memref<8x2048xf32, #tpu.memory_space<vmem>>, vector<1x16xf32>,
        %get3A_517 = vector.shape_cast %get3A_516 : vector<1x16xf32> to vector<16xf32>
        %mul3A_518 = arith.mulf %get3A_115, %get3A_517 : vector<16xf32>
        %add3A_519 = arith.addf %get3A_512, %mul3A_518 : vector<16xf32>
        %get3A_520 = arith.constant 6 : i32
        %get3A_521 = arith.index_cast %get3A_520 : i32 to index
        %get3A_522 = arith.index_cast %mul3A_358 : i32 to index
        %get3A_523 = tpu.vector_load %arg14[%get3A_521, %get3A_522] {strides = array<i32>} : memref<8x2048xf32, #tpu.memory_space<vmem>>, vector<1x16xf32>,
        %get3A_524 = vector.shape_cast %get3A_523 : vector<1x16xf32> to vector<16xf32>
        %mul3A_525 = arith.mulf %get3A_179, %get3A_524 : vector<16xf32>
        %add3A_526 = arith.addf %add3A_519, %mul3A_525 : vector<16xf32>
        %swap3A_527 = arith.constant 6 : i32
        %swap3A_528 = arith.index_cast %swap3A_527 : i32 to index
        %swap3A_529 = arith.index_cast %mul3A_358 : i32 to index
        %swap3A_530 = tpu.vector_load %arg15[%swap3A_528, %swap3A_529] {strides = array<i32>} : memref<8x2048xf32, #tpu.memory_space<vmem>>, vector<1x16xf32>,
        %swap3A_531 = vector.shape_cast %swap3A_530 : vector<1x16xf32> to vector<16xf32>
        %swap3A_532 = vector.shape_cast %add3A_526 : vector<16xf32> to vector<1x16xf32>
        tpu.vector_store %arg15[%swap3A_528, %swap3A_529], %swap3A_532 {strides = array<i32>} : memref<8x2048xf32, #tpu.memory_space<vmem>>, vector<1x16xf32>,
        %get3A_533 = arith.constant 7 : i32
        %get3A_534 = arith.index_cast %get3A_533 : i32 to index
        %get3A_535 = arith.index_cast %mul3A_358 : i32 to index
        %get3A_536 = tpu.vector_load %arg15[%get3A_534, %get3A_535] {strides = array<i32>} : memref<8x2048xf32, #tpu.memory_space<vmem>>, vector<1x16xf32>,
        %get3A_537 = vector.shape_cast %get3A_536 : vector<1x16xf32> to vector<16xf32>
        %get3A_538 = arith.constant 7 : i32
        %get3A_539 = arith.index_cast %get3A_538 : i32 to index
        %get3A_540 = arith.index_cast %mul3A_358 : i32 to index
        %get3A_541 = tpu.vector_load %arg13[%get3A_539, %get3A_540] {strides = array<i32>} : memref<8x2048xf32, #tpu.memory_space<vmem>>, vector<1x16xf32>,
        %get3A_542 = vector.shape_cast %get3A_541 : vector<1x16xf32> to vector<16xf32>
        %mul3A_543 = arith.mulf %get3A_123, %get3A_542 : vector<16xf32>
        %add3A_544 = arith.addf %get3A_537, %mul3A_543 : vector<16xf32>
        %get3A_545 = arith.constant 7 : i32
        %get3A_546 = arith.index_cast %get3A_545 : i32 to index
        %get3A_547 = arith.index_cast %mul3A_358 : i32 to index
        %get3A_548 = tpu.vector_load %arg14[%get3A_546, %get3A_547] {strides = array<i32>} : memref<8x2048xf32, #tpu.memory_space<vmem>>, vector<1x16xf32>,
        %get3A_549 = vector.shape_cast %get3A_548 : vector<1x16xf32> to vector<16xf32>
        %mul3A_550 = arith.mulf %get3A_187, %get3A_549 : vector<16xf32>
        %add3A_551 = arith.addf %add3A_544, %mul3A_550 : vector<16xf32>
        %swap3A_552 = arith.constant 7 : i32
        %swap3A_553 = arith.index_cast %swap3A_552 : i32 to index
        %swap3A_554 = arith.index_cast %mul3A_358 : i32 to index
        %swap3A_555 = tpu.vector_load %arg15[%swap3A_553, %swap3A_554] {strides = array<i32>} : memref<8x2048xf32, #tpu.memory_space<vmem>>, vector<1x16xf32>,
        %swap3A_556 = vector.shape_cast %swap3A_555 : vector<1x16xf32> to vector<16xf32>
        %swap3A_557 = vector.shape_cast %add3A_551 : vector<16xf32> to vector<1x16xf32>
        tpu.vector_store %arg15[%swap3A_553, %swap3A_554], %swap3A_557 {strides = array<i32>} : memref<8x2048xf32, #tpu.memory_space<vmem>>, vector<1x16xf32>,
      }
      %scan3A_193 = arith.constant 128 : i32
      %dma_start3A_194 = arith.constant 0 : i32
      %dma_start3A_195 = tpu.memref_slice %arg8[%add3A_15, %dma_start3A_194] : memref<2048x2048xf32, #tpu.memory_space<hbm>> -> memref<8x2048xf32, #tpu.memory_space<hbm>>
      %dma_start3A_196 = arith.constant 0 : i32
      %dma_start3A_197 = tpu.memref_slice %arg8[%add3A_15, %dma_start3A_196] : memref<2048x2048xf32, #tpu.memory_space<hbm>> -> memref<8x2048xf32, #tpu.memory_space<hbm>>
      tpu.enqueue_dma source(%arg15 : memref<8x2048xf32, #tpu.memory_space<vmem>>) target(%dma_start3A_197 : memref<8x2048xf32, #tpu.memory_space<hbm>>) target_semaphore(%arg25 : memref<!tpu.dma_semaphore, #tpu.memory_space<semaphore_mem>>)
      %dma_wait3A_198 = tpu.memref_slice %arg9[%mul3A_35] : memref<64xi32, #tpu.memory_space<vmem>> -> memref<8xi32, #tpu.memory_space<vmem>>
      %dma_wait3A_199 = arith.constant 0 : i32
      %dma_wait3A_200 = arith.constant 0 : i32
      %dma_wait3A_201 = tpu.memref_slice %arg2[%dma_wait3A_199, %dma_wait3A_200] : memref<9984x2048xf32, #tpu.memory_space<hbm>> -> memref<9984x2048xf32, #tpu.memory_space<hbm>>
      tpu.wait_indirect_dma semaphore(%arg22 : memref<!tpu.dma_semaphore, #tpu.memory_space<semaphore_mem>>) src(%dma_wait3A_201 : memref<9984x2048xf32, #tpu.memory_space<hbm>>) dst(%arg16 : memref<8x2048xf32, #tpu.memory_space<vmem>>)
      %dma_wait3A_202 = tpu.memref_slice %arg10[%mul3A_41] : memref<64xi32, #tpu.memory_space<vmem>> -> memref<8xi32, #tpu.memory_space<vmem>>
      %dma_wait3A_203 = arith.constant 0 : i32
      %dma_wait3A_204 = arith.constant 0 : i32
      %dma_wait3A_205 = tpu.memref_slice %arg2[%dma_wait3A_203, %dma_wait3A_204] : memref<9984x2048xf32, #tpu.memory_space<hbm>> -> memref<9984x2048xf32, #tpu.memory_space<hbm>>
      tpu.wait_indirect_dma semaphore(%arg23 : memref<!tpu.dma_semaphore, #tpu.memory_space<semaphore_mem>>) src(%dma_wait3A_205 : memref<9984x2048xf32, #tpu.memory_space<hbm>>) dst(%arg17 : memref<8x2048xf32, #tpu.memory_space<vmem>>)
      %dma_wait3A_206 = arith.constant 0 : i32
      %dma_wait3A_207 = tpu.memref_slice %arg5[%add3A_18, %dma_wait3A_206] : memref<2048x2048xf32, #tpu.memory_space<hbm>> -> memref<8x2048xf32, #tpu.memory_space<hbm>>
      %dma_wait3A_208 = arith.constant 0 : i32
      %dma_wait3A_209 = tpu.memref_slice %arg5[%add3A_18, %dma_wait3A_208] : memref<2048x2048xf32, #tpu.memory_space<hbm>> -> memref<8x2048xf32, #tpu.memory_space<hbm>>
      tpu.wait_dma2 semaphore(%arg24 : memref<!tpu.dma_semaphore, #tpu.memory_space<semaphore_mem>>) src(%dma_wait3A_209 : memref<8x2048xf32, #tpu.memory_space<hbm>>) dst(%arg18 : memref<8x2048xf32, #tpu.memory_space<vmem>>)
      %mul3A_210 = arith.constant 8 : i32
      %mul3A_211 = arith.muli %add3A_12, %mul3A_210 : i32
      %add3A_212 = arith.constant 0 : i32
      %add3A_213 = arith.addi %mul3A_211, %add3A_212 : i32
      %get3A_214 = arith.index_cast %add3A_213 : i32 to index
      %get3A_215 = arith.constant 0 : index
      %get3A_216 = tpu.vector_load %arg11[%get3A_214, %get3A_215] {strides = array<i32>} : memref<64x16xf32, #tpu.memory_space<vmem>>, vector<1x16xf32>,
      %get3A_217 = vector.shape_cast %get3A_216 : vector<1x16xf32> to vector<16xf32>
      %mul3A_218 = arith.constant 8 : i32
      %mul3A_219 = arith.muli %add3A_12, %mul3A_218 : i32
      %add3A_220 = arith.constant 1 : i32
      %add3A_221 = arith.addi %mul3A_219, %add3A_220 : i32
      %get3A_222 = arith.index_cast %add3A_221 : i32 to index
      %get3A_223 = arith.constant 0 : index
      %get3A_224 = tpu.vector_load %arg11[%get3A_222, %get3A_223] {strides = array<i32>} : memref<64x16xf32, #tpu.memory_space<vmem>>, vector<1x16xf32>,
      %get3A_225 = vector.shape_cast %get3A_224 : vector<1x16xf32> to vector<16xf32>
      %mul3A_226 = arith.constant 8 : i32
      %mul3A_227 = arith.muli %add3A_12, %mul3A_226 : i32
      %add3A_228 = arith.constant 2 : i32
      %add3A_229 = arith.addi %mul3A_227, %add3A_228 : i32
      %get3A_230 = arith.index_cast %add3A_229 : i32 to index
      %get3A_231 = arith.constant 0 : index
      %get3A_232 = tpu.vector_load %arg11[%get3A_230, %get3A_231] {strides = array<i32>} : memref<64x16xf32, #tpu.memory_space<vmem>>, vector<1x16xf32>,
      %get3A_233 = vector.shape_cast %get3A_232 : vector<1x16xf32> to vector<16xf32>
      %mul3A_234 = arith.constant 8 : i32
      %mul3A_235 = arith.muli %add3A_12, %mul3A_234 : i32
      %add3A_236 = arith.constant 3 : i32
      %add3A_237 = arith.addi %mul3A_235, %add3A_236 : i32
      %get3A_238 = arith.index_cast %add3A_237 : i32 to index
      %get3A_239 = arith.constant 0 : index
      %get3A_240 = tpu.vector_load %arg11[%get3A_238, %get3A_239] {strides = array<i32>} : memref<64x16xf32, #tpu.memory_space<vmem>>, vector<1x16xf32>,
      %get3A_241 = vector.shape_cast %get3A_240 : vector<1x16xf32> to vector<16xf32>
      %mul3A_242 = arith.constant 8 : i32
      %mul3A_243 = arith.muli %add3A_12, %mul3A_242 : i32
      %add3A_244 = arith.constant 4 : i32
      %add3A_245 = arith.addi %mul3A_243, %add3A_244 : i32
      %get3A_246 = arith.index_cast %add3A_245 : i32 to index
      %get3A_247 = arith.constant 0 : index
      %get3A_248 = tpu.vector_load %arg11[%get3A_246, %get3A_247] {strides = array<i32>} : memref<64x16xf32, #tpu.memory_space<vmem>>, vector<1x16xf32>,
      %get3A_249 = vector.shape_cast %get3A_248 : vector<1x16xf32> to vector<16xf32>
      %mul3A_250 = arith.constant 8 : i32
      %mul3A_251 = arith.muli %add3A_12, %mul3A_250 : i32
      %add3A_252 = arith.constant 5 : i32
      %add3A_253 = arith.addi %mul3A_251, %add3A_252 : i32
      %get3A_254 = arith.index_cast %add3A_253 : i32 to index
      %get3A_255 = arith.constant 0 : index
      %get3A_256 = tpu.vector_load %arg11[%get3A_254, %get3A_255] {strides = array<i32>} : memref<64x16xf32, #tpu.memory_space<vmem>>, vector<1x16xf32>,
      %get3A_257 = vector.shape_cast %get3A_256 : vector<1x16xf32> to vector<16xf32>
      %mul3A_258 = arith.constant 8 : i32
      %mul3A_259 = arith.muli %add3A_12, %mul3A_258 : i32
      %add3A_260 = arith.constant 6 : i32
      %add3A_261 = arith.addi %mul3A_259, %add3A_260 : i32
      %get3A_262 = arith.index_cast %add3A_261 : i32 to index
      %get3A_263 = arith.constant 0 : index
      %get3A_264 = tpu.vector_load %arg11[%get3A_262, %get3A_263] {strides = array<i32>} : memref<64x16xf32, #tpu.memory_space<vmem>>, vector<1x16xf32>,
      %get3A_265 = vector.shape_cast %get3A_264 : vector<1x16xf32> to vector<16xf32>
      %mul3A_266 = arith.constant 8 : i32
      %mul3A_267 = arith.muli %add3A_12, %mul3A_266 : i32
      %add3A_268 = arith.constant 7 : i32
      %add3A_269 = arith.addi %mul3A_267, %add3A_268 : i32
      %get3A_270 = arith.index_cast %add3A_269 : i32 to index
      %get3A_271 = arith.constant 0 : index
      %get3A_272 = tpu.vector_load %arg11[%get3A_270, %get3A_271] {strides = array<i32>} : memref<64x16xf32, #tpu.memory_space<vmem>>, vector<1x16xf32>,
      %get3A_273 = vector.shape_cast %get3A_272 : vector<1x16xf32> to vector<16xf32>
      %mul3A_274 = arith.constant 8 : i32
      %mul3A_275 = arith.muli %add3A_12, %mul3A_274 : i32
      %add3A_276 = arith.constant 0 : i32
      %add3A_277 = arith.addi %mul3A_275, %add3A_276 : i32
      %get3A_278 = arith.index_cast %add3A_277 : i32 to index
      %get3A_279 = arith.constant 0 : index
      %get3A_280 = tpu.vector_load %arg12[%get3A_278, %get3A_279] {strides = array<i32>} : memref<64x16xf32, #tpu.memory_space<vmem>>, vector<1x16xf32>,
      %get3A_281 = vector.shape_cast %get3A_280 : vector<1x16xf32> to vector<16xf32>
      %mul3A_282 = arith.constant 8 : i32
      %mul3A_283 = arith.muli %add3A_12, %mul3A_282 : i32
      %add3A_284 = arith.constant 1 : i32
      %add3A_285 = arith.addi %mul3A_283, %add3A_284 : i32
      %get3A_286 = arith.index_cast %add3A_285 : i32 to index
      %get3A_287 = arith.constant 0 : index
      %get3A_288 = tpu.vector_load %arg12[%get3A_286, %get3A_287] {strides = array<i32>} : memref<64x16xf32, #tpu.memory_space<vmem>>, vector<1x16xf32>,
      %get3A_289 = vector.shape_cast %get3A_288 : vector<1x16xf32> to vector<16xf32>
      %mul3A_290 = arith.constant 8 : i32
      %mul3A_291 = arith.muli %add3A_12, %mul3A_290 : i32
      %add3A_292 = arith.constant 2 : i32
      %add3A_293 = arith.addi %mul3A_291, %add3A_292 : i32
      %get3A_294 = arith.index_cast %add3A_293 : i32 to index
      %get3A_295 = arith.constant 0 : index
      %get3A_296 = tpu.vector_load %arg12[%get3A_294, %get3A_295] {strides = array<i32>} : memref<64x16xf32, #tpu.memory_space<vmem>>, vector<1x16xf32>,
      %get3A_297 = vector.shape_cast %get3A_296 : vector<1x16xf32> to vector<16xf32>
      %mul3A_298 = arith.constant 8 : i32
      %mul3A_299 = arith.muli %add3A_12, %mul3A_298 : i32
      %add3A_300 = arith.constant 3 : i32
      %add3A_301 = arith.addi %mul3A_299, %add3A_300 : i32
      %get3A_302 = arith.index_cast %add3A_301 : i32 to index
      %get3A_303 = arith.constant 0 : index
      %get3A_304 = tpu.vector_load %arg12[%get3A_302, %get3A_303] {strides = array<i32>} : memref<64x16xf32, #tpu.memory_space<vmem>>, vector<1x16xf32>,
      %get3A_305 = vector.shape_cast %get3A_304 : vector<1x16xf32> to vector<16xf32>
      %mul3A_306 = arith.constant 8 : i32
      %mul3A_307 = arith.muli %add3A_12, %mul3A_306 : i32
      %add3A_308 = arith.constant 4 : i32
      %add3A_309 = arith.addi %mul3A_307, %add3A_308 : i32
      %get3A_310 = arith.index_cast %add3A_309 : i32 to index
      %get3A_311 = arith.constant 0 : index
      %get3A_312 = tpu.vector_load %arg12[%get3A_310, %get3A_311] {strides = array<i32>} : memref<64x16xf32, #tpu.memory_space<vmem>>, vector<1x16xf32>,
      %get3A_313 = vector.shape_cast %get3A_312 : vector<1x16xf32> to vector<16xf32>
      %mul3A_314 = arith.constant 8 : i32
      %mul3A_315 = arith.muli %add3A_12, %mul3A_314 : i32
      %add3A_316 = arith.constant 5 : i32
      %add3A_317 = arith.addi %mul3A_315, %add3A_316 : i32
      %get3A_318 = arith.index_cast %add3A_317 : i32 to index
      %get3A_319 = arith.constant 0 : index
      %get3A_320 = tpu.vector_load %arg12[%get3A_318, %get3A_319] {strides = array<i32>} : memref<64x16xf32, #tpu.memory_space<vmem>>, vector<1x16xf32>,
      %get3A_321 = vector.shape_cast %get3A_320 : vector<1x16xf32> to vector<16xf32>
      %mul3A_322 = arith.constant 8 : i32
      %mul3A_323 = arith.muli %add3A_12, %mul3A_322 : i32
      %add3A_324 = arith.constant 6 : i32
      %add3A_325 = arith.addi %mul3A_323, %add3A_324 : i32
      %get3A_326 = arith.index_cast %add3A_325 : i32 to index
      %get3A_327 = arith.constant 0 : index
      %get3A_328 = tpu.vector_load %arg12[%get3A_326, %get3A_327] {strides = array<i32>} : memref<64x16xf32, #tpu.memory_space<vmem>>, vector<1x16xf32>,
      %get3A_329 = vector.shape_cast %get3A_328 : vector<1x16xf32> to vector<16xf32>
      %mul3A_330 = arith.constant 8 : i32
      %mul3A_331 = arith.muli %add3A_12, %mul3A_330 : i32
      %add3A_332 = arith.constant 7 : i32
      %add3A_333 = arith.addi %mul3A_331, %add3A_332 : i32
      %get3A_334 = arith.index_cast %add3A_333 : i32 to index
      %get3A_335 = arith.constant 0 : index
      %get3A_336 = tpu.vector_load %arg12[%get3A_334, %get3A_335] {strides = array<i32>} : memref<64x16xf32, #tpu.memory_space<vmem>>, vector<1x16xf32>,
      %get3A_337 = vector.shape_cast %get3A_336 : vector<1x16xf32> to vector<16xf32>
      %scan3A_338 = arith.constant 0 : i32
      %scan3A_339 = arith.constant 0 : i32
      %scan3A_340 = arith.constant 128 : i32
      %scan3A_341 = arith.addi %scan3A_339, %scan3A_340 : i32
      %scan3A_342 = arith.constant 1 : i32
      scf.for %scan3A_356 = %scan3A_339 to %scan3A_341 step %scan3A_342  : i32 {
        %mul3A_357 = arith.constant 16 : i32
        %mul3A_358 = arith.muli %scan3A_356, %mul3A_357 : i32
        %get3A_359 = arith.constant 0 : i32
        %get3A_360 = arith.index_cast %get3A_359 : i32 to index
        %get3A_361 = arith.index_cast %mul3A_358 : i32 to index
        %get3A_362 = tpu.vector_load %arg18[%get3A_360, %get3A_361] {strides = array<i32>} : memref<8x2048xf32, #tpu.memory_space<vmem>>, vector<1x16xf32>,
        %get3A_363 = vector.shape_cast %get3A_362 : vector<1x16xf32> to vector<16xf32>
        %get3A_364 = arith.constant 0 : i32
        %get3A_365 = arith.index_cast %get3A_364 : i32 to index
        %get3A_366 = arith.index_cast %mul3A_358 : i32 to index
        %get3A_367 = tpu.vector_load %arg16[%get3A_365, %get3A_366] {strides = array<i32>} : memref<8x2048xf32, #tpu.memory_space<vmem>>, vector<1x16xf32>,
        %get3A_368 = vector.shape_cast %get3A_367 : vector<1x16xf32> to vector<16xf32>
        %mul3A_369 = arith.mulf %get3A_217, %get3A_368 : vector<16xf32>
        %add3A_370 = arith.addf %get3A_363, %mul3A_369 : vector<16xf32>
        %get3A_371 = arith.constant 0 : i32
        %get3A_372 = arith.index_cast %get3A_371 : i32 to index
        %get3A_373 = arith.index_cast %mul3A_358 : i32 to index
        %get3A_374 = tpu.vector_load %arg17[%get3A_372, %get3A_373] {strides = array<i32>} : memref<8x2048xf32, #tpu.memory_space<vmem>>, vector<1x16xf32>,
        %get3A_375 = vector.shape_cast %get3A_374 : vector<1x16xf32> to vector<16xf32>
        %mul3A_376 = arith.mulf %get3A_281, %get3A_375 : vector<16xf32>
        %add3A_377 = arith.addf %add3A_370, %mul3A_376 : vector<16xf32>
        %swap3A = arith.constant 0 : i32
        %swap3A_378 = arith.index_cast %swap3A : i32 to index
        %swap3A_379 = arith.index_cast %mul3A_358 : i32 to index
        %swap3A_380 = tpu.vector_load %arg18[%swap3A_378, %swap3A_379] {strides = array<i32>} : memref<8x2048xf32, #tpu.memory_space<vmem>>, vector<1x16xf32>,
        %swap3A_381 = vector.shape_cast %swap3A_380 : vector<1x16xf32> to vector<16xf32>
        %swap3A_382 = vector.shape_cast %add3A_377 : vector<16xf32> to vector<1x16xf32>
        tpu.vector_store %arg18[%swap3A_378, %swap3A_379], %swap3A_382 {strides = array<i32>} : memref<8x2048xf32, #tpu.memory_space<vmem>>, vector<1x16xf32>,
        %get3A_383 = arith.constant 1 : i32
        %get3A_384 = arith.index_cast %get3A_383 : i32 to index
        %get3A_385 = arith.index_cast %mul3A_358 : i32 to index
        %get3A_386 = tpu.vector_load %arg18[%get3A_384, %get3A_385] {strides = array<i32>} : memref<8x2048xf32, #tpu.memory_space<vmem>>, vector<1x16xf32>,
        %get3A_387 = vector.shape_cast %get3A_386 : vector<1x16xf32> to vector<16xf32>
        %get3A_388 = arith.constant 1 : i32
        %get3A_389 = arith.index_cast %get3A_388 : i32 to index
        %get3A_390 = arith.index_cast %mul3A_358 : i32 to index
        %get3A_391 = tpu.vector_load %arg16[%get3A_389, %get3A_390] {strides = array<i32>} : memref<8x2048xf32, #tpu.memory_space<vmem>>, vector<1x16xf32>,
        %get3A_392 = vector.shape_cast %get3A_391 : vector<1x16xf32> to vector<16xf32>
        %mul3A_393 = arith.mulf %get3A_225, %get3A_392 : vector<16xf32>
        %add3A_394 = arith.addf %get3A_387, %mul3A_393 : vector<16xf32>
        %get3A_395 = arith.constant 1 : i32
        %get3A_396 = arith.index_cast %get3A_395 : i32 to index
        %get3A_397 = arith.index_cast %mul3A_358 : i32 to index
        %get3A_398 = tpu.vector_load %arg17[%get3A_396, %get3A_397] {strides = array<i32>} : memref<8x2048xf32, #tpu.memory_space<vmem>>, vector<1x16xf32>,
        %get3A_399 = vector.shape_cast %get3A_398 : vector<1x16xf32> to vector<16xf32>
        %mul3A_400 = arith.mulf %get3A_289, %get3A_399 : vector<16xf32>
        %add3A_401 = arith.addf %add3A_394, %mul3A_400 : vector<16xf32>
        %swap3A_402 = arith.constant 1 : i32
        %swap3A_403 = arith.index_cast %swap3A_402 : i32 to index
        %swap3A_404 = arith.index_cast %mul3A_358 : i32 to index
        %swap3A_405 = tpu.vector_load %arg18[%swap3A_403, %swap3A_404] {strides = array<i32>} : memref<8x2048xf32, #tpu.memory_space<vmem>>, vector<1x16xf32>,
        %swap3A_406 = vector.shape_cast %swap3A_405 : vector<1x16xf32> to vector<16xf32>
        %swap3A_407 = vector.shape_cast %add3A_401 : vector<16xf32> to vector<1x16xf32>
        tpu.vector_store %arg18[%swap3A_403, %swap3A_404], %swap3A_407 {strides = array<i32>} : memref<8x2048xf32, #tpu.memory_space<vmem>>, vector<1x16xf32>,
        %get3A_408 = arith.constant 2 : i32
        %get3A_409 = arith.index_cast %get3A_408 : i32 to index
        %get3A_410 = arith.index_cast %mul3A_358 : i32 to index
        %get3A_411 = tpu.vector_load %arg18[%get3A_409, %get3A_410] {strides = array<i32>} : memref<8x2048xf32, #tpu.memory_space<vmem>>, vector<1x16xf32>,
        %get3A_412 = vector.shape_cast %get3A_411 : vector<1x16xf32> to vector<16xf32>
        %get3A_413 = arith.constant 2 : i32
        %get3A_414 = arith.index_cast %get3A_413 : i32 to index
        %get3A_415 = arith.index_cast %mul3A_358 : i32 to index
        %get3A_416 = tpu.vector_load %arg16[%get3A_414, %get3A_415] {strides = array<i32>} : memref<8x2048xf32, #tpu.memory_space<vmem>>, vector<1x16xf32>,
        %get3A_417 = vector.shape_cast %get3A_416 : vector<1x16xf32> to vector<16xf32>
        %mul3A_418 = arith.mulf %get3A_233, %get3A_417 : vector<16xf32>
        %add3A_419 = arith.addf %get3A_412, %mul3A_418 : vector<16xf32>
        %get3A_420 = arith.constant 2 : i32
        %get3A_421 = arith.index_cast %get3A_420 : i32 to index
        %get3A_422 = arith.index_cast %mul3A_358 : i32 to index
        %get3A_423 = tpu.vector_load %arg17[%get3A_421, %get3A_422] {strides = array<i32>} : memref<8x2048xf32, #tpu.memory_space<vmem>>, vector<1x16xf32>,
        %get3A_424 = vector.shape_cast %get3A_423 : vector<1x16xf32> to vector<16xf32>
        %mul3A_425 = arith.mulf %get3A_297, %get3A_424 : vector<16xf32>
        %add3A_426 = arith.addf %add3A_419, %mul3A_425 : vector<16xf32>
        %swap3A_427 = arith.constant 2 : i32
        %swap3A_428 = arith.index_cast %swap3A_427 : i32 to index
        %swap3A_429 = arith.index_cast %mul3A_358 : i32 to index
        %swap3A_430 = tpu.vector_load %arg18[%swap3A_428, %swap3A_429] {strides = array<i32>} : memref<8x2048xf32, #tpu.memory_space<vmem>>, vector<1x16xf32>,
        %swap3A_431 = vector.shape_cast %swap3A_430 : vector<1x16xf32> to vector<16xf32>
        %swap3A_432 = vector.shape_cast %add3A_426 : vector<16xf32> to vector<1x16xf32>
        tpu.vector_store %arg18[%swap3A_428, %swap3A_429], %swap3A_432 {strides = array<i32>} : memref<8x2048xf32, #tpu.memory_space<vmem>>, vector<1x16xf32>,
        %get3A_433 = arith.constant 3 : i32
        %get3A_434 = arith.index_cast %get3A_433 : i32 to index
        %get3A_435 = arith.index_cast %mul3A_358 : i32 to index
        %get3A_436 = tpu.vector_load %arg18[%get3A_434, %get3A_435] {strides = array<i32>} : memref<8x2048xf32, #tpu.memory_space<vmem>>, vector<1x16xf32>,
        %get3A_437 = vector.shape_cast %get3A_436 : vector<1x16xf32> to vector<16xf32>
        %get3A_438 = arith.constant 3 : i32
        %get3A_439 = arith.index_cast %get3A_438 : i32 to index
        %get3A_440 = arith.index_cast %mul3A_358 : i32 to index
        %get3A_441 = tpu.vector_load %arg16[%get3A_439, %get3A_440] {strides = array<i32>} : memref<8x2048xf32, #tpu.memory_space<vmem>>, vector<1x16xf32>,
        %get3A_442 = vector.shape_cast %get3A_441 : vector<1x16xf32> to vector<16xf32>
        %mul3A_443 = arith.mulf %get3A_241, %get3A_442 : vector<16xf32>
        %add3A_444 = arith.addf %get3A_437, %mul3A_443 : vector<16xf32>
        %get3A_445 = arith.constant 3 : i32
        %get3A_446 = arith.index_cast %get3A_445 : i32 to index
        %get3A_447 = arith.index_cast %mul3A_358 : i32 to index
        %get3A_448 = tpu.vector_load %arg17[%get3A_446, %get3A_447] {strides = array<i32>} : memref<8x2048xf32, #tpu.memory_space<vmem>>, vector<1x16xf32>,
        %get3A_449 = vector.shape_cast %get3A_448 : vector<1x16xf32> to vector<16xf32>
        %mul3A_450 = arith.mulf %get3A_305, %get3A_449 : vector<16xf32>
        %add3A_451 = arith.addf %add3A_444, %mul3A_450 : vector<16xf32>
        %swap3A_452 = arith.constant 3 : i32
        %swap3A_453 = arith.index_cast %swap3A_452 : i32 to index
        %swap3A_454 = arith.index_cast %mul3A_358 : i32 to index
        %swap3A_455 = tpu.vector_load %arg18[%swap3A_453, %swap3A_454] {strides = array<i32>} : memref<8x2048xf32, #tpu.memory_space<vmem>>, vector<1x16xf32>,
        %swap3A_456 = vector.shape_cast %swap3A_455 : vector<1x16xf32> to vector<16xf32>
        %swap3A_457 = vector.shape_cast %add3A_451 : vector<16xf32> to vector<1x16xf32>
        tpu.vector_store %arg18[%swap3A_453, %swap3A_454], %swap3A_457 {strides = array<i32>} : memref<8x2048xf32, #tpu.memory_space<vmem>>, vector<1x16xf32>,
        %get3A_458 = arith.constant 4 : i32
        %get3A_459 = arith.index_cast %get3A_458 : i32 to index
        %get3A_460 = arith.index_cast %mul3A_358 : i32 to index
        %get3A_461 = tpu.vector_load %arg18[%get3A_459, %get3A_460] {strides = array<i32>} : memref<8x2048xf32, #tpu.memory_space<vmem>>, vector<1x16xf32>,
        %get3A_462 = vector.shape_cast %get3A_461 : vector<1x16xf32> to vector<16xf32>
        %get3A_463 = arith.constant 4 : i32
        %get3A_464 = arith.index_cast %get3A_463 : i32 to index
        %get3A_465 = arith.index_cast %mul3A_358 : i32 to index
        %get3A_466 = tpu.vector_load %arg16[%get3A_464, %get3A_465] {strides = array<i32>} : memref<8x2048xf32, #tpu.memory_space<vmem>>, vector<1x16xf32>,
        %get3A_467 = vector.shape_cast %get3A_466 : vector<1x16xf32> to vector<16xf32>
        %mul3A_468 = arith.mulf %get3A_249, %get3A_467 : vector<16xf32>
        %add3A_469 = arith.addf %get3A_462, %mul3A_468 : vector<16xf32>
        %get3A_470 = arith.constant 4 : i32
        %get3A_471 = arith.index_cast %get3A_470 : i32 to index
        %get3A_472 = arith.index_cast %mul3A_358 : i32 to index
        %get3A_473 = tpu.vector_load %arg17[%get3A_471, %get3A_472] {strides = array<i32>} : memref<8x2048xf32, #tpu.memory_space<vmem>>, vector<1x16xf32>,
        %get3A_474 = vector.shape_cast %get3A_473 : vector<1x16xf32> to vector<16xf32>
        %mul3A_475 = arith.mulf %get3A_313, %get3A_474 : vector<16xf32>
        %add3A_476 = arith.addf %add3A_469, %mul3A_475 : vector<16xf32>
        %swap3A_477 = arith.constant 4 : i32
        %swap3A_478 = arith.index_cast %swap3A_477 : i32 to index
        %swap3A_479 = arith.index_cast %mul3A_358 : i32 to index
        %swap3A_480 = tpu.vector_load %arg18[%swap3A_478, %swap3A_479] {strides = array<i32>} : memref<8x2048xf32, #tpu.memory_space<vmem>>, vector<1x16xf32>,
        %swap3A_481 = vector.shape_cast %swap3A_480 : vector<1x16xf32> to vector<16xf32>
        %swap3A_482 = vector.shape_cast %add3A_476 : vector<16xf32> to vector<1x16xf32>
        tpu.vector_store %arg18[%swap3A_478, %swap3A_479], %swap3A_482 {strides = array<i32>} : memref<8x2048xf32, #tpu.memory_space<vmem>>, vector<1x16xf32>,
        %get3A_483 = arith.constant 5 : i32
        %get3A_484 = arith.index_cast %get3A_483 : i32 to index
        %get3A_485 = arith.index_cast %mul3A_358 : i32 to index
        %get3A_486 = tpu.vector_load %arg18[%get3A_484, %get3A_485] {strides = array<i32>} : memref<8x2048xf32, #tpu.memory_space<vmem>>, vector<1x16xf32>,
        %get3A_487 = vector.shape_cast %get3A_486 : vector<1x16xf32> to vector<16xf32>
        %get3A_488 = arith.constant 5 : i32
        %get3A_489 = arith.index_cast %get3A_488 : i32 to index
        %get3A_490 = arith.index_cast %mul3A_358 : i32 to index
        %get3A_491 = tpu.vector_load %arg16[%get3A_489, %get3A_490] {strides = array<i32>} : memref<8x2048xf32, #tpu.memory_space<vmem>>, vector<1x16xf32>,
        %get3A_492 = vector.shape_cast %get3A_491 : vector<1x16xf32> to vector<16xf32>
        %mul3A_493 = arith.mulf %get3A_257, %get3A_492 : vector<16xf32>
        %add3A_494 = arith.addf %get3A_487, %mul3A_493 : vector<16xf32>
        %get3A_495 = arith.constant 5 : i32
        %get3A_496 = arith.index_cast %get3A_495 : i32 to index
        %get3A_497 = arith.index_cast %mul3A_358 : i32 to index
        %get3A_498 = tpu.vector_load %arg17[%get3A_496, %get3A_497] {strides = array<i32>} : memref<8x2048xf32, #tpu.memory_space<vmem>>, vector<1x16xf32>,
        %get3A_499 = vector.shape_cast %get3A_498 : vector<1x16xf32> to vector<16xf32>
        %mul3A_500 = arith.mulf %get3A_321, %get3A_499 : vector<16xf32>
        %add3A_501 = arith.addf %add3A_494, %mul3A_500 : vector<16xf32>
        %swap3A_502 = arith.constant 5 : i32
        %swap3A_503 = arith.index_cast %swap3A_502 : i32 to index
        %swap3A_504 = arith.index_cast %mul3A_358 : i32 to index
        %swap3A_505 = tpu.vector_load %arg18[%swap3A_503, %swap3A_504] {strides = array<i32>} : memref<8x2048xf32, #tpu.memory_space<vmem>>, vector<1x16xf32>,
        %swap3A_506 = vector.shape_cast %swap3A_505 : vector<1x16xf32> to vector<16xf32>
        %swap3A_507 = vector.shape_cast %add3A_501 : vector<16xf32> to vector<1x16xf32>
        tpu.vector_store %arg18[%swap3A_503, %swap3A_504], %swap3A_507 {strides = array<i32>} : memref<8x2048xf32, #tpu.memory_space<vmem>>, vector<1x16xf32>,
        %get3A_508 = arith.constant 6 : i32
        %get3A_509 = arith.index_cast %get3A_508 : i32 to index
        %get3A_510 = arith.index_cast %mul3A_358 : i32 to index
        %get3A_511 = tpu.vector_load %arg18[%get3A_509, %get3A_510] {strides = array<i32>} : memref<8x2048xf32, #tpu.memory_space<vmem>>, vector<1x16xf32>,
        %get3A_512 = vector.shape_cast %get3A_511 : vector<1x16xf32> to vector<16xf32>
        %get3A_513 = arith.constant 6 : i32
        %get3A_514 = arith.index_cast %get3A_513 : i32 to index
        %get3A_515 = arith.index_cast %mul3A_358 : i32 to index
        %get3A_516 = tpu.vector_load %arg16[%get3A_514, %get3A_515] {strides = array<i32>} : memref<8x2048xf32, #tpu.memory_space<vmem>>, vector<1x16xf32>,
        %get3A_517 = vector.shape_cast %get3A_516 : vector<1x16xf32> to vector<16xf32>
        %mul3A_518 = arith.mulf %get3A_265, %get3A_517 : vector<16xf32>
        %add3A_519 = arith.addf %get3A_512, %mul3A_518 : vector<16xf32>
        %get3A_520 = arith.constant 6 : i32
        %get3A_521 = arith.index_cast %get3A_520 : i32 to index
        %get3A_522 = arith.index_cast %mul3A_358 : i32 to index
        %get3A_523 = tpu.vector_load %arg17[%get3A_521, %get3A_522] {strides = array<i32>} : memref<8x2048xf32, #tpu.memory_space<vmem>>, vector<1x16xf32>,
        %get3A_524 = vector.shape_cast %get3A_523 : vector<1x16xf32> to vector<16xf32>
        %mul3A_525 = arith.mulf %get3A_329, %get3A_524 : vector<16xf32>
        %add3A_526 = arith.addf %add3A_519, %mul3A_525 : vector<16xf32>
        %swap3A_527 = arith.constant 6 : i32
        %swap3A_528 = arith.index_cast %swap3A_527 : i32 to index
        %swap3A_529 = arith.index_cast %mul3A_358 : i32 to index
        %swap3A_530 = tpu.vector_load %arg18[%swap3A_528, %swap3A_529] {strides = array<i32>} : memref<8x2048xf32, #tpu.memory_space<vmem>>, vector<1x16xf32>,
        %swap3A_531 = vector.shape_cast %swap3A_530 : vector<1x16xf32> to vector<16xf32>
        %swap3A_532 = vector.shape_cast %add3A_526 : vector<16xf32> to vector<1x16xf32>
        tpu.vector_store %arg18[%swap3A_528, %swap3A_529], %swap3A_532 {strides = array<i32>} : memref<8x2048xf32, #tpu.memory_space<vmem>>, vector<1x16xf32>,
        %get3A_533 = arith.constant 7 : i32
        %get3A_534 = arith.index_cast %get3A_533 : i32 to index
        %get3A_535 = arith.index_cast %mul3A_358 : i32 to index
        %get3A_536 = tpu.vector_load %arg18[%get3A_534, %get3A_535] {strides = array<i32>} : memref<8x2048xf32, #tpu.memory_space<vmem>>, vector<1x16xf32>,
        %get3A_537 = vector.shape_cast %get3A_536 : vector<1x16xf32> to vector<16xf32>
        %get3A_538 = arith.constant 7 : i32
        %get3A_539 = arith.index_cast %get3A_538 : i32 to index
        %get3A_540 = arith.index_cast %mul3A_358 : i32 to index
        %get3A_541 = tpu.vector_load %arg16[%get3A_539, %get3A_540] {strides = array<i32>} : memref<8x2048xf32, #tpu.memory_space<vmem>>, vector<1x16xf32>,
        %get3A_542 = vector.shape_cast %get3A_541 : vector<1x16xf32> to vector<16xf32>
        %mul3A_543 = arith.mulf %get3A_273, %get3A_542 : vector<16xf32>
        %add3A_544 = arith.addf %get3A_537, %mul3A_543 : vector<16xf32>
        %get3A_545 = arith.constant 7 : i32
        %get3A_546 = arith.index_cast %get3A_545 : i32 to index
        %get3A_547 = arith.index_cast %mul3A_358 : i32 to index
        %get3A_548 = tpu.vector_load %arg17[%get3A_546, %get3A_547] {strides = array<i32>} : memref<8x2048xf32, #tpu.memory_space<vmem>>, vector<1x16xf32>,
        %get3A_549 = vector.shape_cast %get3A_548 : vector<1x16xf32> to vector<16xf32>
        %mul3A_550 = arith.mulf %get3A_337, %get3A_549 : vector<16xf32>
        %add3A_551 = arith.addf %add3A_544, %mul3A_550 : vector<16xf32>
        %swap3A_552 = arith.constant 7 : i32
        %swap3A_553 = arith.index_cast %swap3A_552 : i32 to index
        %swap3A_554 = arith.index_cast %mul3A_358 : i32 to index
        %swap3A_555 = tpu.vector_load %arg18[%swap3A_553, %swap3A_554] {strides = array<i32>} : memref<8x2048xf32, #tpu.memory_space<vmem>>, vector<1x16xf32>,
        %swap3A_556 = vector.shape_cast %swap3A_555 : vector<1x16xf32> to vector<16xf32>
        %swap3A_557 = vector.shape_cast %add3A_551 : vector<16xf32> to vector<1x16xf32>
        tpu.vector_store %arg18[%swap3A_553, %swap3A_554], %swap3A_557 {strides = array<i32>} : memref<8x2048xf32, #tpu.memory_space<vmem>>, vector<1x16xf32>,
      }
      %scan3A_343 = arith.constant 128 : i32
      %dma_start3A_344 = arith.constant 0 : i32
      %dma_start3A_345 = tpu.memref_slice %arg8[%add3A_18, %dma_start3A_344] : memref<2048x2048xf32, #tpu.memory_space<hbm>> -> memref<8x2048xf32, #tpu.memory_space<hbm>>
      %dma_start3A_346 = arith.constant 0 : i32
      %dma_start3A_347 = tpu.memref_slice %arg8[%add3A_18, %dma_start3A_346] : memref<2048x2048xf32, #tpu.memory_space<hbm>> -> memref<8x2048xf32, #tpu.memory_space<hbm>>
      tpu.enqueue_dma source(%arg18 : memref<8x2048xf32, #tpu.memory_space<vmem>>) target(%dma_start3A_347 : memref<8x2048xf32, #tpu.memory_space<hbm>>) target_semaphore(%arg26 : memref<!tpu.dma_semaphore, #tpu.memory_space<semaphore_mem>>)
      %dma_wait3A_348 = arith.constant 0 : i32
      %dma_wait3A_349 = tpu.memref_slice %arg8[%add3A_15, %dma_wait3A_348] : memref<2048x2048xf32, #tpu.memory_space<hbm>> -> memref<8x2048xf32, #tpu.memory_space<hbm>>
      %dma_wait3A_350 = arith.constant 0 : i32
      %dma_wait3A_351 = tpu.memref_slice %arg8[%add3A_15, %dma_wait3A_350] : memref<2048x2048xf32, #tpu.memory_space<hbm>> -> memref<8x2048xf32, #tpu.memory_space<hbm>>
      tpu.wait_dma2 semaphore(%arg25 : memref<!tpu.dma_semaphore, #tpu.memory_space<semaphore_mem>>) src(%arg15 : memref<8x2048xf32, #tpu.memory_space<vmem>>) dst(%dma_wait3A_351 : memref<8x2048xf32, #tpu.memory_space<hbm>>)
      %dma_wait3A_352 = arith.constant 0 : i32
      %dma_wait3A_353 = tpu.memref_slice %arg8[%add3A_18, %dma_wait3A_352] : memref<2048x2048xf32, #tpu.memory_space<hbm>> -> memref<8x2048xf32, #tpu.memory_space<hbm>>
      %dma_wait3A_354 = arith.constant 0 : i32
      %dma_wait3A_355 = tpu.memref_slice %arg8[%add3A_18, %dma_wait3A_354] : memref<2048x2048xf32, #tpu.memory_space<hbm>> -> memref<8x2048xf32, #tpu.memory_space<hbm>>
      tpu.wait_dma2 semaphore(%arg26 : memref<!tpu.dma_semaphore, #tpu.memory_space<semaphore_mem>>) src(%arg18 : memref<8x2048xf32, #tpu.memory_space<vmem>>) dst(%dma_wait3A_355 : memref<8x2048xf32, #tpu.memory_space<hbm>>)
    }
    %scan3A_7 = arith.constant 4 : i32
    return
  }
}

module attributes {stable_mosaic.version = 14 : i64} {
  func.func @_router_body(%arg0: i32, %arg1: memref<256x2048xf32, #tpu.memory_space<vmem>>, %arg2: memref<16x2048xf32, #tpu.memory_space<vmem>>, %arg3: memref<256x2xi32, #tpu.memory_space<vmem>>, %arg4: memref<256x16xf32, #tpu.memory_space<vmem>>, %arg5: memref<256x16xf32, #tpu.memory_space<vmem>>) attributes {dimension_semantics = [#tpu.dimension_semantics<arbitrary>], iteration_bounds = array<i64: 8>, scalar_prefetch = 0 : i64, scratch_operands = 0 : i64, tpu.core_type = #tpu.core_type<tc>, window_params = [{transform_indices = @transform_0, window_bounds = array<i64: 256, 2048>}, {pipeline_mode = #tpu.pipeline_mode<synchronous>, transform_indices = @transform_1, window_bounds = array<i64: 16, 2048>}, {transform_indices = @transform_2, window_bounds = array<i64: 256, 2>}, {transform_indices = @transform_3, window_bounds = array<i64: 256, 16>}, {transform_indices = @transform_4, window_bounds = array<i64: 256, 16>}]} {
    %get3A = arith.constant 0 : index
    %get3A_0 = arith.constant 0 : index
    %get3A_1 = vector.load %arg1[%get3A, %get3A_0] : memref<256x2048xf32, #tpu.memory_space<vmem>>, vector<256x2048xf32>
    %get3A_2 = arith.constant 0 : index
    %get3A_3 = arith.constant 0 : index
    %get3A_4 = vector.load %arg2[%get3A_2, %get3A_3] : memref<16x2048xf32, #tpu.memory_space<vmem>>, vector<16x2048xf32>
    %dot_general3A = arith.constant dense<0.000000e+00> : vector<256x16xf32>
    %dot_general3A_5 = tpu.matmul %get3A_1, %get3A_4, %dot_general3A {dimension_numbers = #tpu.dot_dimension_numbers<[1], [1], [0], [0], [0, 0, 1, 0], [], []>, transpose_lhs_hint = false} : vector<256x2048xf32>, vector<16x2048xf32>, vector<256x16xf32> -> vector<256x16xf32>
    %reduce_max3A = arith.constant dense<0xFF800000> : vector<256xf32>
    %reduce_max3A_6 = vector.multi_reduction <maximumf>, %dot_general3A_5, %reduce_max3A [1] : vector<256x16xf32> to vector<256xf32>
    %broadcast_in_dim3A = vector.shape_cast %reduce_max3A_6 : vector<256xf32> to vector<256x1xf32>
    %sub3A = vector.broadcast %broadcast_in_dim3A : vector<256x1xf32> to vector<256x16xf32>
    %sub3A_7 = arith.subf %dot_general3A_5, %sub3A : vector<256x16xf32>
    %exp3A = math.exp %sub3A_7 : vector<256x16xf32>
    %reduce_sum3A = arith.constant dense<0.000000e+00> : vector<256xf32>
    %reduce_sum3A_8 = vector.multi_reduction <add>, %exp3A, %reduce_sum3A [1] : vector<256x16xf32> to vector<256xf32>
    %broadcast_in_dim3A_9 = vector.shape_cast %reduce_sum3A_8 : vector<256xf32> to vector<256x1xf32>
    %div3A = vector.broadcast %broadcast_in_dim3A_9 : vector<256x1xf32> to vector<256x16xf32>
    %div3A_10 = arith.divf %exp3A, %div3A : vector<256x16xf32>
    %iota3A = tpu.iota {dimensions = array<i32: 1>} : vector<256x16xi32>
    %reduce_max3A_11 = arith.constant dense<0xFF800000> : vector<256xf32>
    %reduce_max3A_12 = vector.multi_reduction <maximumf>, %div3A_10, %reduce_max3A_11 [1] : vector<256x16xf32> to vector<256xf32>
    %broadcast_in_dim3A_13 = vector.shape_cast %reduce_max3A_12 : vector<256xf32> to vector<256x1xf32>
    %eq3A = vector.broadcast %broadcast_in_dim3A_13 : vector<256x1xf32> to vector<256x16xf32>
    %eq3A_14 = arith.cmpf oeq, %div3A_10, %eq3A : vector<256x16xf32>
    %jit3A = arith.constant 16 : i32
    %broadcast_in_dim3A_15 = vector.broadcast %jit3A : i32 to vector<256x16xi32>
    %select_n3A = arith.select %eq3A_14, %iota3A, %broadcast_in_dim3A_15 : vector<256x16xi1>, vector<256x16xi32>
    %reduce_min3A = arith.constant dense<2147483647> : vector<256xi32>
    %reduce_min3A_16 = vector.multi_reduction <minsi>, %select_n3A, %reduce_min3A [1] : vector<256x16xi32> to vector<256xi32>
    %broadcast_in_dim3A_17 = vector.shape_cast %reduce_min3A_16 : vector<256xi32> to vector<256x1xi32>
    %eq3A_18 = vector.broadcast %broadcast_in_dim3A_17 : vector<256x1xi32> to vector<256x16xi32>
    %eq3A_19 = arith.cmpi eq, %iota3A, %eq3A_18 : vector<256x16xi32>
    %jit3A_20 = arith.constant 0xFF800000 : f32
    %broadcast_in_dim3A_21 = vector.broadcast %jit3A_20 : f32 to vector<256x16xf32>
    %select_n3A_22 = arith.select %eq3A_19, %broadcast_in_dim3A_21, %div3A_10 : vector<256x16xi1>, vector<256x16xf32>
    %reduce_max3A_23 = arith.constant dense<0xFF800000> : vector<256xf32>
    %reduce_max3A_24 = vector.multi_reduction <maximumf>, %select_n3A_22, %reduce_max3A_23 [1] : vector<256x16xf32> to vector<256xf32>
    %broadcast_in_dim3A_25 = vector.shape_cast %reduce_max3A_24 : vector<256xf32> to vector<256x1xf32>
    %eq3A_26 = vector.broadcast %broadcast_in_dim3A_25 : vector<256x1xf32> to vector<256x16xf32>
    %eq3A_27 = arith.cmpf oeq, %select_n3A_22, %eq3A_26 : vector<256x16xf32>
    %jit3A_28 = arith.constant 16 : i32
    %broadcast_in_dim3A_29 = vector.broadcast %jit3A_28 : i32 to vector<256x16xi32>
    %select_n3A_30 = arith.select %eq3A_27, %iota3A, %broadcast_in_dim3A_29 : vector<256x16xi1>, vector<256x16xi32>
    %reduce_min3A_31 = arith.constant dense<2147483647> : vector<256xi32>
    %reduce_min3A_32 = vector.multi_reduction <minsi>, %select_n3A_30, %reduce_min3A_31 [1] : vector<256x16xi32> to vector<256xi32>
    %broadcast_in_dim3A_33 = vector.shape_cast %reduce_min3A_32 : vector<256xi32> to vector<256x1xi32>
    %concatenate3A = tpu.concatenate %broadcast_in_dim3A_17, %broadcast_in_dim3A_33 in 1 : vector<256x1xi32>, vector<256x1xi32> -> vector<256x2xi32>
    %swap3A = arith.constant 0 : index
    %swap3A_34 = arith.constant 0 : index
    %swap3A_35 = vector.load %arg3[%swap3A, %swap3A_34] : memref<256x2xi32, #tpu.memory_space<vmem>>, vector<256x2xi32>
    tpu.vector_store %arg3[%swap3A, %swap3A_34], %concatenate3A {strides = array<i32>} : memref<256x2xi32, #tpu.memory_space<vmem>>, vector<256x2xi32>,
    %broadcast_in_dim3A_36 = vector.shape_cast %broadcast_in_dim3A_13 : vector<256x1xf32> to vector<256x1xf32>
    %broadcast_in_dim3A_37 = vector.broadcast %broadcast_in_dim3A_36 : vector<256x1xf32> to vector<256x16xf32>
    %swap3A_38 = arith.constant 0 : index
    %swap3A_39 = arith.constant 0 : index
    %swap3A_40 = vector.load %arg4[%swap3A_38, %swap3A_39] : memref<256x16xf32, #tpu.memory_space<vmem>>, vector<256x16xf32>
    tpu.vector_store %arg4[%swap3A_38, %swap3A_39], %broadcast_in_dim3A_37 {strides = array<i32>} : memref<256x16xf32, #tpu.memory_space<vmem>>, vector<256x16xf32>,
    %broadcast_in_dim3A_41 = vector.shape_cast %broadcast_in_dim3A_25 : vector<256x1xf32> to vector<256x1xf32>
    %broadcast_in_dim3A_42 = vector.broadcast %broadcast_in_dim3A_41 : vector<256x1xf32> to vector<256x16xf32>
    %swap3A_43 = arith.constant 0 : index
    %swap3A_44 = arith.constant 0 : index
    %swap3A_45 = vector.load %arg5[%swap3A_43, %swap3A_44] : memref<256x16xf32, #tpu.memory_space<vmem>>, vector<256x16xf32>
    tpu.vector_store %arg5[%swap3A_43, %swap3A_44], %broadcast_in_dim3A_42 {strides = array<i32>} : memref<256x16xf32, #tpu.memory_space<vmem>>, vector<256x16xf32>,
    return
  }
  func.func @transform_0(%arg0: i32) -> (i32, i32) {
    %c0_i32 = arith.constant 0 : i32
    %c0_i32_0 = arith.constant 0 : i32
    return %arg0, %c0_i32 : i32, i32
  }
  func.func @transform_1(%arg0: i32) -> (i32, i32) {
    %c0_i32 = arith.constant 0 : i32
    %c0_i32_0 = arith.constant 0 : i32
    %c0_i32_1 = arith.constant 0 : i32
    return %c0_i32, %c0_i32_0 : i32, i32
  }
  func.func @transform_2(%arg0: i32) -> (i32, i32) {
    %c0_i32 = arith.constant 0 : i32
    %c0_i32_0 = arith.constant 0 : i32
    return %arg0, %c0_i32 : i32, i32
  }
  func.func @transform_3(%arg0: i32) -> (i32, i32) {
    %c0_i32 = arith.constant 0 : i32
    %c0_i32_0 = arith.constant 0 : i32
    return %arg0, %c0_i32 : i32, i32
  }
  func.func @transform_4(%arg0: i32) -> (i32, i32) {
    %c0_i32 = arith.constant 0 : i32
    %c0_i32_0 = arith.constant 0 : i32
    return %arg0, %c0_i32 : i32, i32
  }
}

module attributes {stable_mosaic.version = 14 : i64} {
  func.func @_shared_body(%arg0: i32, %arg1: memref<512x2048xf32, #tpu.memory_space<vmem>>, %arg2: memref<1024x2048xf32, #tpu.memory_space<vmem>>, %arg3: memref<1024x2048xf32, #tpu.memory_space<vmem>>, %arg4: memref<2048x1024xf32, #tpu.memory_space<vmem>>, %arg5: memref<512x2048xf32, #tpu.memory_space<vmem>>) attributes {dimension_semantics = [#tpu.dimension_semantics<arbitrary>], iteration_bounds = array<i64: 4>, scalar_prefetch = 0 : i64, scratch_operands = 0 : i64, tpu.core_type = #tpu.core_type<tc>, window_params = [{transform_indices = @transform_0, window_bounds = array<i64: 512, 2048>}, {pipeline_mode = #tpu.pipeline_mode<synchronous>, transform_indices = @transform_1, window_bounds = array<i64: 1024, 2048>}, {pipeline_mode = #tpu.pipeline_mode<synchronous>, transform_indices = @transform_2, window_bounds = array<i64: 1024, 2048>}, {pipeline_mode = #tpu.pipeline_mode<synchronous>, transform_indices = @transform_3, window_bounds = array<i64: 2048, 1024>}, {transform_indices = @transform_4, window_bounds = array<i64: 512, 2048>}]} {
    %get3A = arith.constant 0 : index
    %get3A_0 = arith.constant 0 : index
    %get3A_1 = vector.load %arg1[%get3A, %get3A_0] : memref<512x2048xf32, #tpu.memory_space<vmem>>, vector<512x2048xf32>
    %get3A_2 = arith.constant 0 : index
    %get3A_3 = arith.constant 0 : index
    %get3A_4 = vector.load %arg2[%get3A_2, %get3A_3] : memref<1024x2048xf32, #tpu.memory_space<vmem>>, vector<1024x2048xf32>
    %dot_general3A = arith.constant dense<0.000000e+00> : vector<512x1024xf32>
    %dot_general3A_5 = tpu.matmul %get3A_1, %get3A_4, %dot_general3A {dimension_numbers = #tpu.dot_dimension_numbers<[1], [1], [0], [0], [0, 0, 1, 0], [], []>, transpose_lhs_hint = false} : vector<512x2048xf32>, vector<1024x2048xf32>, vector<512x1024xf32> -> vector<512x1024xf32>
    %get3A_6 = arith.constant 0 : index
    %get3A_7 = arith.constant 0 : index
    %get3A_8 = vector.load %arg3[%get3A_6, %get3A_7] : memref<1024x2048xf32, #tpu.memory_space<vmem>>, vector<1024x2048xf32>
    %dot_general3A_9 = arith.constant dense<0.000000e+00> : vector<512x1024xf32>
    %dot_general3A_10 = tpu.matmul %get3A_1, %get3A_8, %dot_general3A_9 {dimension_numbers = #tpu.dot_dimension_numbers<[1], [1], [0], [0], [0, 0, 1, 0], [], []>, transpose_lhs_hint = false} : vector<512x2048xf32>, vector<1024x2048xf32>, vector<512x1024xf32> -> vector<512x1024xf32>
    %neg3A = arith.constant 0.000000e+00 : f32
    %neg3A_11 = vector.broadcast %neg3A : f32 to vector<512x1024xf32>
    %neg3A_12 = arith.subf %neg3A_11, %dot_general3A_5 : vector<512x1024xf32>
    %exp3A = math.exp %neg3A_12 : vector<512x1024xf32>
    %add3A = arith.constant 1.000000e+00 : f32
    %add3A_13 = vector.broadcast %add3A : f32 to vector<512x1024xf32>
    %add3A_14 = arith.addf %add3A_13, %exp3A : vector<512x1024xf32>
    %div3A = arith.constant 1.000000e+00 : f32
    %div3A_15 = vector.broadcast %div3A : f32 to vector<512x1024xf32>
    %div3A_16 = arith.divf %div3A_15, %add3A_14 : vector<512x1024xf32>
    %mul3A = arith.mulf %dot_general3A_5, %div3A_16 : vector<512x1024xf32>
    %mul3A_17 = arith.mulf %mul3A, %dot_general3A_10 : vector<512x1024xf32>
    %get3A_18 = arith.constant 0 : index
    %get3A_19 = arith.constant 0 : index
    %get3A_20 = vector.load %arg4[%get3A_18, %get3A_19] : memref<2048x1024xf32, #tpu.memory_space<vmem>>, vector<2048x1024xf32>
    %dot_general3A_21 = arith.constant dense<0.000000e+00> : vector<512x2048xf32>
    %dot_general3A_22 = tpu.matmul %mul3A_17, %get3A_20, %dot_general3A_21 {dimension_numbers = #tpu.dot_dimension_numbers<[1], [1], [0], [0], [0, 0, 1, 0], [], []>, transpose_lhs_hint = false} : vector<512x1024xf32>, vector<2048x1024xf32>, vector<512x2048xf32> -> vector<512x2048xf32>
    %swap3A = arith.constant 0 : index
    %swap3A_23 = arith.constant 0 : index
    %swap3A_24 = vector.load %arg5[%swap3A, %swap3A_23] : memref<512x2048xf32, #tpu.memory_space<vmem>>, vector<512x2048xf32>
    tpu.vector_store %arg5[%swap3A, %swap3A_23], %dot_general3A_22 {strides = array<i32>} : memref<512x2048xf32, #tpu.memory_space<vmem>>, vector<512x2048xf32>,
    return
  }
  func.func @transform_0(%arg0: i32) -> (i32, i32) {
    %c0_i32 = arith.constant 0 : i32
    %c0_i32_0 = arith.constant 0 : i32
    return %arg0, %c0_i32 : i32, i32
  }
  func.func @transform_1(%arg0: i32) -> (i32, i32) {
    %c0_i32 = arith.constant 0 : i32
    %c0_i32_0 = arith.constant 0 : i32
    %c0_i32_1 = arith.constant 0 : i32
    return %c0_i32, %c0_i32_0 : i32, i32
  }
  func.func @transform_2(%arg0: i32) -> (i32, i32) {
    %c0_i32 = arith.constant 0 : i32
    %c0_i32_0 = arith.constant 0 : i32
    %c0_i32_1 = arith.constant 0 : i32
    return %c0_i32, %c0_i32_0 : i32, i32
  }
  func.func @transform_3(%arg0: i32) -> (i32, i32) {
    %c0_i32 = arith.constant 0 : i32
    %c0_i32_0 = arith.constant 0 : i32
    %c0_i32_1 = arith.constant 0 : i32
    return %c0_i32, %c0_i32_0 : i32, i32
  }
  func.func @transform_4(%arg0: i32) -> (i32, i32) {
    %c0_i32 = arith.constant 0 : i32
    %c0_i32_0 = arith.constant 0 : i32
    return %arg0, %c0_i32 : i32, i32
  }
}

module attributes {stable_mosaic.version = 14 : i64} {
  func.func @_gmm_body(%arg0: i32, %arg1: memref<26xi32, #tpu.memory_space<smem>>, %arg2: memref<26xi32, #tpu.memory_space<smem>>, %arg3: memref<384x2048xf32, #tpu.memory_space<vmem>>, %arg4: memref<1x1024x2048xf32, #tpu.memory_space<vmem>>, %arg5: memref<1x1024x2048xf32, #tpu.memory_space<vmem>>, %arg6: memref<1x2048x1024xf32, #tpu.memory_space<vmem>>, %arg7: memref<384x2048xf32, #tpu.memory_space<vmem>>) attributes {dimension_semantics = [#tpu.dimension_semantics<arbitrary>], iteration_bounds = array<i64: 26>, scalar_prefetch = 2 : i64, scratch_operands = 0 : i64, tpu.core_type = #tpu.core_type<tc>, window_params = [{transform_indices = @transform_0, window_bounds = array<i64: 384, 2048>}, {transform_indices = @transform_1, window_bounds = array<i64: 1, 1024, 2048>}, {transform_indices = @transform_2, window_bounds = array<i64: 1, 1024, 2048>}, {transform_indices = @transform_3, window_bounds = array<i64: 1, 2048, 1024>}, {transform_indices = @transform_4, window_bounds = array<i64: 384, 2048>}]} {
    %get3A = arith.index_cast %arg0 : i32 to index
    %get3A_0 = memref.load %arg2[%get3A] : memref<26xi32, #tpu.memory_space<smem>>
    %ne3A = arith.constant 0 : i32
    %ne3A_1 = arith.cmpi ne, %get3A_0, %ne3A : i32
    %convert_element_type3A = arith.extui %ne3A_1 : i1 to i32
    %cond3A = arith.constant 0 : i32
    %cond3A_2 = arith.cmpi ne, %convert_element_type3A, %cond3A : i32
    scf.if %cond3A_2 {
      %get3A_3 = arith.constant 0 : index
      %get3A_4 = arith.constant 0 : index
      %get3A_5 = vector.load %arg3[%get3A_3, %get3A_4] : memref<384x2048xf32, #tpu.memory_space<vmem>>, vector<384x2048xf32>
      %get3A_6 = arith.constant 0 : index
      %get3A_7 = arith.constant 0 : index
      %get3A_8 = arith.constant 0 : index
      %get3A_9 = vector.load %arg4[%get3A_6, %get3A_7, %get3A_8] : memref<1x1024x2048xf32, #tpu.memory_space<vmem>>, vector<1x1024x2048xf32>
      %get3A_10 = vector.shape_cast %get3A_9 : vector<1x1024x2048xf32> to vector<1024x2048xf32>
      %get3A_11 = arith.constant 0 : index
      %get3A_12 = arith.constant 0 : index
      %get3A_13 = arith.constant 0 : index
      %get3A_14 = vector.load %arg5[%get3A_11, %get3A_12, %get3A_13] : memref<1x1024x2048xf32, #tpu.memory_space<vmem>>, vector<1x1024x2048xf32>
      %get3A_15 = vector.shape_cast %get3A_14 : vector<1x1024x2048xf32> to vector<1024x2048xf32>
      %get3A_16 = arith.constant 0 : index
      %get3A_17 = arith.constant 0 : index
      %get3A_18 = arith.constant 0 : index
      %get3A_19 = vector.load %arg6[%get3A_16, %get3A_17, %get3A_18] : memref<1x2048x1024xf32, #tpu.memory_space<vmem>>, vector<1x2048x1024xf32>
      %get3A_20 = vector.shape_cast %get3A_19 : vector<1x2048x1024xf32> to vector<2048x1024xf32>
      %dot_general3A = arith.constant dense<0.000000e+00> : vector<384x1024xf32>
      %dot_general3A_21 = tpu.matmul %get3A_5, %get3A_10, %dot_general3A {dimension_numbers = #tpu.dot_dimension_numbers<[1], [1], [0], [0], [0, 0, 1, 0], [], []>, transpose_lhs_hint = false} : vector<384x2048xf32>, vector<1024x2048xf32>, vector<384x1024xf32> -> vector<384x1024xf32>
      %dot_general3A_22 = arith.constant dense<0.000000e+00> : vector<384x1024xf32>
      %dot_general3A_23 = tpu.matmul %get3A_5, %get3A_15, %dot_general3A_22 {dimension_numbers = #tpu.dot_dimension_numbers<[1], [1], [0], [0], [0, 0, 1, 0], [], []>, transpose_lhs_hint = false} : vector<384x2048xf32>, vector<1024x2048xf32>, vector<384x1024xf32> -> vector<384x1024xf32>
      %neg3A = arith.constant 0.000000e+00 : f32
      %neg3A_24 = vector.broadcast %neg3A : f32 to vector<384x1024xf32>
      %neg3A_25 = arith.subf %neg3A_24, %dot_general3A_21 : vector<384x1024xf32>
      %exp3A = math.exp %neg3A_25 : vector<384x1024xf32>
      %add3A = arith.constant 1.000000e+00 : f32
      %add3A_26 = vector.broadcast %add3A : f32 to vector<384x1024xf32>
      %add3A_27 = arith.addf %add3A_26, %exp3A : vector<384x1024xf32>
      %div3A = arith.constant 1.000000e+00 : f32
      %div3A_28 = vector.broadcast %div3A : f32 to vector<384x1024xf32>
      %div3A_29 = arith.divf %div3A_28, %add3A_27 : vector<384x1024xf32>
      %mul3A = arith.mulf %dot_general3A_21, %div3A_29 : vector<384x1024xf32>
      %mul3A_30 = arith.mulf %mul3A, %dot_general3A_23 : vector<384x1024xf32>
      %dot_general3A_31 = arith.constant dense<0.000000e+00> : vector<384x2048xf32>
      %dot_general3A_32 = tpu.matmul %mul3A_30, %get3A_20, %dot_general3A_31 {dimension_numbers = #tpu.dot_dimension_numbers<[1], [1], [0], [0], [0, 0, 1, 0], [], []>, transpose_lhs_hint = false} : vector<384x1024xf32>, vector<2048x1024xf32>, vector<384x2048xf32> -> vector<384x2048xf32>
      %swap3A = arith.constant 0 : index
      %swap3A_33 = arith.constant 0 : index
      %swap3A_34 = vector.load %arg7[%swap3A, %swap3A_33] : memref<384x2048xf32, #tpu.memory_space<vmem>>, vector<384x2048xf32>
      tpu.vector_store %arg7[%swap3A, %swap3A_33], %dot_general3A_32 {strides = array<i32>} : memref<384x2048xf32, #tpu.memory_space<vmem>>, vector<384x2048xf32>,
    } else {
    }
    return
  }
  func.func @transform_0(%arg0: i32, %arg1: memref<26xi32, #tpu.memory_space<smem>>, %arg2: memref<26xi32, #tpu.memory_space<smem>>) -> (i32, i32) {
    %c0_i32 = arith.constant 0 : i32
    %c0_i32_0 = arith.constant 0 : i32
    return %arg0, %c0_i32 : i32, i32
  }
  func.func @transform_1(%arg0: i32, %arg1: memref<26xi32, #tpu.memory_space<smem>>, %arg2: memref<26xi32, #tpu.memory_space<smem>>) -> (i32, i32, i32) {
    %get3A = arith.index_cast %arg0 : i32 to index
    %get3A_0 = memref.load %arg1[%get3A] : memref<26xi32, #tpu.memory_space<smem>>
    %c0_i32 = arith.constant 0 : i32
    %c0_i32_1 = arith.constant 0 : i32
    %c0_i32_2 = arith.constant 0 : i32
    return %get3A_0, %c0_i32, %c0_i32_1 : i32, i32, i32
  }
  func.func @transform_2(%arg0: i32, %arg1: memref<26xi32, #tpu.memory_space<smem>>, %arg2: memref<26xi32, #tpu.memory_space<smem>>) -> (i32, i32, i32) {
    %get3A = arith.index_cast %arg0 : i32 to index
    %get3A_0 = memref.load %arg1[%get3A] : memref<26xi32, #tpu.memory_space<smem>>
    %c0_i32 = arith.constant 0 : i32
    %c0_i32_1 = arith.constant 0 : i32
    %c0_i32_2 = arith.constant 0 : i32
    return %get3A_0, %c0_i32, %c0_i32_1 : i32, i32, i32
  }
  func.func @transform_3(%arg0: i32, %arg1: memref<26xi32, #tpu.memory_space<smem>>, %arg2: memref<26xi32, #tpu.memory_space<smem>>) -> (i32, i32, i32) {
    %get3A = arith.index_cast %arg0 : i32 to index
    %get3A_0 = memref.load %arg1[%get3A] : memref<26xi32, #tpu.memory_space<smem>>
    %c0_i32 = arith.constant 0 : i32
    %c0_i32_1 = arith.constant 0 : i32
    %c0_i32_2 = arith.constant 0 : i32
    return %get3A_0, %c0_i32, %c0_i32_1 : i32, i32, i32
  }
  func.func @transform_4(%arg0: i32, %arg1: memref<26xi32, #tpu.memory_space<smem>>, %arg2: memref<26xi32, #tpu.memory_space<smem>>) -> (i32, i32) {
    %c0_i32 = arith.constant 0 : i32
    %c0_i32_0 = arith.constant 0 : i32
    return %arg0, %c0_i32 : i32, i32
  }
}

</mosaic_0001>

<sc_bundles>
// kernel: kernel.10.cloned.1.call-start
scs
__scs_entry_jumppad:
0x0: {  	(pc) =	sbr.rel $0x88, $3  }
0x1: {  	(tag) =	ssettag $0x0;
	lr =	simm.s32 $0x1  }
0x2: {  	[smem:$0x3F99] =	sst lr;
	_ =	strace $0xD0000000  }
0x3: {  	_ = 	snop  }
0x4: {  	_ = 	snop  }
0x5: {  	_ = 	snop  }
0x6: {  	_ = 	snop  }
0x7: {  	_ = 	snop  }
__scs_overlays_trampoline_lowered:
0x8: {  	[smem:$0x3FA8] =	sst s0  }
0x9: {  	[smem:$0x3FA9] =	sst s1  }
0xa: {  	[smem:$0x3FAA] =	sst s2  }
0xb: {  	[smem:$0x3FAB] =	sst s3  }
0xc: {  	[smem:$0x3FAC] =	sst s4  }
0xd: {  	[smem:$0x3FAD] =	sst s5  }
0xe: {  	[smem:$0x3FAE] =	sst s6  }
0xf: {  	[smem:$0x3FAF] =	sst s7  }
0x10: {  	[smem:$0x3FB0] =	sst s8  }
0x11: {  	[smem:$0x3FB1] =	sst s9;
	s0 =	simm.s32 @!p0 $0x0  }
0x12: {  	s1 =	sld [smem:$0x3F97];
	s0 =	simm.s32 @p0 $0x1  }
0x13: {  	[smem:$0x3FB2] =	sst s0;
	s0 =	simm.s32 @!p1 $0x0  }
0x14: {  	s2 =	sld [smem:$0x3F96];
	s0 =	simm.s32 @p1 $0x1  }
0x15: {  	[smem:$0x3FB3] =	sst s0;
	s0 =	simm.s32 @!p2 $0x0  }
0x16: {  	s3 =	sld [smem:$0x3FDB];
	s0 =	simm.s32 @p2 $0x1  }
0x17: {  	s4 =	simm.s32 $0x1BF5;
	[smem:$0x3FB5] =	sst s0  }
0x18: {  	s0 =	sld [smem:$0x3F98];
	_ =	swait.ge [sflag:s4], $0x0  }
0x19: {  	s7 =	sld [smem:$0x3F99]  }
0x1a: {  	s8 =	sadd.s32 $0xFFFFE003, lr  }
0x1b: {  	s9 =	sadd.s32 $0xFFFFFEF7, lr;
	s5 =	simm.s32 $0xFFFFFFFF;
	p2 =	slt.u32 s8, $0xFFFFF086  }
0x1c: {  	p1 =	slt.u32 s9, $0xF7A;
	s5 =	simm.s32 @!p2 $0x0  }
0x1d: {  	s5 =	simm.s32 @p1 $0x1;
	p0 =	seq.s32 s7, s2  }
0x1e: {  	s7 =	smul.u32 @!p0 $0xF7A, s2;
	p2 =	seq.s32 @!p0 s5, $0x0  }
0x1f: {  	s9 =	smul.u32 $0xF7A, s1;
	s8 =	simm.s32 @!p0 $0x1BF5;
	p2 =	por !p2, p0  }
0x20: {  	[sflag:s8] =	ssyncset.s32 @!p0 $0xFFFFF086;
	s6 =	sadd.s32 @!p0 s3, s7;
	s7 =	simm.s32 @!p0 $0x108  }
0x21: {  	s3 =	sadd.s32 s3, s9;
	s6 =	sadd.s32 @!p0 $0x88, s6;
	s7 =	simm.s32 @p2 $0x1082  }
0x22: {  	[simem:s7], [sflag:s8] =	dma.local @!p0 [hbm:s6], $0xF7A  }
0x23: {  	s9 =	sor.u32 $0xD0000000, s2;
	s6 =	simm.s32 $0x108;
	_ =	swait.ge @!p0 [sflag:s8], $0x0  }
0x24: {  	s3 =	sadd.s32 $0x88, s3;
	s6 =	simm.s32 @!p1 $0x1082;
	[sflag:s4] =	ssyncset.s32 $0xFFFFF086  }
0x25: {  	[simem:s6], [sflag:s4] =	dma.local [hbm:s3], $0xF7A  }
0x26: {  	[smem:$0x3F99] =	sst s1;
	(tag) =	ssettag s2;
	_ =	strace s9  }
0x27: {  	s1 =	sld [smem:$0x3FA9]  }
0x28: {  	s2 =	sld [smem:$0x3FAA]  }
0x29: {  	s4 =	sld [smem:$0x3FAC]  }
0x2a: {  	p0 =	seq.s32 s5, $0x0;
	s5 =	sld [smem:$0x3FAD]  }
0x2b: {  	s6 =	sld [smem:$0x3FAE]  }
0x2c: {  	s7 =	sld [smem:$0x3FAF]  }
0x2d: {  	s3 =	simm.s32 $0x108;
	s8 =	sld [smem:$0x3FB0]  }
0x2e: {  	s3 =	simm.s32 @!p0 $0x1082;
	s9 =	sld [smem:$0x3FB1]  }
0x2f: {  	lr =	sadd.s32 s0, s3;
	s0 =	sld [smem:$0x3FA8]  }
0x30: {  	s3 =	sld [smem:$0x3FAB]  }
0x31: {  	[smem:$0x3FB4] =	sst s10  }
0x32: {  	s10 =	sld [smem:$0x3FB2];
	_ =	sdelay $0x3  }
0x33: {  	p0 =	seq.s32 s10, $0x1;
	s10 =	sld [smem:$0x3FB4];
	_ =	sdelay $0x3  }
0x34: {  	[smem:$0x3FB4] =	sst s10  }
0x35: {  	s10 =	sld [smem:$0x3FB3];
	_ =	sdelay $0x3  }
0x36: {  	p1 =	seq.s32 s10, $0x1;
	s10 =	sld [smem:$0x3FB4];
	_ =	sdelay $0x3  }
0x37: {  	[smem:$0x3FB4] =	sst s10  }
0x38: {  	s10 =	sld [smem:$0x3FB5]  }
0x39: {  	_ = 	snop;
	(pc) =	sbr.ind lr, $3  }
0x3a: {  	_ = 	snop  }
0x3b: {  	_ = 	snop  }
0x3c: {  	p2 =	seq.s32 s10, $0x1;
	s10 =	sld [smem:$0x3FB4]  }
0x3d: {  	_ =	shalt  }
0x3e: {  	_ =	shalt  }
0x3f: {  	_ =	shalt  }
0x40: {  	_ =	shalt  }
0x41: {  	_ =	shalt  }
0x42: {  	_ =	shalt  }
0x43: {  	_ =	shalt  }
0x44: {  	_ =	shalt  }
0x45: {  	_ =	shalt  }
0x46: {  	_ =	shalt  }
0x47: {  	_ =	shalt  }
0x48: {  	_ =	shalt  }
0x49: {  	_ =	shalt  }
0x4a: {  	_ =	shalt  }
0x4b: {  	_ =	shalt  }
0x4c: {  	_ =	shalt  }
0x4d: {  	_ =	shalt  }
0x4e: {  	_ =	shalt  }
0x4f: {  	_ =	shalt  }
0x50: {  	_ =	shalt  }
0x51: {  	_ =	shalt  }
0x52: {  	_ =	shalt  }
0x53: {  	_ =	shalt  }
0x54: {  	_ =	shalt  }
0x55: {  	_ =	shalt  }
0x56: {  	_ =	shalt  }
0x57: {  	_ =	shalt  }
0x58: {  	_ =	shalt  }
0x59: {  	_ =	shalt  }
0x5a: {  	_ =	shalt  }
0x5b: {  	_ =	shalt  }
0x5c: {  	_ =	shalt  }
0x5d: {  	_ =	shalt  }
0x5e: {  	_ =	shalt  }
0x5f: {  	_ =	shalt  }
0x60: {  	_ =	shalt  }
0x61: {  	_ =	shalt  }
0x62: {  	_ =	shalt  }
0x63: {  	_ =	shalt  }
0x64: {  	_ =	shalt  }
0x65: {  	_ =	shalt  }
0x66: {  	_ =	shalt  }
0x67: {  	_ =	shalt  }
0x68: {  	_ =	shalt  }
0x69: {  	_ =	shalt  }
0x6a: {  	_ =	shalt  }
0x6b: {  	_ =	shalt  }
0x6c: {  	_ =	shalt  }
0x6d: {  	_ =	shalt  }
0x6e: {  	_ =	shalt  }
0x6f: {  	_ =	shalt  }
0x70: {  	_ =	shalt  }
0x71: {  	_ =	shalt  }
0x72: {  	_ =	shalt  }
0x73: {  	_ =	shalt  }
0x74: {  	_ =	shalt  }
0x75: {  	_ =	shalt  }
0x76: {  	_ =	shalt  }
0x77: {  	_ =	shalt  }
0x78: {  	_ =	shalt  }
0x79: {  	_ =	shalt  }
0x7a: {  	_ =	shalt  }
0x7b: {  	_ =	shalt  }
0x7c: {  	_ =	shalt  }
0x7d: {  	_ =	shalt  }
0x7e: {  	_ =	shalt  }
0x7f: {  	_ =	shalt  }
0x80: {  	_ =	shalt  }
0x81: {  	_ =	shalt  }
0x82: {  	_ =	shalt  }
0x83: {  	_ =	shalt  }
0x84: {  	_ =	shalt  }
0x85: {  	_ =	shalt  }
0x86: {  	_ =	shalt  }
0x87: {  	_ =	shalt  }
.Lfunc_end0:
.L_simem_size_0:
called_computation.1_lowered:
.L_overlay_start_0:
0x88: {  	s2 =	sld [smem:$0x3FD9]  }
0x89: {  	s3 =	sld [smem:$0x3FFE];
	_ =	sdelay $0x1  }
0x8a: {  	s1 =	srdreg.scid  }
0x8b: {  	s0 =	sand.u32 $0x1, s1  }
0x8c: {  	s17 =	sshll.u32 s0, $0xA;
	s2 =	sadd.s32 s3, s2  }
0x8d: {  	s2 =	sadd.s32 s2, s17  }
0x8e: {  	[smem:$0x3FC0] =	sst s2  }
0x8f: {  	_ = 	snop  }
0x90: {  	s2 =	sld [smem:$0x3FD0];
	(tm) =	ssettm $0x1  }
0x91: {  	s18 =	sld [smem:$0x3FFB];
	_ =	sdelay $0x3  }
0x92: {  	_ =	strace s18  }
0x93: {  	s3 =	sld [smem:$0x3FFC];
	_ =	sdelay $0x3  }
0x94: {  	_ =	strace s3  }
0x95: {  	s3 =	sld [smem:$0x3FFD];
	_ =	sdelay $0x3  }
0x96: {  	_ =	strace s3  }
0x97: {  	_ =	strace $0x8FFFFFFF  }
0x98: {  	s19 =	sld [smem:$0x3FDB];
	_ =	sdelay $0x1  }
0x99: {  	s4 =	simm.s32 $_scs_section_size  }
0x9a: {  	s5 =	simm.s32 $_size__tile_overlayer_lowered;
	s6 =	simm.s32 $_tile_overlayer_lowered  }
0x9b: {  	s22 =	simm.s32 $0x1BFF;
	s21 =	sshll.u32 s6, $0x1;
	s3 =	sadd.s32 s4, s19  }
0x9c: {  	s7 =	simm.s32 $0x0;
	s20 =	sshll.u32 s5, $0x1;
	s5 =	sadd.s32 s21, s3  }
0x9d: {  	[timem:s7], [sflag:s22] =	dma.local [hbm:s5], s20  }
0x9e: {  	_ =	swait.ge [sflag:s22], s20  }
0x9f: {  	s4 =	ssub.s32 $0x0, s20;
	[sflag:s22] =	ssyncset.done $0x0  }
0xa0: {  	[sflag:s22] =	ssyncadd.s32 s4;
	_ =	sdelay $0x1  }
0xa1: {  	s23 =	simm.s32 $0x1B8B  }
0xa2: {  	_ =	swait.ge [sflag:s23], $0x1  }
0xa3: {  	[sflag:s23] =	ssyncset.done $0x0  }
0xa4: {  	s25 =	simm.s32 $0x1B8E;
	s24 =	sld [smem:$0x3FFE];
	[sflag:s23] =	ssyncadd.s32 $0xFFFFFFFF  }
0xa5: {  	s26 =	simm.s32 $execute0_lowered;
	[smem:$0x3FD2] =	sst s25  }
0xa6: {  	s5 =	sshll.u32 s26, $0x1;
	_ =	strace $0x80000049;
	[dreg:$0x1] =	wrdreg $0xFFFFFFFF  }
0xa7: {  	s28 =	simm.s32 $_size_execute0_lowered;
	s3 =	sadd.s32 s3, s5;
	[dreg:$0x0] =	wrdreg $0x0  }
0xa8: {  	s5 =	sshll.u32 s28, $0x1;
	[dreg:$0x2] =	wrdreg s3  }
0xa9: {  	[dreg:$0x3] =	wrdreg s5  }
0xaa: {  	[dreg:$0x4] =	wrdreg $0xC0  }
0xab: {  	_ =	task [dreg:s7], $0x5FFFF  }
0xac: {  	[dreg:$0x1] =	wrdreg $0xFFFFFFFF  }
0xad: {  	[dreg:$0x0] =	wrdreg $0x60  }
0xae: {  	[dreg:$0x2] =	wrdreg s24  }
0xaf: {  	[dreg:$0x3] =	wrdreg s2  }
0xb0: {  	[dreg:$0x4] =	wrdreg $0x9  }
0xb1: {  	_ =	task.clear_ibuf [dreg:s7], $0x5FFFF;
	_ =	strace $0x90000049  }
0xb2: {  	s29 =	simm.s32 $0x9;
	_ =	strace $0x8000004B  }
0xb3: {  	_ =	swait.ge [sflag:s29], $0x1  }
0xb4: {  	[sflag:s29] =	ssyncadd.s32 $0xFFFFFFFF  }
0xb5: {  	_ =	strace $0x9000004B  }
0xb6: {  	_ =	sfence  }
0xb7: {  	s30 =	sld [smem:$0x0];
	_ =	sdelay $0x2  }
0xb8: {  	s31 =	sshll.u32 s1, $0xD;
	s1 =	sshrl.u32 s1, $0x2  }
0xb9: {  	s3 =	sand.u32 $0x4000, s31;
	s1 =	sadd.s32 s1, s30  }
0xba: {  	s0 =	sor.u32 s3, s0;
	s1 =	sshll.u32 s1, $0x11  }
0xbb: {  	s0 =	sor.u32 s1, s0  }
0xbc: {  	s0 =	sadd.s32 $0x8F2B, s0  }
0xbd: {  	[sflag:s0] =	ssyncadd.remote.s32 $0x1  }
0xbe: {  	_ =	sfence.sel $0xFFFF  }
0xbf: {  	[dreg:$0x0] =	wrdreg $0xFFFFFFFF;
	(pc) =	sbr.abs _section_cstart, $3  }
0xc0: {  	[dreg:$0x1] =	wrdreg $0xFFFFFFFF  }
0xc1: {  	_ =	task.clear_ibuf [dreg:s7], $0x2FFFF;
	_ =	strace $0x9FFFFFFF  }
0xc2: {  	(tm) =	ssettm $0x7FFFFFFF  }
0xc3: {  	_ =	shalt  }
tec
execute0_lowered:
.L_overlay_start_1:
0x0: {  	(tag) =	ssettag $0x1  }
0x1: {  	s0 =	rddreg [dreg:$0x0]  }
0x2: {  	s10 =	rddreg [dreg:$0x1]  }
0x3: {  	s1 =	srdreg.scid;
	s2 =	stileid.u32  }
0x4: {  	s4 =	simm.s32 $0x0;
	s22 =	simm.s32 $0xC100;
	s8 =	simm.s32 $0x2  }
0x5: {  	s19 =	simm.s32 $0x3;
	s23 =	simm.s32 $0x4;
	s24 =	simm.s32 $0x5  }
0x6: {  	s25 =	simm.s32 $0x6;
	s26 =	simm.s32 $0x7;
	s28 =	simm.s32 $0x8  }
0x7: {  	s1 =	sand.u32 $0x1, s1;
	s2 =	sshll.u32 s2, $0x7;
	s5 =	sadd.s32 $0x301200, s0  }
0x8: {  	[smem:$0x7FF] =	sst s4;
	s6 =	sadd.s32 $0x281000, s0;
	s11 =	sadd.s32 $0x301300, s0  }
0x9: {  	s12 =	sadd.s32 $0x301400, s0;
	s13 =	sadd.s32 $0x301500, s0;
	s3 =	sshll.u32 s1, $0x6  }
0xa: {  	s14 =	sadd.s32 $0x301600, s0;
	s1 =	ssub.s32 $0x2, s1;
	s4 =	sor.u32 s3, s2  }
0xb: {  	_ =	strace $0x8000004A;
	s30 =	sshrl.u32 s1, $0x1;
	s3 =	sshll.u32 s4, $0x4  }
0xc: {  	s2 =	sshrl.u32 s4, $0x3;
	s1 =	ssub.s32 s1, s30;
	s3 =	sadd.s32 s0, s3  }
0xd: {  	s2 =	sadd.s32 s2, s0;
	s31 =	smax.u32 s1, $0x1;
	[dreg:$0x4] =	wrdreg s3  }
0xe: {  	s15 =	sadd.s32 $0x301700, s0;
	s7 =	sadd.s32 $0x10200, s2;
	[dreg:$0x7] =	wrdreg s31  }
0xf: {  	v0 =	vlaneseq.u32;
	s16 =	sadd.s32 $0x301800, s0;
	s2 =	sadd.s32 $0x10000, s2;
	[dreg:$0x3] =	wrdreg s7  }
0x10: {  	s17 =	sadd.s32 $0x301900, s0;
	v1 =	vshrl.u32 v0, $0x3;
	s29 =	sadd.s32 $0x8000, s3;
	[dreg:$0x5] =	wrdreg s2  }
0x11: {  	vm0 =	vmmov $0xffff;
	v0 =	vand.u32 $0x7, v0;
	v1 =	vmul.u32 $0x8, v1;
	s1 =	simm.s32 $0x0;
	[dreg:$0x6] =	wrdreg s29;
	s7 =	simm.s32 $0x18100  }
.LBB2_1:
0x12: {  	[dreg:$0x8] =	wrdreg s1  }
0x13: {  	s0 =	simm.s32 $0x0;
	s9 =	rddreg [dreg:$0x3];
	s2 =	simm.s32 $0x9  }
0x14: {  	[tilespmem:s0], [sflag:$0x9] =	stream.linear.gather [hbm4b:s9+s0], $0x40, $0x38;
	[tilespmem:$0x1C100] =	vst v63  }
0x15: {  	_ =	swait.ge [sflag:s2], $0x40  }
0x16: {  	[sflag:s2] =	ssyncset.done $0x0  }
0x17: {  	s3 =	simm.s32 $0x80;
	s18 =	rddreg [dreg:$0x5];
	[sflag:s2] =	ssyncadd.s32 $0xFFFFFFC0  }
0x18: {  	[tilespmem:s3], [sflag:$0x9] =	stream.linear.gather [hbm4b:s18+s0], $0x40, $0x38;
	[tilespmem:$0x1C100] =	vst v63  }
0x19: {  	_ =	swait.ge [sflag:s2], $0x40  }
0x1a: {  	[sflag:s2] =	ssyncset.done $0x0  }
0x1b: {  	s21 =	simm.s32 $0x100;
	s20 =	rddreg [dreg:$0x4];
	[sflag:s2] =	ssyncadd.s32 $0xFFFFFFC0  }
0x1c: {  	[tilespmem:s21], [sflag:$0x9] =	stream.linear.gather [hbm4b:s20+s0], $0x2000, $0x38;
	[tilespmem:$0x1C100] =	vst v63  }
0x1d: {  	_ =	swait.ge [sflag:s2], $0x2000  }
0x1e: {  	[sflag:s2] =	ssyncset.done $0x0  }
0x1f: {  	s31 =	simm.s32 $0x2100;
	s30 =	rddreg [dreg:$0x6];
	[sflag:s2] =	ssyncadd.s32 $0xFFFFE000  }
0x20: {  	[tilespmem:s31], [sflag:$0x9] =	stream.linear.gather [hbm4b:s30+s0], $0x2000, $0x38;
	[tilespmem:$0x1C100] =	vst v63  }
0x21: {  	_ =	swait.ge [sflag:s2], $0x2000  }
0x22: {  	[sflag:s2] =	ssyncset.done $0x0  }
0x23: {  	s29 =	simm.s32 $0x0;
	[sflag:s2] =	ssyncadd.s32 $0xFFFFE000  }
.LBB2_2:
0x24: {  	s2 =	sshll.u32 s29, $0x4  }
0x25: {  	v2 =	vld.msk [tilespmem:s2+$0x0], $0xff;
	_ =	sdelay $0x4  }
0x26: {  	v3 =	vshll.u32 v2, $0x4  }
0x27: {  	v2 =	vand.u32 $0x7, v2;
	v3 =	vand.u32 $0xFFFFFF80, v3  }
0x28: {  	v2 =	vor.u32 v2, v3  }
0x29: {  	v2 =	vperm.xlane v2, v0;
	_ =	sdelay $0x1  }
0x2a: {  	v2 =	vadd.s32 v1, v2;
	_ =	sdelay $0x3  }
0x2b: {  	s20 =	simm.s32 $0x0;
	s0 =	simm.s32 $0x4100  }
0x2c: {  	[tilespmem:s0], [sflag:$0x1] =	stream.indirect_vreg.gather [hbm4b:s5+s20], $0x80, v2, vm0, $0xb8;
	[tilespmem:$0x1C100] =	vst v63  }
0x2d: {  	s3 =	simm.s32 $0x4900  }
0x2e: {  	[tilespmem:s3], [sflag:$0x1] =	stream.indirect_vreg.gather [hbm4b:s11+s20], $0x80, v2, vm0, $0xb8;
	[tilespmem:$0x1C100] =	vst v63  }
0x2f: {  	s9 =	simm.s32 $0x5100  }
0x30: {  	[tilespmem:s9], [sflag:$0x1] =	stream.indirect_vreg.gather [hbm4b:s12+s20], $0x80, v2, vm0, $0xb8;
	[tilespmem:$0x1C100] =	vst v63  }
0x31: {  	s18 =	simm.s32 $0x5900  }
0x32: {  	[tilespmem:s18], [sflag:$0x1] =	stream.indirect_vreg.gather [hbm4b:s13+s20], $0x80, v2, vm0, $0xb8;
	[tilespmem:$0x1C100] =	vst v63  }
0x33: {  	s21 =	simm.s32 $0x6100  }
0x34: {  	[tilespmem:s21], [sflag:$0x1] =	stream.indirect_vreg.gather [hbm4b:s14+s20], $0x80, v2, vm0, $0xb8;
	[tilespmem:$0x1C100] =	vst v63  }
0x35: {  	s1 =	simm.s32 $0x6900  }
0x36: {  	[tilespmem:s1], [sflag:$0x1] =	stream.indirect_vreg.gather [hbm4b:s15+s20], $0x80, v2, vm0, $0xb8;
	[tilespmem:$0x1C100] =	vst v63  }
0x37: {  	s3 =	simm.s32 $0x7100  }
0x38: {  	[tilespmem:s3], [sflag:$0x1] =	stream.indirect_vreg.gather [hbm4b:s16+s20], $0x80, v2, vm0, $0xb8;
	[tilespmem:$0x1C100] =	vst v63  }
0x39: {  	s9 =	simm.s32 $0x7900  }
0x3a: {  	[tilespmem:s9], [sflag:$0x1] =	stream.indirect_vreg.gather [hbm4b:s17+s20], $0x80, v2, vm0, $0xb8;
	[tilespmem:$0x1C100] =	vst v63  }
0x3b: {  	v2 =	vld.msk [tilespmem:s2+$0x80], $0xff;
	_ =	sdelay $0x4  }
0x3c: {  	v3 =	vshll.u32 v2, $0x4  }
0x3d: {  	v2 =	vand.u32 $0x7, v2;
	v3 =	vand.u32 $0xFFFFFF80, v3  }
0x3e: {  	v2 =	vor.u32 v2, v3  }
0x3f: {  	v2 =	vperm.xlane v2, v0;
	_ =	sdelay $0x1  }
0x40: {  	v2 =	vadd.s32 v1, v2;
	_ =	sdelay $0x3  }
0x41: {  	s18 =	simm.s32 $0x8100  }
0x42: {  	[tilespmem:s18], [sflag:$0x2] =	stream.indirect_vreg.gather [hbm4b:s5+s20], $0x80, v2, vm0, $0xb8;
	[tilespmem:$0x1C100] =	vst v63  }
0x43: {  	s21 =	simm.s32 $0x8900  }
0x44: {  	[tilespmem:s21], [sflag:$0x2] =	stream.indirect_vreg.gather [hbm4b:s11+s20], $0x80, v2, vm0, $0xb8;
	[tilespmem:$0x1C100] =	vst v63  }
0x45: {  	s1 =	simm.s32 $0x9100  }
0x46: {  	[tilespmem:s1], [sflag:$0x2] =	stream.indirect_vreg.gather [hbm4b:s12+s20], $0x80, v2, vm0, $0xb8;
	[tilespmem:$0x1C100] =	vst v63  }
0x47: {  	s3 =	simm.s32 $0x9900  }
0x48: {  	[tilespmem:s3], [sflag:$0x2] =	stream.indirect_vreg.gather [hbm4b:s13+s20], $0x80, v2, vm0, $0xb8;
	[tilespmem:$0x1C100] =	vst v63  }
0x49: {  	s9 =	simm.s32 $0xA100  }
0x4a: {  	[tilespmem:s9], [sflag:$0x2] =	stream.indirect_vreg.gather [hbm4b:s14+s20], $0x80, v2, vm0, $0xb8;
	[tilespmem:$0x1C100] =	vst v63  }
0x4b: {  	s18 =	simm.s32 $0xA900  }
0x4c: {  	[tilespmem:s18], [sflag:$0x2] =	stream.indirect_vreg.gather [hbm4b:s15+s20], $0x80, v2, vm0, $0xb8;
	[tilespmem:$0x1C100] =	vst v63  }
0x4d: {  	s21 =	simm.s32 $0xB100  }
0x4e: {  	[tilespmem:s21], [sflag:$0x2] =	stream.indirect_vreg.gather [hbm4b:s16+s20], $0x80, v2, vm0, $0xb8;
	[tilespmem:$0x1C100] =	vst v63  }
0x4f: {  	s1 =	simm.s32 $0xB900;
	s3 =	sor.u32 s4, s2  }
0x50: {  	[tilespmem:s1], [sflag:$0x2] =	stream.indirect_vreg.gather [hbm4b:s17+s20], $0x80, v2, vm0, $0xb8;
	[tilespmem:$0x1C100] =	vst v63  }
0x51: {  	s1 =	sshll.u32 s3, $0x8  }
0x52: {  	s0 =	sor.u32 $0x8, s2;
	s3 =	sadd.s32 s6, s1  }
0x53: {  	[tilespmem:s22], [sflag:$0x3] =	stream.linear.gather [hbm4b:s3+s20], $0x4000, $0x38;
	[tilespmem:$0x1C100] =	vst v63  }
0x54: {  	v2 =	vld.msk [tilespmem:s0+$0x0], $0xff;
	_ =	sdelay $0x4  }
0x55: {  	v3 =	vshll.u32 v2, $0x4  }
0x56: {  	v2 =	vand.u32 $0x7, v2;
	v3 =	vand.u32 $0xFFFFFF80, v3  }
0x57: {  	v2 =	vor.u32 v2, v3  }
0x58: {  	v2 =	vperm.xlane v2, v0;
	_ =	sdelay $0x1  }
0x59: {  	v2 =	vadd.s32 v1, v2;
	_ =	sdelay $0x3  }
0x5a: {  	s9 =	simm.s32 $0x10100  }
0x5b: {  	[tilespmem:s9], [sflag:$0x4] =	stream.indirect_vreg.gather [hbm4b:s5+s20], $0x80, v2, vm0, $0xb8;
	[tilespmem:$0x1C100] =	vst v63  }
0x5c: {  	s18 =	simm.s32 $0x10900  }
0x5d: {  	[tilespmem:s18], [sflag:$0x4] =	stream.indirect_vreg.gather [hbm4b:s11+s20], $0x80, v2, vm0, $0xb8;
	[tilespmem:$0x1C100] =	vst v63  }
0x5e: {  	s21 =	simm.s32 $0x11100  }
0x5f: {  	[tilespmem:s21], [sflag:$0x4] =	stream.indirect_vreg.gather [hbm4b:s12+s20], $0x80, v2, vm0, $0xb8;
	[tilespmem:$0x1C100] =	vst v63  }
0x60: {  	s22 =	simm.s32 $0x11900  }
0x61: {  	[tilespmem:s22], [sflag:$0x4] =	stream.indirect_vreg.gather [hbm4b:s13+s20], $0x80, v2, vm0, $0xb8;
	[tilespmem:$0x1C100] =	vst v63  }
0x62: {  	s9 =	simm.s32 $0x12100  }
0x63: {  	[tilespmem:s9], [sflag:$0x4] =	stream.indirect_vreg.gather [hbm4b:s14+s20], $0x80, v2, vm0, $0xb8;
	[tilespmem:$0x1C100] =	vst v63  }
0x64: {  	s18 =	simm.s32 $0x12900  }
0x65: {  	[tilespmem:s18], [sflag:$0x4] =	stream.indirect_vreg.gather [hbm4b:s15+s20], $0x80, v2, vm0, $0xb8;
	[tilespmem:$0x1C100] =	vst v63  }
0x66: {  	s21 =	simm.s32 $0x13100  }
0x67: {  	[tilespmem:s21], [sflag:$0x4] =	stream.indirect_vreg.gather [hbm4b:s16+s20], $0x80, v2, vm0, $0xb8;
	[tilespmem:$0x1C100] =	vst v63  }
0x68: {  	s22 =	simm.s32 $0x13900  }
0x69: {  	[tilespmem:s22], [sflag:$0x4] =	stream.indirect_vreg.gather [hbm4b:s17+s20], $0x80, v2, vm0, $0xb8;
	[tilespmem:$0x1C100] =	vst v63  }
0x6a: {  	v2 =	vld.msk [tilespmem:s2+$0x88], $0xff;
	_ =	sdelay $0x4  }
0x6b: {  	v3 =	vshll.u32 v2, $0x4  }
0x6c: {  	v2 =	vand.u32 $0x7, v2;
	v3 =	vand.u32 $0xFFFFFF80, v3  }
0x6d: {  	v2 =	vor.u32 v2, v3  }
0x6e: {  	v2 =	vperm.xlane v2, v0;
	_ =	sdelay $0x1  }
0x6f: {  	v2 =	vadd.s32 v1, v2;
	_ =	sdelay $0x3  }
0x70: {  	s9 =	simm.s32 $0x14100  }
0x71: {  	[tilespmem:s9], [sflag:$0x5] =	stream.indirect_vreg.gather [hbm4b:s5+s20], $0x80, v2, vm0, $0xb8;
	[tilespmem:$0x1C100] =	vst v63  }
0x72: {  	s18 =	simm.s32 $0x14900  }
0x73: {  	[tilespmem:s18], [sflag:$0x5] =	stream.indirect_vreg.gather [hbm4b:s11+s20], $0x80, v2, vm0, $0xb8;
	[tilespmem:$0x1C100] =	vst v63  }
0x74: {  	s21 =	simm.s32 $0x15100  }
0x75: {  	[tilespmem:s21], [sflag:$0x5] =	stream.indirect_vreg.gather [hbm4b:s12+s20], $0x80, v2, vm0, $0xb8;
	[tilespmem:$0x1C100] =	vst v63  }
0x76: {  	s22 =	simm.s32 $0x15900  }
0x77: {  	[tilespmem:s22], [sflag:$0x5] =	stream.indirect_vreg.gather [hbm4b:s13+s20], $0x80, v2, vm0, $0xb8;
	[tilespmem:$0x1C100] =	vst v63  }
0x78: {  	s3 =	simm.s32 $0x16100  }
0x79: {  	[tilespmem:s3], [sflag:$0x5] =	stream.indirect_vreg.gather [hbm4b:s14+s20], $0x80, v2, vm0, $0xb8;
	[tilespmem:$0x1C100] =	vst v63  }
0x7a: {  	s9 =	simm.s32 $0x16900  }
0x7b: {  	[tilespmem:s9], [sflag:$0x5] =	stream.indirect_vreg.gather [hbm4b:s15+s20], $0x80, v2, vm0, $0xb8;
	[tilespmem:$0x1C100] =	vst v63  }
0x7c: {  	s18 =	simm.s32 $0x17100;
	s21 =	sor.u32 s4, s0  }
0x7d: {  	[tilespmem:s18], [sflag:$0x5] =	stream.indirect_vreg.gather [hbm4b:s16+s20], $0x80, v2, vm0, $0xb8;
	[tilespmem:$0x1C100] =	vst v63  }
0x7e: {  	s30 =	sshll.u32 s21, $0x8;
	s22 =	simm.s32 $0x17900  }
0x7f: {  	[tilespmem:s22], [sflag:$0x5] =	stream.indirect_vreg.gather [hbm4b:s17+s20], $0x80, v2, vm0, $0xb8;
	[tilespmem:$0x1C100] =	vst v63  }
0x80: {  	s2 =	sadd.s32 s6, s30;
	s3 =	simm.s32 $0x1  }
0x81: {  	[tilespmem:s7], [sflag:$0x6] =	stream.linear.gather [hbm4b:s2+s20], $0x4000, $0x38;
	[tilespmem:$0x1C100] =	vst v63  }
0x82: {  	_ =	swait.ge [sflag:s3], $0x4000  }
0x83: {  	[sflag:s3] =	ssyncset.done $0x0  }
0x84: {  	[sflag:s3] =	ssyncadd.s32 $0xFFFFC000  }
0x85: {  	_ =	swait.ge [sflag:s8], $0x4000  }
0x86: {  	[sflag:s8] =	ssyncset.done $0x0  }
0x87: {  	[sflag:s8] =	ssyncadd.s32 $0xFFFFC000  }
0x88: {  	_ =	swait.ge [sflag:s19], $0x4000  }
0x89: {  	[sflag:s19] =	ssyncset.done $0x0  }
0x8a: {  	s31 =	sshll.u32 s29, $0xB;
	[sflag:s19] =	ssyncadd.s32 $0xFFFFC000  }
0x8b: {  	v5 =	vld [tilespmem:s31+$0x100]  }
0x8c: {  	v9 =	vld [tilespmem:s31+$0x180]  }
0x8d: {  	v2 =	vld [tilespmem:s31+$0x200]  }
0x8e: {  	v4 =	vld [tilespmem:s31+$0x280]  }
0x8f: {  	v8 =	vld [tilespmem:s31+$0x300]  }
0x90: {  	v11 =	vld [tilespmem:s31+$0x380]  }
0x91: {  	v6 =	vld [tilespmem:s31+$0x400]  }
0x92: {  	v10 =	vld [tilespmem:s31+$0x2100]  }
0x93: {  	v13 =	vld [tilespmem:s31+$0x2180]  }
0x94: {  	v3 =	vld [tilespmem:s31+$0x2200]  }
0x95: {  	v12 =	vld [tilespmem:s31+$0x2280]  }
0x96: {  	v17 =	vld [tilespmem:s31+$0x2300]  }
0x97: {  	s9 =	sand.u32 $0x3C00, s20;
	s7 =	sand.u32 $0x70, s20;
	v16 =	vld [tilespmem:s31+$0x2380]  }
0x98: {  	s2 =	sor.u32 s7, s9;
	v7 =	vld [tilespmem:s31+$0x2400]  }
0x99: {  	v14 =	vld [tilespmem:s2+$0xC180]  }
0x9a: {  	v15 =	vld [tilespmem:s2+$0xC380]  }
0x9b: {  	v18 =	vld [tilespmem:s2+$0x8380]  }
0x9c: {  	v19 =	vld [tilespmem:s2+$0x4380]  }
0x9d: {  	v20 =	vld [tilespmem:s2+$0x8280]  }
0x9e: {  	v21 =	vld [tilespmem:s2+$0x8300]  }
0x9f: {  	v22 =	vld [tilespmem:s2+$0x8400]  }
0xa0: {  	v23 =	vld [tilespmem:s2+$0x8180]  }
0xa1: {  	v24 =	vld [tilespmem:s2+$0x4100]  }
0xa2: {  	v25 =	vld [tilespmem:s2+$0x8100]  }
0xa3: {  	v26 =	vld [tilespmem:s2+$0x8200]  }
0xa4: {  	v27 =	vld [tilespmem:s2+$0x4180]  }
0xa5: {  	v28 =	vld [tilespmem:s2+$0x4400]  }
0xa6: {  	v29 =	vld [tilespmem:s2+$0x4300]  }
0xa7: {  	v30 =	vld [tilespmem:s2+$0x4280]  }
0xa8: {  	v31 =	vld [tilespmem:s2+$0x4200]  }
0xa9: {  	v32 =	vld [tilespmem:s2+$0xC300];
	v19 =	vmul.f32 v19, v11  }
0xaa: {  	v33 =	vld [tilespmem:s2+$0xC100];
	v21 =	vmul.f32 v21, v17;
	v18 =	vmul.f32 v18, v16  }
0xab: {  	v61 =	vld [tilespmem:s2+$0xC280];
	v23 =	vmul.f32 v23, v13;
	v15 =	vadd.f32 v19, v15;
	v19 =	vmul.f32 v27, v9  }
0xac: {  	v34 =	vld [tilespmem:s2+$0xC400];
	v20 =	vmul.f32 v20, v12;
	v29 =	vmul.f32 v29, v8  }
0xad: {  	v35 =	vld [tilespmem:s2+$0xC200];
	v24 =	vmul.f32 v24, v5;
	v25 =	vmul.f32 v25, v10;
	v19 =	vadd.f32 v19, v14  }
0xae: {  	v30 =	vmul.f32 v30, v4;
	v29 =	vadd.f32 v29, v32;
	v18 =	vadd.f32 v18, v15  }
0xaf: {  	v28 =	vmul.f32 v28, v6;
	v24 =	vadd.f32 v24, v33;
	v14 =	vld [tilespmem:s31+$0x480];
	v19 =	vadd.f32 v23, v19  }
0xb0: {  	v62 =	vadd.f32 v30, v61;
	v15 =	vld [tilespmem:s31+$0x2480];
	v21 =	vadd.f32 v21, v29;
	[tilespmem:s2+$0xC380] =	vst v18;
	v18 =	vmul.f32 v31, v2  }
0xb1: {  	v22 =	vmul.f32 v22, v7;
	v24 =	vadd.f32 v25, v24;
	[tilespmem:s2+$0xC180] =	vst v19;
	v19 =	vadd.f32 v28, v34  }
0xb2: {  	v63 =	vmul.f32 v26, v3;
	v20 =	vadd.f32 v20, v62;
	[tilespmem:s2+$0xC300] =	vst v21;
	v18 =	vadd.f32 v18, v35  }
0xb3: {  	s18 =	sand.u32 $0x7, s20;
	[tilespmem:s2+$0xC100] =	vst v24;
	v19 =	vadd.f32 v22, v19  }
0xb4: {  	s3 =	sshll.u32 s18, $0x4;
	[tilespmem:s2+$0xC280] =	vst v20;
	v18 =	vadd.f32 v63, v18  }
0xb5: {  	s3 =	sadd.s32 $0x0, s3;
	[tilespmem:s2+$0xC400] =	vst v19  }
0xb6: {  	s18 =	sor.u32 $0x380, s3;
	[tilespmem:s2+$0xC200] =	vst v18  }
0xb7: {  	v18 =	vld [tilespmem:s18+$0x4100]  }
0xb8: {  	v19 =	vld [tilespmem:s18+$0xC100]  }
0xb9: {  	v20 =	vld [tilespmem:s18+$0x8100];
	_ =	sdelay $0x2  }
0xba: {  	v18 =	vmul.f32 v18, v14  }
0xbb: {  	s22 =	simm.s32 $0x1  }
0xbc: {  	s21 =	sand.u32 $0x7, s22;
	s20 =	simm.s32 $0x10;
	s7 =	simm.s32 $0x80;
	v18 =	vadd.f32 v18, v19;
	v19 =	vmul.f32 v20, v15  }
0xbd: {  	s9 =	sshll.u32 s21, $0x4;
	s21 =	sand.u32 $0x3C00, s7;
	s2 =	sand.u32 $0x70, s20  }
0xbe: {  	s3 =	simm.s32 $0x20;
	s20 =	sadd.s32 $0x80, s9;
	s21 =	sor.u32 s2, s21;
	v18 =	vadd.f32 v19, v18  }
.LBB2_3:
0xbf: {  	_ = 	snop  }
0xc0: {  	p0 =	sne.s32 s3, $0x7F0;
	s7 =	sadd.s32 $0x80, s7;
	s22 =	sadd.s32 $0x1, s22;
	[tilespmem:s18+$0xC100] =	vst v18  }
0xc1: {  	s2 =	sand.u32 $0x7, s22;
	s18 =	smov.u32 s3;
	s3 =	sadd.s32 $0x10, s3;
	v18 =	vld [tilespmem:s21+$0xC180]  }
0xc2: {  	s2 =	sshll.u32 s2, $0x4;
	v19 =	vld [tilespmem:s21+$0xC380]  }
0xc3: {  	s2 =	sadd.s32 s2, s7;
	v20 =	vld [tilespmem:s21+$0x8380]  }
0xc4: {  	v21 =	vld [tilespmem:s21+$0x4380]  }
0xc5: {  	v22 =	vld [tilespmem:s21+$0x8280]  }
0xc6: {  	v23 =	vld [tilespmem:s21+$0x8300]  }
0xc7: {  	v24 =	vld [tilespmem:s21+$0x8400]  }
0xc8: {  	v25 =	vld [tilespmem:s21+$0x8180]  }
0xc9: {  	v26 =	vld [tilespmem:s21+$0x4100]  }
0xca: {  	v27 =	vld [tilespmem:s21+$0x8100]  }
0xcb: {  	v28 =	vld [tilespmem:s21+$0x8200];
	v23 =	vmul.f32 v23, v17  }
0xcc: {  	v20 =	vmul.f32 v20, v16;
	v29 =	vld [tilespmem:s21+$0x4180]  }
0xcd: {  	v21 =	vmul.f32 v21, v11;
	v30 =	vld [tilespmem:s21+$0x4400]  }
0xce: {  	v22 =	vmul.f32 v22, v12;
	v25 =	vmul.f32 v25, v13;
	v31 =	vld [tilespmem:s21+$0x4300]  }
0xcf: {  	v19 =	vadd.f32 v21, v19;
	v27 =	vmul.f32 v27, v10;
	v32 =	vld [tilespmem:s21+$0x4280]  }
0xd0: {  	v21 =	vld [tilespmem:s21+$0x4200]  }
0xd1: {  	s9 =	sand.u32 $0x3C00, s7;
	s18 =	sand.u32 $0x70, s18;
	v19 =	vadd.f32 v20, v19;
	v28 =	vmul.f32 v28, v3;
	v29 =	vmul.f32 v29, v9;
	v33 =	vld [tilespmem:s21+$0xC300]  }
0xd2: {  	s9 =	sor.u32 s18, s9;
	v24 =	vmul.f32 v24, v7;
	v20 =	vld [tilespmem:s21+$0xC100]  }
0xd3: {  	v26 =	vmul.f32 v26, v5;
	v34 =	vld [tilespmem:s21+$0xC280];
	[tilespmem:s21+$0xC380] =	vst v19  }
0xd4: {  	v30 =	vmul.f32 v30, v6;
	v19 =	vmul.f32 v31, v8;
	v31 =	vld [tilespmem:s21+$0xC400]  }
0xd5: {  	v18 =	vadd.f32 v29, v18;
	v32 =	vmul.f32 v32, v4;
	v29 =	vld [tilespmem:s21+$0xC200];
	v21 =	vmul.f32 v21, v2  }
0xd6: {  	v19 =	vadd.f32 v19, v33  }
0xd7: {  	v18 =	vadd.f32 v25, v18;
	v20 =	vadd.f32 v26, v20  }
0xd8: {  	v25 =	vadd.f32 v32, v34;
	v19 =	vadd.f32 v23, v19  }
0xd9: {  	v20 =	vadd.f32 v27, v20;
	[tilespmem:s21+$0xC180] =	vst v18;
	v18 =	vadd.f32 v30, v31  }
0xda: {  	v21 =	vadd.f32 v21, v29;
	v22 =	vadd.f32 v22, v25;
	[tilespmem:s21+$0xC300] =	vst v19  }
0xdb: {  	[tilespmem:s21+$0xC100] =	vst v20;
	v18 =	vadd.f32 v24, v18  }
0xdc: {  	v19 =	vadd.f32 v28, v21;
	[tilespmem:s21+$0xC280] =	vst v22  }
0xdd: {  	[tilespmem:s21+$0xC400] =	vst v18  }
0xde: {  	s18 =	sor.u32 $0x380, s20;
	s20 =	smov.u32 s2;
	[tilespmem:s21+$0xC200] =	vst v19;
	s21 =	smov.u32 s9  }
0xdf: {  	v18 =	vld [tilespmem:s18+$0x4100]  }
0xe0: {  	v19 =	vld [tilespmem:s18+$0xC100]  }
0xe1: {  	v20 =	vld [tilespmem:s18+$0x8100];
	_ =	sdelay $0x2  }
.Ltmp0:
0xe2: {  	v18 =	vmul.f32 v18, v14;
	(pc) =	sbr.rel @p0 .LBB2_3-.Ltmp0, $3  }
0xe3: {  	_ = 	snop  }
0xe4: {  	v18 =	vadd.f32 v18, v19;
	v19 =	vmul.f32 v20, v15;
	_ =	sdelay $0x1  }
0xe5: {  	v18 =	vadd.f32 v19, v18  }
0xe6: {  	_ = 	snop  }
0xe7: {  	[tilespmem:s18+$0xC100] =	vst v18  }
0xe8: {  	v18 =	vld [tilespmem:s21+$0xC180]  }
0xe9: {  	v19 =	vld [tilespmem:s21+$0xC380]  }
0xea: {  	v20 =	vld [tilespmem:s21+$0x8380]  }
0xeb: {  	v21 =	vld [tilespmem:s21+$0x4380]  }
0xec: {  	v22 =	vld [tilespmem:s21+$0x8280]  }
0xed: {  	v23 =	vld [tilespmem:s21+$0x8300]  }
0xee: {  	v24 =	vld [tilespmem:s21+$0x8400]  }
0xef: {  	v25 =	vld [tilespmem:s21+$0x8180]  }
0xf0: {  	v26 =	vld [tilespmem:s21+$0x4100]  }
0xf1: {  	v27 =	vld [tilespmem:s21+$0x8100]  }
0xf2: {  	v28 =	vld [tilespmem:s21+$0x8200]  }
0xf3: {  	v29 =	vld [tilespmem:s21+$0x4180]  }
0xf4: {  	v30 =	vld [tilespmem:s21+$0x4400]  }
0xf5: {  	v31 =	vld [tilespmem:s21+$0x4300]  }
0xf6: {  	v32 =	vld [tilespmem:s21+$0x4280]  }
0xf7: {  	v33 =	vld [tilespmem:s21+$0x4200]  }
0xf8: {  	v46 =	vld [tilespmem:s21+$0xC300];
	v17 =	vmul.f32 v23, v17  }
0xf9: {  	v16 =	vmul.f32 v20, v16;
	v11 =	vmul.f32 v21, v11;
	v20 =	vld [tilespmem:s21+$0xC100]  }
0xfa: {  	v47 =	vld [tilespmem:s21+$0xC280];
	v13 =	vmul.f32 v25, v13;
	v9 =	vmul.f32 v29, v9  }
0xfb: {  	v12 =	vmul.f32 v22, v12;
	v8 =	vmul.f32 v31, v8;
	v11 =	vadd.f32 v11, v19;
	v19 =	vld [tilespmem:s21+$0xC400]  }
0xfc: {  	v10 =	vmul.f32 v27, v10;
	v5 =	vmul.f32 v26, v5;
	v9 =	vadd.f32 v9, v18;
	v18 =	vld [tilespmem:s21+$0xC200]  }
0xfd: {  	v4 =	vmul.f32 v32, v4;
	v8 =	vadd.f32 v8, v46;
	v11 =	vadd.f32 v16, v11  }
0xfe: {  	v6 =	vmul.f32 v30, v6;
	v9 =	vadd.f32 v13, v9;
	v5 =	vadd.f32 v5, v20  }
0xff: {  	v2 =	vmul.f32 v33, v2;
	v4 =	vadd.f32 v4, v47;
	v8 =	vadd.f32 v17, v8;
	[tilespmem:s21+$0xC380] =	vst v11  }
0x100: {  	v7 =	vmul.f32 v24, v7;
	[tilespmem:s21+$0xC180] =	vst v9;
	v5 =	vadd.f32 v10, v5;
	v6 =	vadd.f32 v6, v19  }
0x101: {  	v3 =	vmul.f32 v28, v3;
	v4 =	vadd.f32 v12, v4;
	[tilespmem:s21+$0xC300] =	vst v8;
	v2 =	vadd.f32 v2, v18  }
0x102: {  	[tilespmem:s21+$0xC100] =	vst v5;
	v5 =	vadd.f32 v7, v6  }
0x103: {  	[tilespmem:s21+$0xC280] =	vst v4;
	v2 =	vadd.f32 v3, v2  }
0x104: {  	[tilespmem:s21+$0xC400] =	vst v5  }
0x105: {  	s2 =	sor.u32 $0x380, s20;
	[tilespmem:s21+$0xC200] =	vst v2  }
0x106: {  	v2 =	vld [tilespmem:s2+$0x4100]  }
0x107: {  	v3 =	vld [tilespmem:s2+$0xC100]  }
0x108: {  	v4 =	vld [tilespmem:s2+$0x8100];
	_ =	sdelay $0x2  }
0x109: {  	v2 =	vmul.f32 v2, v14;
	_ =	sdelay $0x1  }
0x10a: {  	v2 =	vadd.f32 v2, v3;
	v3 =	vmul.f32 v4, v15;
	_ =	sdelay $0x1  }
0x10b: {  	v2 =	vadd.f32 v3, v2;
	_ =	sdelay $0x1  }
0x10c: {  	s1 =	sadd.s32 s10, s1;
	s3 =	simm.s32 $0x0;
	s22 =	simm.s32 $0xC100;
	[tilespmem:s2+$0xC100] =	vst v2  }
0x10d: {  	[hbm4b:s1+s3] =	stream.linear.scatter [tilespmem:s22], [sflag:$0x7], $0x4000, $0x38;
	[tilespmem:$0x1C100] =	vst v63  }
0x10e: {  	_ =	swait.ge [sflag:s23], $0x4000  }
0x10f: {  	[sflag:s23] =	ssyncset.done $0x0  }
0x110: {  	[sflag:s23] =	ssyncadd.s32 $0xFFFFC000  }
0x111: {  	_ =	swait.ge [sflag:s24], $0x4000  }
0x112: {  	[sflag:s24] =	ssyncset.done $0x0  }
0x113: {  	[sflag:s24] =	ssyncadd.s32 $0xFFFFC000  }
0x114: {  	_ =	swait.ge [sflag:s25], $0x4000  }
0x115: {  	[sflag:s25] =	ssyncset.done $0x0  }
0x116: {  	s0 =	sshll.u32 s0, $0x7;
	[sflag:s25] =	ssyncadd.s32 $0xFFFFC000  }
0x117: {  	v5 =	vld [tilespmem:s0+$0x100]  }
0x118: {  	v9 =	vld [tilespmem:s31+$0x580]  }
0x119: {  	v2 =	vld [tilespmem:s31+$0x600]  }
0x11a: {  	v4 =	vld [tilespmem:s31+$0x680]  }
0x11b: {  	v8 =	vld [tilespmem:s31+$0x700]  }
0x11c: {  	v11 =	vld [tilespmem:s31+$0x780]  }
0x11d: {  	v6 =	vld [tilespmem:s31+$0x800]  }
0x11e: {  	v10 =	vld [tilespmem:s0+$0x2100]  }
0x11f: {  	v13 =	vld [tilespmem:s31+$0x2580]  }
0x120: {  	v3 =	vld [tilespmem:s31+$0x2600]  }
0x121: {  	v12 =	vld [tilespmem:s31+$0x2680]  }
0x122: {  	v17 =	vld [tilespmem:s31+$0x2700]  }
0x123: {  	s7 =	sand.u32 $0x70, s3;
	s9 =	sand.u32 $0x3C00, s3;
	v16 =	vld [tilespmem:s31+$0x2780]  }
0x124: {  	v7 =	vld [tilespmem:s31+$0x2800];
	s0 =	sor.u32 s7, s9  }
0x125: {  	v14 =	vld [tilespmem:s0+$0x18180]  }
0x126: {  	v15 =	vld [tilespmem:s0+$0x18380]  }
0x127: {  	v18 =	vld [tilespmem:s0+$0x14380]  }
0x128: {  	v19 =	vld [tilespmem:s0+$0x10380]  }
0x129: {  	v20 =	vld [tilespmem:s0+$0x14280]  }
0x12a: {  	v48 =	vld [tilespmem:s0+$0x14300]  }
0x12b: {  	v49 =	vld [tilespmem:s0+$0x14400]  }
0x12c: {  	v50 =	vld [tilespmem:s0+$0x14180]  }
0x12d: {  	v51 =	vld [tilespmem:s0+$0x10100]  }
0x12e: {  	v52 =	vld [tilespmem:s0+$0x14100]  }
0x12f: {  	v53 =	vld [tilespmem:s0+$0x14200]  }
0x130: {  	v54 =	vld [tilespmem:s0+$0x10180]  }
0x131: {  	v55 =	vld [tilespmem:s0+$0x10400]  }
0x132: {  	v56 =	vld [tilespmem:s0+$0x10300]  }
0x133: {  	v57 =	vld [tilespmem:s0+$0x10280]  }
0x134: {  	v58 =	vld [tilespmem:s0+$0x10200]  }
0x135: {  	v59 =	vld [tilespmem:s0+$0x18300];
	v19 =	vmul.f32 v19, v11  }
0x136: {  	v60 =	vld [tilespmem:s0+$0x18100];
	v21 =	vmul.f32 v48, v17;
	v18 =	vmul.f32 v18, v16  }
0x137: {  	v61 =	vld [tilespmem:s0+$0x18280];
	v23 =	vmul.f32 v50, v13;
	v15 =	vadd.f32 v19, v15;
	v19 =	vmul.f32 v54, v9  }
0x138: {  	v34 =	vld [tilespmem:s0+$0x18400];
	v20 =	vmul.f32 v20, v12;
	v29 =	vmul.f32 v56, v8  }
0x139: {  	v35 =	vld [tilespmem:s0+$0x18200];
	v24 =	vmul.f32 v51, v5;
	v25 =	vmul.f32 v52, v10;
	v19 =	vadd.f32 v19, v14  }
0x13a: {  	v30 =	vmul.f32 v57, v4;
	v29 =	vadd.f32 v29, v59;
	v18 =	vadd.f32 v18, v15  }
0x13b: {  	v28 =	vmul.f32 v55, v6;
	v24 =	vadd.f32 v24, v60;
	v14 =	vld [tilespmem:s31+$0x880];
	v19 =	vadd.f32 v23, v19  }
0x13c: {  	v62 =	vadd.f32 v30, v61;
	v15 =	vld [tilespmem:s31+$0x2880];
	v21 =	vadd.f32 v21, v29;
	[tilespmem:s0+$0x18380] =	vst v18;
	v18 =	vmul.f32 v58, v2  }
0x13d: {  	v22 =	vmul.f32 v49, v7;
	v24 =	vadd.f32 v25, v24;
	[tilespmem:s0+$0x18180] =	vst v19;
	v19 =	vadd.f32 v28, v34  }
0x13e: {  	v63 =	vmul.f32 v53, v3;
	v20 =	vadd.f32 v20, v62;
	[tilespmem:s0+$0x18300] =	vst v21;
	v18 =	vadd.f32 v18, v35  }
0x13f: {  	s1 =	sand.u32 $0x7, s3;
	[tilespmem:s0+$0x18100] =	vst v24;
	v19 =	vadd.f32 v22, v19  }
0x140: {  	s1 =	sshll.u32 s1, $0x4;
	[tilespmem:s0+$0x18280] =	vst v20;
	v18 =	vadd.f32 v63, v18  }
0x141: {  	s1 =	sadd.s32 $0x0, s1;
	[tilespmem:s0+$0x18400] =	vst v19  }
0x142: {  	s3 =	sor.u32 $0x380, s1;
	[tilespmem:s0+$0x18200] =	vst v18  }
0x143: {  	v18 =	vld [tilespmem:s3+$0x10100]  }
0x144: {  	v19 =	vld [tilespmem:s3+$0x18100]  }
0x145: {  	v20 =	vld [tilespmem:s3+$0x14100];
	_ =	sdelay $0x2  }
0x146: {  	v18 =	vmul.f32 v18, v14  }
0x147: {  	s20 =	simm.s32 $0x1  }
0x148: {  	s18 =	simm.s32 $0x10;
	s21 =	sand.u32 $0x7, s20;
	s7 =	simm.s32 $0x80;
	v18 =	vadd.f32 v18, v19;
	v19 =	vmul.f32 v20, v15  }
0x149: {  	s1 =	sshll.u32 s21, $0x4;
	s9 =	sand.u32 $0x3C00, s7;
	s31 =	sand.u32 $0x70, s18  }
0x14a: {  	s21 =	simm.s32 $0x20;
	s0 =	sadd.s32 $0x80, s1;
	s1 =	sor.u32 s31, s9;
	v18 =	vadd.f32 v19, v18  }
.LBB2_5:
0x14b: {  	_ = 	snop  }
0x14c: {  	p0 =	sne.s32 s21, $0x7F0;
	s7 =	sadd.s32 $0x80, s7;
	s20 =	sadd.s32 $0x1, s20;
	[tilespmem:s3+$0x18100] =	vst v18  }
0x14d: {  	s2 =	sand.u32 $0x7, s20;
	s3 =	smov.u32 s21;
	s21 =	sadd.s32 $0x10, s21;
	v18 =	vld [tilespmem:s1+$0x18180]  }
0x14e: {  	s2 =	sshll.u32 s2, $0x4;
	v19 =	vld [tilespmem:s1+$0x18380]  }
0x14f: {  	s2 =	sadd.s32 s2, s7;
	v20 =	vld [tilespmem:s1+$0x14380]  }
0x150: {  	v21 =	vld [tilespmem:s1+$0x10380]  }
0x151: {  	v22 =	vld [tilespmem:s1+$0x14280]  }
0x152: {  	v23 =	vld [tilespmem:s1+$0x14300]  }
0x153: {  	v24 =	vld [tilespmem:s1+$0x14400]  }
0x154: {  	v25 =	vld [tilespmem:s1+$0x14180]  }
0x155: {  	v26 =	vld [tilespmem:s1+$0x10100]  }
0x156: {  	v27 =	vld [tilespmem:s1+$0x14100]  }
0x157: {  	v28 =	vld [tilespmem:s1+$0x14200];
	v23 =	vmul.f32 v23, v17  }
0x158: {  	v20 =	vmul.f32 v20, v16;
	v29 =	vld [tilespmem:s1+$0x10180]  }
0x159: {  	v21 =	vmul.f32 v21, v11;
	v30 =	vld [tilespmem:s1+$0x10400]  }
0x15a: {  	v22 =	vmul.f32 v22, v12;
	v25 =	vmul.f32 v25, v13;
	v31 =	vld [tilespmem:s1+$0x10300]  }
0x15b: {  	v19 =	vadd.f32 v21, v19;
	v27 =	vmul.f32 v27, v10;
	v32 =	vld [tilespmem:s1+$0x10280]  }
0x15c: {  	v21 =	vld [tilespmem:s1+$0x10200]  }
0x15d: {  	s9 =	sand.u32 $0x3C00, s7;
	s3 =	sand.u32 $0x70, s3;
	v19 =	vadd.f32 v20, v19;
	v28 =	vmul.f32 v28, v3;
	v29 =	vmul.f32 v29, v9;
	v33 =	vld [tilespmem:s1+$0x18300]  }
0x15e: {  	s9 =	sor.u32 s3, s9;
	v24 =	vmul.f32 v24, v7;
	v20 =	vld [tilespmem:s1+$0x18100]  }
0x15f: {  	v26 =	vmul.f32 v26, v5;
	v34 =	vld [tilespmem:s1+$0x18280];
	[tilespmem:s1+$0x18380] =	vst v19  }
0x160: {  	v30 =	vmul.f32 v30, v6;
	v19 =	vmul.f32 v31, v8;
	v31 =	vld [tilespmem:s1+$0x18400]  }
0x161: {  	v18 =	vadd.f32 v29, v18;
	v32 =	vmul.f32 v32, v4;
	v29 =	vld [tilespmem:s1+$0x18200];
	v21 =	vmul.f32 v21, v2  }
0x162: {  	v19 =	vadd.f32 v19, v33  }
0x163: {  	v18 =	vadd.f32 v25, v18;
	v20 =	vadd.f32 v26, v20  }
0x164: {  	v25 =	vadd.f32 v32, v34;
	v19 =	vadd.f32 v23, v19  }
0x165: {  	v20 =	vadd.f32 v27, v20;
	[tilespmem:s1+$0x18180] =	vst v18;
	v18 =	vadd.f32 v30, v31  }
0x166: {  	v21 =	vadd.f32 v21, v29;
	v22 =	vadd.f32 v22, v25;
	[tilespmem:s1+$0x18300] =	vst v19  }
0x167: {  	[tilespmem:s1+$0x18100] =	vst v20;
	v18 =	vadd.f32 v24, v18  }
0x168: {  	v19 =	vadd.f32 v28, v21;
	[tilespmem:s1+$0x18280] =	vst v22  }
0x169: {  	[tilespmem:s1+$0x18400] =	vst v18  }
0x16a: {  	s3 =	sor.u32 $0x380, s0;
	s0 =	smov.u32 s2;
	[tilespmem:s1+$0x18200] =	vst v19;
	s1 =	smov.u32 s9  }
0x16b: {  	v18 =	vld [tilespmem:s3+$0x10100]  }
0x16c: {  	v19 =	vld [tilespmem:s3+$0x18100]  }
0x16d: {  	v20 =	vld [tilespmem:s3+$0x14100];
	_ =	sdelay $0x2  }
.Ltmp1:
0x16e: {  	v18 =	vmul.f32 v18, v14;
	(pc) =	sbr.rel @p0 .LBB2_5-.Ltmp1, $3  }
0x16f: {  	_ = 	snop  }
0x170: {  	v18 =	vadd.f32 v18, v19;
	v19 =	vmul.f32 v20, v15;
	_ =	sdelay $0x1  }
0x171: {  	v18 =	vadd.f32 v19, v18  }
0x172: {  	_ = 	snop  }
0x173: {  	[tilespmem:s3+$0x18100] =	vst v18  }
0x174: {  	v18 =	vld [tilespmem:s1+$0x18180]  }
0x175: {  	v19 =	vld [tilespmem:s1+$0x18380]  }
0x176: {  	v20 =	vld [tilespmem:s1+$0x14380]  }
0x177: {  	v21 =	vld [tilespmem:s1+$0x10380]  }
0x178: {  	v22 =	vld [tilespmem:s1+$0x14280]  }
0x179: {  	v23 =	vld [tilespmem:s1+$0x14300]  }
0x17a: {  	v24 =	vld [tilespmem:s1+$0x14400]  }
0x17b: {  	v25 =	vld [tilespmem:s1+$0x14180]  }
0x17c: {  	v26 =	vld [tilespmem:s1+$0x10100]  }
0x17d: {  	v27 =	vld [tilespmem:s1+$0x14100]  }
0x17e: {  	v28 =	vld [tilespmem:s1+$0x14200]  }
0x17f: {  	v29 =	vld [tilespmem:s1+$0x10180]  }
0x180: {  	v30 =	vld [tilespmem:s1+$0x10400]  }
0x181: {  	v31 =	vld [tilespmem:s1+$0x10300]  }
0x182: {  	v32 =	vld [tilespmem:s1+$0x10280]  }
0x183: {  	v33 =	vld [tilespmem:s1+$0x10200]  }
0x184: {  	v58 =	vld [tilespmem:s1+$0x18300];
	v17 =	vmul.f32 v23, v17  }
0x185: {  	v59 =	vld [tilespmem:s1+$0x18100];
	v16 =	vmul.f32 v20, v16;
	v11 =	vmul.f32 v21, v11  }
0x186: {  	v60 =	vld [tilespmem:s1+$0x18280];
	v13 =	vmul.f32 v25, v13;
	v9 =	vmul.f32 v29, v9  }
0x187: {  	v61 =	vld [tilespmem:s1+$0x18400];
	v12 =	vmul.f32 v22, v12;
	v8 =	vmul.f32 v31, v8;
	v11 =	vadd.f32 v11, v19  }
0x188: {  	v62 =	vld [tilespmem:s1+$0x18200];
	v10 =	vmul.f32 v27, v10;
	v5 =	vmul.f32 v26, v5;
	v9 =	vadd.f32 v9, v18  }
0x189: {  	v4 =	vmul.f32 v32, v4;
	v8 =	vadd.f32 v8, v58;
	v11 =	vadd.f32 v16, v11  }
0x18a: {  	v6 =	vmul.f32 v30, v6;
	v5 =	vadd.f32 v5, v59;
	v9 =	vadd.f32 v13, v9  }
0x18b: {  	v2 =	vmul.f32 v33, v2;
	v4 =	vadd.f32 v4, v60;
	v8 =	vadd.f32 v17, v8;
	[tilespmem:s1+$0x18380] =	vst v11  }
0x18c: {  	v7 =	vmul.f32 v24, v7;
	v6 =	vadd.f32 v6, v61;
	v5 =	vadd.f32 v10, v5;
	[tilespmem:s1+$0x18180] =	vst v9  }
0x18d: {  	v3 =	vmul.f32 v28, v3;
	v2 =	vadd.f32 v2, v62;
	v4 =	vadd.f32 v12, v4;
	[tilespmem:s1+$0x18300] =	vst v8  }
0x18e: {  	v63 =	vadd.f32 v7, v6;
	[tilespmem:s1+$0x18100] =	vst v5  }
0x18f: {  	v2 =	vadd.f32 v3, v2;
	[tilespmem:s1+$0x18280] =	vst v4  }
0x190: {  	[tilespmem:s1+$0x18400] =	vst v63  }
0x191: {  	s0 =	sor.u32 $0x380, s0;
	[tilespmem:s1+$0x18200] =	vst v2  }
0x192: {  	v2 =	vld [tilespmem:s0+$0x10100]  }
0x193: {  	v3 =	vld [tilespmem:s0+$0x18100]  }
0x194: {  	v4 =	vld [tilespmem:s0+$0x14100];
	_ =	sdelay $0x2  }
0x195: {  	v2 =	vmul.f32 v2, v14;
	_ =	sdelay $0x1  }
0x196: {  	v2 =	vadd.f32 v2, v3;
	v3 =	vmul.f32 v4, v15;
	_ =	sdelay $0x1  }
0x197: {  	v2 =	vadd.f32 v3, v2  }
0x198: {  	s30 =	sadd.s32 s10, s30  }
0x199: {  	s31 =	simm.s32 $0x0;
	s7 =	simm.s32 $0x18100;
	s29 =	sadd.s32 $0x1, s29;
	[tilespmem:s0+$0x18100] =	vst v2  }
0x19a: {  	[hbm4b:s30+s31] =	stream.linear.scatter [tilespmem:s7], [sflag:$0x8], $0x4000, $0x38;
	[tilespmem:$0x1C100] =	vst v63  }
0x19b: {  	p0 =	sne.s32 s29, $0x4;
	_ =	swait.ge [sflag:s26], $0x4000  }
.Ltmp2:
0x19c: {  	[sflag:s26] =	ssyncset.done $0x0;
	(pc) =	sbr.rel @p0 .LBB2_2-.Ltmp2, $4  }
0x19d: {  	[sflag:s26] =	ssyncadd.s32 $0xFFFFC000  }
0x19e: {  	_ =	swait.ge [sflag:s28], $0x4000  }
0x19f: {  	[sflag:s28] =	ssyncset.done $0x0  }
0x1a0: {  	[sflag:s28] =	ssyncadd.s32 $0xFFFFC000  }
0x1a1: {  	s1 =	rddreg [dreg:$0x8]  }
0x1a2: {  	s0 =	rddreg [dreg:$0x7];
	s1 =	sadd.s32 $0x1, s1  }
0x1a3: {  	p0 =	sne.s32 s1, s0  }
.Ltmp3:
0x1a4: {  	_ = 	snop;
	(pc) =	sbr.rel @p0 .LBB2_1-.Ltmp3, $1  }
0x1a5: {  	_ =	sdelay $0x3  }
0x1a6: {  	_ =	sfence.sel $0x180000  }
0x1a7: {  	[bflag:$0x0] =	sbarrier.arrive $0xFFFF  }
0x1a8: {  	_ =	strace $0x9000004A  }
0x1a9: {  	s0 =	stileid.u32;
	[bflag:$0x2] =	sbarrier.arrive $0xFFFF  }
0x1aa: {  	p0 =	sne.s32 s0, $0x0;
	s0 =	rddreg [dreg:$0x2]  }
0x1ab: {  	s0 =	sadd.s32 @!p0 $0x100000, s0  }
0x1ac: {  	[sflag:s0] =	ssyncadd.tile.s32 @!p0 $0x1;
	_ =	shalt  }
.Lfunc_end2:
_tile_overlayer_lowered:
.L_overlay_start_2:
0x1ad: {  	(tag) =	ssettag $0x2  }
0x1ae: {  	s0 =	rddreg [dreg:$0x0];
	s2 =	stileid.u32  }
0x1af: {  	s1 =	rddreg [dreg:$0x1];
	p0 =	sne.s32 s2, $0x0  }
0x1b0: {  	s3 =	rddreg [dreg:$0x2];
	[bflag:$0x3] =	sbarrier.arrive $0xFFFF;
	s2 =	simm.s32 @!p0 $0x1C09  }
0x1b1: {  	[timem:s3], [sflag:s2] =	dma.local @!p0 [hbm:s0], s1  }
0x1b2: {  	s0 =	simm.s32 @!p0 $0x9  }
0x1b3: {  	_ =	swait.ge @!p0 [sflag:s0], s1  }
0x1b4: {  	s1 =	ssub.s32 @!p0 $0x0, s1;
	[sflag:s0] =	ssyncset.done @!p0 $0x0  }
0x1b5: {  	[sflag:s0] =	ssyncadd.s32 @!p0 s1  }
0x1b6: {  	[bflag:$0x3] =	sbarrier.arrive $0xFFFF  }
0x1b7: {  	_ =	shalt  }

// kernel: kernel.7.cloned.1.call-start
scs
__scs_entry_jumppad:
0x0: {  	(pc) =	sbr.rel $0x88, $3  }
0x1: {  	(tag) =	ssettag $0x0;
	lr =	simm.s32 $0x1  }
0x2: {  	[smem:$0x3F99] =	sst lr;
	_ =	strace $0xD0000000  }
0x3: {  	_ = 	snop  }
0x4: {  	_ = 	snop  }
0x5: {  	_ = 	snop  }
0x6: {  	_ = 	snop  }
0x7: {  	_ = 	snop  }
__scs_overlays_trampoline_lowered:
0x8: {  	[smem:$0x3FA8] =	sst s0  }
0x9: {  	[smem:$0x3FA9] =	sst s1  }
0xa: {  	[smem:$0x3FAA] =	sst s2  }
0xb: {  	[smem:$0x3FAB] =	sst s3  }
0xc: {  	[smem:$0x3FAC] =	sst s4  }
0xd: {  	[smem:$0x3FAD] =	sst s5  }
0xe: {  	[smem:$0x3FAE] =	sst s6  }
0xf: {  	[smem:$0x3FAF] =	sst s7  }
0x10: {  	[smem:$0x3FB0] =	sst s8  }
0x11: {  	[smem:$0x3FB1] =	sst s9;
	s0 =	simm.s32 @!p0 $0x0  }
0x12: {  	s1 =	sld [smem:$0x3F97];
	s0 =	simm.s32 @p0 $0x1  }
0x13: {  	[smem:$0x3FB2] =	sst s0;
	s0 =	simm.s32 @!p1 $0x0  }
0x14: {  	s2 =	sld [smem:$0x3F96];
	s0 =	simm.s32 @p1 $0x1  }
0x15: {  	[smem:$0x3FB3] =	sst s0;
	s0 =	simm.s32 @!p2 $0x0  }
0x16: {  	s3 =	sld [smem:$0x3FDB];
	s0 =	simm.s32 @p2 $0x1  }
0x17: {  	s4 =	simm.s32 $0x1BF5;
	[smem:$0x3FB5] =	sst s0  }
0x18: {  	s0 =	sld [smem:$0x3F98];
	_ =	swait.ge [sflag:s4], $0x0  }
0x19: {  	s7 =	sld [smem:$0x3F99]  }
0x1a: {  	s8 =	sadd.s32 $0xFFFFE003, lr  }
0x1b: {  	s9 =	sadd.s32 $0xFFFFFEF7, lr;
	s5 =	simm.s32 $0xFFFFFFFF;
	p2 =	slt.u32 s8, $0xFFFFF086  }
0x1c: {  	p1 =	slt.u32 s9, $0xF7A;
	s5 =	simm.s32 @!p2 $0x0  }
0x1d: {  	s5 =	simm.s32 @p1 $0x1;
	p0 =	seq.s32 s7, s2  }
0x1e: {  	s7 =	smul.u32 @!p0 $0xF7A, s2;
	p2 =	seq.s32 @!p0 s5, $0x0  }
0x1f: {  	s9 =	smul.u32 $0xF7A, s1;
	s8 =	simm.s32 @!p0 $0x1BF5;
	p2 =	por !p2, p0  }
0x20: {  	[sflag:s8] =	ssyncset.s32 @!p0 $0xFFFFF086;
	s6 =	sadd.s32 @!p0 s3, s7;
	s7 =	simm.s32 @!p0 $0x108  }
0x21: {  	s3 =	sadd.s32 s3, s9;
	s6 =	sadd.s32 @!p0 $0x88, s6;
	s7 =	simm.s32 @p2 $0x1082  }
0x22: {  	[simem:s7], [sflag:s8] =	dma.local @!p0 [hbm:s6], $0xF7A  }
0x23: {  	s9 =	sor.u32 $0xD0000000, s2;
	s6 =	simm.s32 $0x108;
	_ =	swait.ge @!p0 [sflag:s8], $0x0  }
0x24: {  	s3 =	sadd.s32 $0x88, s3;
	s6 =	simm.s32 @!p1 $0x1082;
	[sflag:s4] =	ssyncset.s32 $0xFFFFF086  }
0x25: {  	[simem:s6], [sflag:s4] =	dma.local [hbm:s3], $0xF7A  }
0x26: {  	[smem:$0x3F99] =	sst s1;
	(tag) =	ssettag s2;
	_ =	strace s9  }
0x27: {  	s1 =	sld [smem:$0x3FA9]  }
0x28: {  	s2 =	sld [smem:$0x3FAA]  }
0x29: {  	s4 =	sld [smem:$0x3FAC]  }
0x2a: {  	p0 =	seq.s32 s5, $0x0;
	s5 =	sld [smem:$0x3FAD]  }
0x2b: {  	s6 =	sld [smem:$0x3FAE]  }
0x2c: {  	s7 =	sld [smem:$0x3FAF]  }
0x2d: {  	s3 =	simm.s32 $0x108;
	s8 =	sld [smem:$0x3FB0]  }
0x2e: {  	s3 =	simm.s32 @!p0 $0x1082;
	s9 =	sld [smem:$0x3FB1]  }
0x2f: {  	lr =	sadd.s32 s0, s3;
	s0 =	sld [smem:$0x3FA8]  }
0x30: {  	s3 =	sld [smem:$0x3FAB]  }
0x31: {  	[smem:$0x3FB4] =	sst s10  }
0x32: {  	s10 =	sld [smem:$0x3FB2];
	_ =	sdelay $0x3  }
0x33: {  	p0 =	seq.s32 s10, $0x1;
	s10 =	sld [smem:$0x3FB4];
	_ =	sdelay $0x3  }
0x34: {  	[smem:$0x3FB4] =	sst s10  }
0x35: {  	s10 =	sld [smem:$0x3FB3];
	_ =	sdelay $0x3  }
0x36: {  	p1 =	seq.s32 s10, $0x1;
	s10 =	sld [smem:$0x3FB4];
	_ =	sdelay $0x3  }
0x37: {  	[smem:$0x3FB4] =	sst s10  }
0x38: {  	s10 =	sld [smem:$0x3FB5]  }
0x39: {  	_ = 	snop;
	(pc) =	sbr.ind lr, $3  }
0x3a: {  	_ = 	snop  }
0x3b: {  	_ = 	snop  }
0x3c: {  	p2 =	seq.s32 s10, $0x1;
	s10 =	sld [smem:$0x3FB4]  }
0x3d: {  	_ =	shalt  }
0x3e: {  	_ =	shalt  }
0x3f: {  	_ =	shalt  }
0x40: {  	_ =	shalt  }
0x41: {  	_ =	shalt  }
0x42: {  	_ =	shalt  }
0x43: {  	_ =	shalt  }
0x44: {  	_ =	shalt  }
0x45: {  	_ =	shalt  }
0x46: {  	_ =	shalt  }
0x47: {  	_ =	shalt  }
0x48: {  	_ =	shalt  }
0x49: {  	_ =	shalt  }
0x4a: {  	_ =	shalt  }
0x4b: {  	_ =	shalt  }
0x4c: {  	_ =	shalt  }
0x4d: {  	_ =	shalt  }
0x4e: {  	_ =	shalt  }
0x4f: {  	_ =	shalt  }
0x50: {  	_ =	shalt  }
0x51: {  	_ =	shalt  }
0x52: {  	_ =	shalt  }
0x53: {  	_ =	shalt  }
0x54: {  	_ =	shalt  }
0x55: {  	_ =	shalt  }
0x56: {  	_ =	shalt  }
0x57: {  	_ =	shalt  }
0x58: {  	_ =	shalt  }
0x59: {  	_ =	shalt  }
0x5a: {  	_ =	shalt  }
0x5b: {  	_ =	shalt  }
0x5c: {  	_ =	shalt  }
0x5d: {  	_ =	shalt  }
0x5e: {  	_ =	shalt  }
0x5f: {  	_ =	shalt  }
0x60: {  	_ =	shalt  }
0x61: {  	_ =	shalt  }
0x62: {  	_ =	shalt  }
0x63: {  	_ =	shalt  }
0x64: {  	_ =	shalt  }
0x65: {  	_ =	shalt  }
0x66: {  	_ =	shalt  }
0x67: {  	_ =	shalt  }
0x68: {  	_ =	shalt  }
0x69: {  	_ =	shalt  }
0x6a: {  	_ =	shalt  }
0x6b: {  	_ =	shalt  }
0x6c: {  	_ =	shalt  }
0x6d: {  	_ =	shalt  }
0x6e: {  	_ =	shalt  }
0x6f: {  	_ =	shalt  }
0x70: {  	_ =	shalt  }
0x71: {  	_ =	shalt  }
0x72: {  	_ =	shalt  }
0x73: {  	_ =	shalt  }
0x74: {  	_ =	shalt  }
0x75: {  	_ =	shalt  }
0x76: {  	_ =	shalt  }
0x77: {  	_ =	shalt  }
0x78: {  	_ =	shalt  }
0x79: {  	_ =	shalt  }
0x7a: {  	_ =	shalt  }
0x7b: {  	_ =	shalt  }
0x7c: {  	_ =	shalt  }
0x7d: {  	_ =	shalt  }
0x7e: {  	_ =	shalt  }
0x7f: {  	_ =	shalt  }
0x80: {  	_ =	shalt  }
0x81: {  	_ =	shalt  }
0x82: {  	_ =	shalt  }
0x83: {  	_ =	shalt  }
0x84: {  	_ =	shalt  }
0x85: {  	_ =	shalt  }
0x86: {  	_ =	shalt  }
0x87: {  	_ =	shalt  }
.Lfunc_end0:
.L_simem_size_0:
called_computation_lowered:
.L_overlay_start_0:
0x88: {  	s2 =	sld [smem:$0x3FD9]  }
0x89: {  	s3 =	sld [smem:$0x3FFE];
	_ =	sdelay $0x1  }
0x8a: {  	s1 =	srdreg.scid  }
0x8b: {  	s0 =	sand.u32 $0x1, s1  }
0x8c: {  	s17 =	sshll.u32 s0, $0xA;
	s2 =	sadd.s32 s3, s2  }
0x8d: {  	s2 =	sadd.s32 s2, s17  }
0x8e: {  	[smem:$0x3FC0] =	sst s2  }
0x8f: {  	_ = 	snop  }
0x90: {  	s2 =	sld [smem:$0x3FC9]  }
0x91: {  	s18 =	sld [smem:$0x3FD0];
	(tm) =	ssettm $0x1  }
0x92: {  	s4 =	sld [smem:$0x3FFB];
	_ =	sdelay $0x3  }
0x93: {  	_ =	strace s4  }
0x94: {  	s4 =	sld [smem:$0x3FFC];
	_ =	sdelay $0x3  }
0x95: {  	_ =	strace s4  }
0x96: {  	s4 =	sld [smem:$0x3FFD];
	_ =	sdelay $0x3  }
0x97: {  	_ =	strace s4  }
0x98: {  	_ =	strace $0x8FFFFFFF  }
0x99: {  	s19 =	sld [smem:$0x3FDB];
	_ =	sdelay $0x1  }
0x9a: {  	s5 =	simm.s32 $_scs_section_size  }
0x9b: {  	s6 =	simm.s32 $_size__tile_overlayer_lowered;
	s7 =	simm.s32 $_tile_overlayer_lowered  }
0x9c: {  	s22 =	simm.s32 $0x1BFF;
	s21 =	sshll.u32 s7, $0x1;
	s4 =	sadd.s32 s5, s19  }
0x9d: {  	s8 =	simm.s32 $0x0;
	s20 =	sshll.u32 s6, $0x1;
	s6 =	sadd.s32 s21, s4  }
0x9e: {  	[timem:s8], [sflag:s22] =	dma.local [hbm:s6], s20  }
0x9f: {  	_ =	swait.ge [sflag:s22], s20  }
0xa0: {  	s5 =	ssub.s32 $0x0, s20;
	[sflag:s22] =	ssyncset.done $0x0  }
0xa1: {  	[sflag:s22] =	ssyncadd.s32 s5;
	_ =	sdelay $0x1  }
0xa2: {  	s23 =	simm.s32 $0x1B8B  }
0xa3: {  	_ =	swait.ge [sflag:s23], $0x1  }
0xa4: {  	[sflag:s23] =	ssyncset.done $0x0  }
0xa5: {  	s25 =	simm.s32 $0x1B8E;
	s24 =	sld [smem:$0x3FFE];
	[sflag:s23] =	ssyncadd.s32 $0xFFFFFFFF  }
0xa6: {  	s26 =	simm.s32 $execute0_lowered;
	[smem:$0x3FD2] =	sst s25  }
0xa7: {  	s6 =	sshll.u32 s26, $0x1;
	_ =	strace $0x80000046;
	[dreg:$0x1] =	wrdreg $0xFFFFFFFF  }
0xa8: {  	s28 =	simm.s32 $_size_execute0_lowered;
	s4 =	sadd.s32 s4, s6;
	[dreg:$0x0] =	wrdreg $0x0  }
0xa9: {  	s6 =	sshll.u32 s28, $0x1;
	[dreg:$0x2] =	wrdreg s4  }
0xaa: {  	[dreg:$0x3] =	wrdreg s6  }
0xab: {  	[dreg:$0x4] =	wrdreg $0xC0  }
0xac: {  	_ =	task [dreg:s8], $0x5FFFF  }
0xad: {  	[dreg:$0x1] =	wrdreg $0xFFFFFFFF  }
0xae: {  	[dreg:$0x0] =	wrdreg $0x60  }
0xaf: {  	[dreg:$0x2] =	wrdreg s2  }
0xb0: {  	[dreg:$0x3] =	wrdreg s18  }
0xb1: {  	[dreg:$0x4] =	wrdreg s24  }
0xb2: {  	[dreg:$0x5] =	wrdreg $0x9  }
0xb3: {  	_ =	task.clear_ibuf [dreg:s8], $0x6FFFF;
	_ =	strace $0x90000046  }
0xb4: {  	s29 =	simm.s32 $0x9;
	_ =	strace $0x80000048  }
0xb5: {  	_ =	swait.ge [sflag:s29], $0x1  }
0xb6: {  	[sflag:s29] =	ssyncadd.s32 $0xFFFFFFFF  }
0xb7: {  	_ =	strace $0x90000048  }
0xb8: {  	_ =	sfence  }
0xb9: {  	s30 =	sld [smem:$0x0];
	_ =	sdelay $0x2  }
0xba: {  	s31 =	sshll.u32 s1, $0xD;
	s1 =	sshrl.u32 s1, $0x2  }
0xbb: {  	s3 =	sand.u32 $0x4000, s31;
	s1 =	sadd.s32 s1, s30  }
0xbc: {  	s0 =	sor.u32 s3, s0;
	s1 =	sshll.u32 s1, $0x11  }
0xbd: {  	s0 =	sor.u32 s1, s0  }
0xbe: {  	s0 =	sadd.s32 $0x8F2B, s0  }
0xbf: {  	[sflag:s0] =	ssyncadd.remote.s32 $0x1  }
0xc0: {  	_ =	sfence.sel $0xFFFF  }
0xc1: {  	[dreg:$0x0] =	wrdreg $0xFFFFFFFF;
	(pc) =	sbr.abs _section_cstart, $3  }
0xc2: {  	[dreg:$0x1] =	wrdreg $0xFFFFFFFF  }
0xc3: {  	_ =	task.clear_ibuf [dreg:s8], $0x2FFFF;
	_ =	strace $0x9FFFFFFF  }
0xc4: {  	(tm) =	ssettm $0x7FFFFFFF  }
0xc5: {  	_ =	shalt  }
tec
execute0_lowered:
.L_overlay_start_1:
0x0: {  	(tag) =	ssettag $0x1  }
0x1: {  	s0 =	rddreg [dreg:$0x0]  }
0x2: {  	s1 =	rddreg [dreg:$0x1];
	s2 =	srdreg.scid  }
0x3: {  	s5 =	stileid.u32;
	s4 =	rddreg [dreg:$0x2]  }
0x4: {  	s30 =	simm.s32 $0x200;
	s31 =	simm.s32 $0x4C00;
	s3 =	sand.u32 $0x1, s2  }
0x5: {  	s5 =	sshll.u32 s5, $0x1;
	s2 =	simm.s32 $0x0;
	s10 =	sadd.s32 $0x11200, s4  }
0x6: {  	s11 =	sadd.s32 $0x11300, s4;
	s5 =	sor.u32 s3, s5;
	[smem:$0x7FF] =	sst s2  }
0x7: {  	s7 =	ssub.s32 $0x2, s3;
	s3 =	sadd.s32 $0x10C00, s4;
	s6 =	sshll.u32 s5, $0x6  }
0x8: {  	_ =	strace $0x80000047;
	s9 =	sshrl.u32 s7, $0x1;
	s5 =	sshll.u32 s5, $0xE  }
0x9: {  	[dreg:$0x9] =	wrdreg s30;
	s8 =	sadd.s32 s6, s4;
	s1 =	sadd.s32 s1, s6  }
0xa: {  	s12 =	ssub.s32 s7, s9;
	s26 =	sadd.s32 s0, s5;
	[dreg:$0x4] =	wrdreg s1  }
0xb: {  	s5 =	sadd.s32 $0x10D00, s4;
	s25 =	sadd.s32 $0x10400, s8;
	[dreg:$0xa] =	wrdreg s26  }
0xc: {  	s6 =	sadd.s32 $0x10E00, s4;
	s0 =	sadd.s32 $0x1000, s26;
	[dreg:$0x5] =	wrdreg s25  }
0xd: {  	v2 =	vlaneseq.u32;
	s7 =	sadd.s32 $0x10F00, s4;
	s28 =	sadd.s32 $0x2000, s26;
	[dreg:$0x6] =	wrdreg s0  }
0xe: {  	vm0 =	vmmov $0xffff;
	v1 =	vshrl.u32 v2, $0x3;
	s9 =	sadd.s32 $0x11100, s4;
	s29 =	sadd.s32 $0x3000, s26;
	[dreg:$0x7] =	wrdreg s28  }
0xf: {  	v0 =	vand.u32 $0x7, v2;
	v2 =	vor.u32 $0x8, v2;
	v1 =	vmul.u32 $0x8, v1;
	s8 =	sadd.s32 $0x11000, s4;
	s22 =	smax.u32 s12, $0x1;
	[dreg:$0x8] =	wrdreg s29  }
.LBB2_1:
0x10: {  	s18 =	rddreg [dreg:$0x4];
	s13 =	simm.s32 $0x7  }
0x11: {  	[tilespmem:s2], [sflag:$0x7] =	stream.linear.gather [hbm4b:s18+s2], $0x200, $0x38;
	[tilespmem:$0x10400] =	vst v63  }
0x12: {  	_ =	swait.ge [sflag:s13], $0x200  }
0x13: {  	s16 =	rddreg [dreg:$0x5];
	[sflag:s13] =	ssyncset.done $0x0  }
0x14: {  	s19 =	rddreg [dreg:$0x9];
	[sflag:s13] =	ssyncadd.s32 $0xFFFFFE00  }
0x15: {  	[tilespmem:s19], [sflag:$0x7] =	stream.linear.gather [hbm4b:s16+s2], $0x200, $0x38;
	[tilespmem:$0x10400] =	vst v63  }
0x16: {  	_ =	swait.ge [sflag:s13], $0x200  }
0x17: {  	s28 =	simm.s32 $0x400;
	[sflag:s13] =	ssyncset.done $0x0  }
0x18: {  	s1 =	simm.s32 $0x1;
	s17 =	rddreg [dreg:$0xa];
	[sflag:s13] =	ssyncadd.s32 $0xFFFFFE00  }
0x19: {  	[tilespmem:s28], [sflag:$0x1] =	stream.linear.gather [hbm4b:s17+s2], $0x8000, $0x38;
	[tilespmem:$0x10400] =	vst v63  }
0x1a: {  	_ =	swait.ge [sflag:s1], $0x8000  }
0x1b: {  	[sflag:s1] =	ssyncset.done $0x0  }
0x1c: {  	[sflag:s1] =	ssyncadd.s32 $0xFFFF8000  }
0x1d: {  	v3 =	vld [tilespmem:$0x0];
	_ =	sdelay $0x4  }
0x1e: {  	v4 =	vshll.u32 v3, $0x4  }
0x1f: {  	v3 =	vand.u32 $0x7, v3;
	v4 =	vand.u32 $0xFFFFFF80, v4  }
0x20: {  	v3 =	vor.u32 v3, v4  }
0x21: {  	v4 =	vperm.xlane v3, v0;
	_ =	sdelay $0x1  }
0x22: {  	v4 =	vadd.s32 v1, v4;
	_ =	sdelay $0x4  }
0x23: {  	[hbm4b:s3+s2] =	stream.indirect_vreg.scatter [tilespmem:s28], [sflag:$0x3], $0x80, v4, vm0, $0xb8;
	[tilespmem:$0x10400] =	vst v63  }
0x24: {  	s0 =	simm.s32 $0xC00  }
0x25: {  	[hbm4b:s5+s2] =	stream.indirect_vreg.scatter [tilespmem:s0], [sflag:$0x3], $0x80, v4, vm0, $0xb8;
	[tilespmem:$0x10400] =	vst v63  }
0x26: {  	s19 =	simm.s32 $0x1400  }
0x27: {  	[hbm4b:s6+s2] =	stream.indirect_vreg.scatter [tilespmem:s19], [sflag:$0x3], $0x80, v4, vm0, $0xb8;
	[tilespmem:$0x10400] =	vst v63  }
0x28: {  	s20 =	simm.s32 $0x1C00  }
0x29: {  	[hbm4b:s7+s2] =	stream.indirect_vreg.scatter [tilespmem:s20], [sflag:$0x3], $0x80, v4, vm0, $0xb8;
	[tilespmem:$0x10400] =	vst v63  }
0x2a: {  	s21 =	simm.s32 $0x2400  }
0x2b: {  	[hbm4b:s8+s2] =	stream.indirect_vreg.scatter [tilespmem:s21], [sflag:$0x3], $0x80, v4, vm0, $0xb8;
	[tilespmem:$0x10400] =	vst v63  }
0x2c: {  	s23 =	simm.s32 $0x2C00;
	v3 =	vperm.xlane v3, v2  }
0x2d: {  	[hbm4b:s9+s2] =	stream.indirect_vreg.scatter [tilespmem:s23], [sflag:$0x3], $0x80, v4, vm0, $0xb8;
	[tilespmem:$0x10400] =	vst v63  }
0x2e: {  	s25 =	simm.s32 $0x3400;
	v3 =	vadd.s32 v1, v3  }
0x2f: {  	[hbm4b:s10+s2] =	stream.indirect_vreg.scatter [tilespmem:s25], [sflag:$0x3], $0x80, v4, vm0, $0xb8;
	[tilespmem:$0x10400] =	vst v63  }
0x30: {  	s26 =	simm.s32 $0x3C00  }
0x31: {  	[hbm4b:s11+s2] =	stream.indirect_vreg.scatter [tilespmem:s26], [sflag:$0x3], $0x80, v4, vm0, $0xb8;
	[tilespmem:$0x10400] =	vst v63  }
0x32: {  	s29 =	simm.s32 $0x4400  }
0x33: {  	[hbm4b:s3+s2] =	stream.indirect_vreg.scatter [tilespmem:s29], [sflag:$0x3], $0x80, v3, vm0, $0xb8;
	[tilespmem:$0x10400] =	vst v63  }
0x34: {  	s30 =	simm.s32 $0x4C00  }
0x35: {  	[hbm4b:s5+s2] =	stream.indirect_vreg.scatter [tilespmem:s30], [sflag:$0x3], $0x80, v3, vm0, $0xb8;
	[tilespmem:$0x10400] =	vst v63  }
0x36: {  	s12 =	simm.s32 $0x5400  }
0x37: {  	[hbm4b:s6+s2] =	stream.indirect_vreg.scatter [tilespmem:s12], [sflag:$0x3], $0x80, v3, vm0, $0xb8;
	[tilespmem:$0x10400] =	vst v63  }
0x38: {  	s30 =	simm.s32 $0x5C00  }
0x39: {  	[hbm4b:s7+s2] =	stream.indirect_vreg.scatter [tilespmem:s30], [sflag:$0x3], $0x80, v3, vm0, $0xb8;
	[tilespmem:$0x10400] =	vst v63  }
0x3a: {  	s17 =	simm.s32 $0x6400  }
0x3b: {  	[hbm4b:s8+s2] =	stream.indirect_vreg.scatter [tilespmem:s17], [sflag:$0x3], $0x80, v3, vm0, $0xb8;
	[tilespmem:$0x10400] =	vst v63  }
0x3c: {  	s20 =	simm.s32 $0x6C00  }
0x3d: {  	[hbm4b:s9+s2] =	stream.indirect_vreg.scatter [tilespmem:s20], [sflag:$0x3], $0x80, v3, vm0, $0xb8;
	[tilespmem:$0x10400] =	vst v63  }
0x3e: {  	s25 =	simm.s32 $0x7400  }
0x3f: {  	[hbm4b:s10+s2] =	stream.indirect_vreg.scatter [tilespmem:s25], [sflag:$0x3], $0x80, v3, vm0, $0xb8;
	[tilespmem:$0x10400] =	vst v63  }
0x40: {  	s12 =	simm.s32 $0x7C00  }
0x41: {  	[hbm4b:s11+s2] =	stream.indirect_vreg.scatter [tilespmem:s12], [sflag:$0x3], $0x80, v3, vm0, $0xb8;
	[tilespmem:$0x10400] =	vst v63  }
0x42: {  	v3 =	vld [tilespmem:$0x200];
	_ =	sdelay $0x4  }
0x43: {  	v57 =	vshll.u32 v3, $0x4  }
0x44: {  	v3 =	vand.u32 $0x7, v3;
	v4 =	vand.u32 $0xFFFFFF80, v57  }
0x45: {  	v3 =	vor.u32 v3, v4  }
0x46: {  	v4 =	vperm.xlane v3, v0;
	_ =	sdelay $0x1  }
0x47: {  	v4 =	vadd.s32 v1, v4;
	_ =	sdelay $0x4  }
0x48: {  	[hbm4b:s3+s2] =	stream.indirect_vreg.scatter [tilespmem:s28], [sflag:$0x4], $0x80, v4, vm0, $0xb8;
	[tilespmem:$0x10400] =	vst v63  }
0x49: {  	s4 =	simm.s32 $0xC00  }
0x4a: {  	[hbm4b:s5+s2] =	stream.indirect_vreg.scatter [tilespmem:s4], [sflag:$0x4], $0x80, v4, vm0, $0xb8;
	[tilespmem:$0x10400] =	vst v63  }
0x4b: {  	s13 =	simm.s32 $0x1400  }
0x4c: {  	[hbm4b:s6+s2] =	stream.indirect_vreg.scatter [tilespmem:s13], [sflag:$0x4], $0x80, v4, vm0, $0xb8;
	[tilespmem:$0x10400] =	vst v63  }
0x4d: {  	s14 =	simm.s32 $0x1C00  }
0x4e: {  	[hbm4b:s7+s2] =	stream.indirect_vreg.scatter [tilespmem:s14], [sflag:$0x4], $0x80, v4, vm0, $0xb8;
	[tilespmem:$0x10400] =	vst v63  }
0x4f: {  	s24 =	simm.s32 $0x2400  }
0x50: {  	[hbm4b:s8+s2] =	stream.indirect_vreg.scatter [tilespmem:s24], [sflag:$0x4], $0x80, v4, vm0, $0xb8;
	[tilespmem:$0x10400] =	vst v63  }
0x51: {  	s23 =	simm.s32 $0x2C00;
	v3 =	vperm.xlane v3, v2  }
0x52: {  	[hbm4b:s9+s2] =	stream.indirect_vreg.scatter [tilespmem:s23], [sflag:$0x4], $0x80, v4, vm0, $0xb8;
	[tilespmem:$0x10400] =	vst v63  }
0x53: {  	s15 =	simm.s32 $0x3400;
	v3 =	vadd.s32 v1, v3  }
0x54: {  	[hbm4b:s10+s2] =	stream.indirect_vreg.scatter [tilespmem:s15], [sflag:$0x4], $0x80, v4, vm0, $0xb8;
	[tilespmem:$0x10400] =	vst v63  }
0x55: {  	s16 =	simm.s32 $0x3C00  }
0x56: {  	[hbm4b:s11+s2] =	stream.indirect_vreg.scatter [tilespmem:s16], [sflag:$0x4], $0x80, v4, vm0, $0xb8;
	[tilespmem:$0x10400] =	vst v63  }
0x57: {  	s21 =	simm.s32 $0x4400  }
0x58: {  	[hbm4b:s3+s2] =	stream.indirect_vreg.scatter [tilespmem:s21], [sflag:$0x4], $0x80, v3, vm0, $0xb8;
	[tilespmem:$0x10400] =	vst v63  }
0x59: {  	s18 =	simm.s32 $0x4C00  }
0x5a: {  	[hbm4b:s5+s2] =	stream.indirect_vreg.scatter [tilespmem:s18], [sflag:$0x4], $0x80, v3, vm0, $0xb8;
	[tilespmem:$0x10400] =	vst v63  }
0x5b: {  	s19 =	simm.s32 $0x5400  }
0x5c: {  	[hbm4b:s6+s2] =	stream.indirect_vreg.scatter [tilespmem:s19], [sflag:$0x4], $0x80, v3, vm0, $0xb8;
	[tilespmem:$0x10400] =	vst v63  }
0x5d: {  	_ = 	snop  }
0x5e: {  	[hbm4b:s7+s2] =	stream.indirect_vreg.scatter [tilespmem:s30], [sflag:$0x4], $0x80, v3, vm0, $0xb8;
	[tilespmem:$0x10400] =	vst v63  }
0x5f: {  	s17 =	simm.s32 $0x6400  }
0x60: {  	[hbm4b:s8+s2] =	stream.indirect_vreg.scatter [tilespmem:s17], [sflag:$0x4], $0x80, v3, vm0, $0xb8;
	[tilespmem:$0x10400] =	vst v63  }
0x61: {  	s20 =	simm.s32 $0x6C00  }
0x62: {  	[hbm4b:s9+s2] =	stream.indirect_vreg.scatter [tilespmem:s20], [sflag:$0x4], $0x80, v3, vm0, $0xb8;
	[tilespmem:$0x10400] =	vst v63  }
0x63: {  	s26 =	simm.s32 $0x7400  }
0x64: {  	[hbm4b:s10+s2] =	stream.indirect_vreg.scatter [tilespmem:s26], [sflag:$0x4], $0x80, v3, vm0, $0xb8;
	[tilespmem:$0x10400] =	vst v63  }
0x65: {  	s29 =	simm.s32 $0x7C00  }
0x66: {  	[hbm4b:s11+s2] =	stream.indirect_vreg.scatter [tilespmem:s29], [sflag:$0x4], $0x80, v3, vm0, $0xb8;
	[tilespmem:$0x10400] =	vst v63  }
0x67: {  	s0 =	rddreg [dreg:$0x6];
	s4 =	simm.s32 $0x8400;
	s16 =	simm.s32 $0x2  }
0x68: {  	[tilespmem:s4], [sflag:$0x2] =	stream.linear.gather [hbm4b:s0+s2], $0x8000, $0x38;
	[tilespmem:$0x10400] =	vst v63  }
0x69: {  	_ =	swait.ge [sflag:s16], $0x8000  }
0x6a: {  	[sflag:s16] =	ssyncset.done $0x0  }
0x6b: {  	[sflag:s16] =	ssyncadd.s32 $0xFFFF8000  }
0x6c: {  	v3 =	vld [tilespmem:$0x80];
	_ =	sdelay $0x4  }
0x6d: {  	v58 =	vshll.u32 v3, $0x4  }
0x6e: {  	v3 =	vand.u32 $0x7, v3;
	v4 =	vand.u32 $0xFFFFFF80, v58  }
0x6f: {  	v3 =	vor.u32 v3, v4  }
0x70: {  	v4 =	vperm.xlane v3, v0;
	_ =	sdelay $0x1  }
0x71: {  	v4 =	vadd.s32 v1, v4;
	_ =	sdelay $0x3  }
0x72: {  	s12 =	simm.s32 $0x8400  }
0x73: {  	[hbm4b:s3+s2] =	stream.indirect_vreg.scatter [tilespmem:s12], [sflag:$0x5], $0x80, v4, vm0, $0xb8;
	[tilespmem:$0x10400] =	vst v63  }
0x74: {  	s13 =	simm.s32 $0x8C00  }
0x75: {  	[hbm4b:s5+s2] =	stream.indirect_vreg.scatter [tilespmem:s13], [sflag:$0x5], $0x80, v4, vm0, $0xb8;
	[tilespmem:$0x10400] =	vst v63  }
0x76: {  	s14 =	simm.s32 $0x9400  }
0x77: {  	[hbm4b:s6+s2] =	stream.indirect_vreg.scatter [tilespmem:s14], [sflag:$0x5], $0x80, v4, vm0, $0xb8;
	[tilespmem:$0x10400] =	vst v63  }
0x78: {  	s15 =	simm.s32 $0x9C00  }
0x79: {  	[hbm4b:s7+s2] =	stream.indirect_vreg.scatter [tilespmem:s15], [sflag:$0x5], $0x80, v4, vm0, $0xb8;
	[tilespmem:$0x10400] =	vst v63  }
0x7a: {  	s17 =	simm.s32 $0xA400  }
0x7b: {  	[hbm4b:s8+s2] =	stream.indirect_vreg.scatter [tilespmem:s17], [sflag:$0x5], $0x80, v4, vm0, $0xb8;
	[tilespmem:$0x10400] =	vst v63  }
0x7c: {  	s19 =	simm.s32 $0xAC00;
	v3 =	vperm.xlane v3, v2  }
0x7d: {  	[hbm4b:s9+s2] =	stream.indirect_vreg.scatter [tilespmem:s19], [sflag:$0x5], $0x80, v4, vm0, $0xb8;
	[tilespmem:$0x10400] =	vst v63  }
0x7e: {  	s20 =	simm.s32 $0xB400;
	v3 =	vadd.s32 v1, v3  }
0x7f: {  	[hbm4b:s10+s2] =	stream.indirect_vreg.scatter [tilespmem:s20], [sflag:$0x5], $0x80, v4, vm0, $0xb8;
	[tilespmem:$0x10400] =	vst v63  }
0x80: {  	s21 =	simm.s32 $0xBC00  }
0x81: {  	[hbm4b:s11+s2] =	stream.indirect_vreg.scatter [tilespmem:s21], [sflag:$0x5], $0x80, v4, vm0, $0xb8;
	[tilespmem:$0x10400] =	vst v63  }
0x82: {  	s23 =	simm.s32 $0xC400  }
0x83: {  	[hbm4b:s3+s2] =	stream.indirect_vreg.scatter [tilespmem:s23], [sflag:$0x5], $0x80, v3, vm0, $0xb8;
	[tilespmem:$0x10400] =	vst v63  }
0x84: {  	s26 =	simm.s32 $0xCC00  }
0x85: {  	[hbm4b:s5+s2] =	stream.indirect_vreg.scatter [tilespmem:s26], [sflag:$0x5], $0x80, v3, vm0, $0xb8;
	[tilespmem:$0x10400] =	vst v63  }
0x86: {  	s17 =	simm.s32 $0xD400  }
0x87: {  	[hbm4b:s6+s2] =	stream.indirect_vreg.scatter [tilespmem:s17], [sflag:$0x5], $0x80, v3, vm0, $0xb8;
	[tilespmem:$0x10400] =	vst v63  }
0x88: {  	s20 =	simm.s32 $0xDC00  }
0x89: {  	[hbm4b:s7+s2] =	stream.indirect_vreg.scatter [tilespmem:s20], [sflag:$0x5], $0x80, v3, vm0, $0xb8;
	[tilespmem:$0x10400] =	vst v63  }
0x8a: {  	s21 =	simm.s32 $0xE400  }
0x8b: {  	[hbm4b:s8+s2] =	stream.indirect_vreg.scatter [tilespmem:s21], [sflag:$0x5], $0x80, v3, vm0, $0xb8;
	[tilespmem:$0x10400] =	vst v63  }
0x8c: {  	s23 =	simm.s32 $0xEC00  }
0x8d: {  	[hbm4b:s9+s2] =	stream.indirect_vreg.scatter [tilespmem:s23], [sflag:$0x5], $0x80, v3, vm0, $0xb8;
	[tilespmem:$0x10400] =	vst v63  }
0x8e: {  	s21 =	simm.s32 $0xF400  }
0x8f: {  	[hbm4b:s10+s2] =	stream.indirect_vreg.scatter [tilespmem:s21], [sflag:$0x5], $0x80, v3, vm0, $0xb8;
	[tilespmem:$0x10400] =	vst v63  }
0x90: {  	s0 =	simm.s32 $0xFC00  }
0x91: {  	[hbm4b:s11+s2] =	stream.indirect_vreg.scatter [tilespmem:s0], [sflag:$0x5], $0x80, v3, vm0, $0xb8;
	[tilespmem:$0x10400] =	vst v63  }
0x92: {  	v3 =	vld [tilespmem:$0x280];
	_ =	sdelay $0x4  }
0x93: {  	v59 =	vshll.u32 v3, $0x4  }
0x94: {  	v3 =	vand.u32 $0x7, v3;
	v4 =	vand.u32 $0xFFFFFF80, v59  }
0x95: {  	v3 =	vor.u32 v3, v4  }
0x96: {  	v4 =	vperm.xlane v3, v0;
	_ =	sdelay $0x1  }
0x97: {  	v4 =	vadd.s32 v1, v4;
	_ =	sdelay $0x3  }
0x98: {  	s12 =	simm.s32 $0x8400  }
0x99: {  	[hbm4b:s3+s2] =	stream.indirect_vreg.scatter [tilespmem:s12], [sflag:$0x6], $0x80, v4, vm0, $0xb8;
	[tilespmem:$0x10400] =	vst v63  }
0x9a: {  	s24 =	simm.s32 $0x8C00  }
0x9b: {  	[hbm4b:s5+s2] =	stream.indirect_vreg.scatter [tilespmem:s24], [sflag:$0x6], $0x80, v4, vm0, $0xb8;
	[tilespmem:$0x10400] =	vst v63  }
0x9c: {  	s18 =	simm.s32 $0x9400  }
0x9d: {  	[hbm4b:s6+s2] =	stream.indirect_vreg.scatter [tilespmem:s18], [sflag:$0x6], $0x80, v4, vm0, $0xb8;
	[tilespmem:$0x10400] =	vst v63  }
0x9e: {  	s25 =	simm.s32 $0x9C00  }
0x9f: {  	[hbm4b:s7+s2] =	stream.indirect_vreg.scatter [tilespmem:s25], [sflag:$0x6], $0x80, v4, vm0, $0xb8;
	[tilespmem:$0x10400] =	vst v63  }
0xa0: {  	s4 =	simm.s32 $0xA400  }
0xa1: {  	[hbm4b:s8+s2] =	stream.indirect_vreg.scatter [tilespmem:s4], [sflag:$0x6], $0x80, v4, vm0, $0xb8;
	[tilespmem:$0x10400] =	vst v63  }
0xa2: {  	s13 =	simm.s32 $0xAC00;
	v3 =	vperm.xlane v3, v2  }
0xa3: {  	[hbm4b:s9+s2] =	stream.indirect_vreg.scatter [tilespmem:s13], [sflag:$0x6], $0x80, v4, vm0, $0xb8;
	[tilespmem:$0x10400] =	vst v63  }
0xa4: {  	s14 =	simm.s32 $0xB400;
	v3 =	vadd.s32 v1, v3  }
0xa5: {  	[hbm4b:s10+s2] =	stream.indirect_vreg.scatter [tilespmem:s14], [sflag:$0x6], $0x80, v4, vm0, $0xb8;
	[tilespmem:$0x10400] =	vst v63  }
0xa6: {  	s15 =	simm.s32 $0xBC00  }
0xa7: {  	[hbm4b:s11+s2] =	stream.indirect_vreg.scatter [tilespmem:s15], [sflag:$0x6], $0x80, v4, vm0, $0xb8;
	[tilespmem:$0x10400] =	vst v63  }
0xa8: {  	s29 =	simm.s32 $0xC400  }
0xa9: {  	[hbm4b:s3+s2] =	stream.indirect_vreg.scatter [tilespmem:s29], [sflag:$0x6], $0x80, v3, vm0, $0xb8;
	[tilespmem:$0x10400] =	vst v63  }
0xaa: {  	s19 =	simm.s32 $0xCC00  }
0xab: {  	[hbm4b:s5+s2] =	stream.indirect_vreg.scatter [tilespmem:s19], [sflag:$0x6], $0x80, v3, vm0, $0xb8;
	[tilespmem:$0x10400] =	vst v63  }
0xac: {  	s17 =	simm.s32 $0xD400  }
0xad: {  	[hbm4b:s6+s2] =	stream.indirect_vreg.scatter [tilespmem:s17], [sflag:$0x6], $0x80, v3, vm0, $0xb8;
	[tilespmem:$0x10400] =	vst v63  }
0xae: {  	s20 =	simm.s32 $0xDC00  }
0xaf: {  	[hbm4b:s7+s2] =	stream.indirect_vreg.scatter [tilespmem:s20], [sflag:$0x6], $0x80, v3, vm0, $0xb8;
	[tilespmem:$0x10400] =	vst v63  }
0xb0: {  	s26 =	simm.s32 $0xE400  }
0xb1: {  	[hbm4b:s8+s2] =	stream.indirect_vreg.scatter [tilespmem:s26], [sflag:$0x6], $0x80, v3, vm0, $0xb8;
	[tilespmem:$0x10400] =	vst v63  }
0xb2: {  	s23 =	simm.s32 $0xEC00  }
0xb3: {  	[hbm4b:s9+s2] =	stream.indirect_vreg.scatter [tilespmem:s23], [sflag:$0x6], $0x80, v3, vm0, $0xb8;
	[tilespmem:$0x10400] =	vst v63  }
0xb4: {  	s21 =	simm.s32 $0xF400  }
0xb5: {  	[hbm4b:s10+s2] =	stream.indirect_vreg.scatter [tilespmem:s21], [sflag:$0x6], $0x80, v3, vm0, $0xb8;
	[tilespmem:$0x10400] =	vst v63  }
0xb6: {  	s0 =	simm.s32 $0xFC00  }
0xb7: {  	[hbm4b:s11+s2] =	stream.indirect_vreg.scatter [tilespmem:s0], [sflag:$0x6], $0x80, v3, vm0, $0xb8;
	[tilespmem:$0x10400] =	vst v63  }
0xb8: {  	s0 =	simm.s32 $0x3  }
0xb9: {  	_ =	swait.ge [sflag:s0], $0x8000  }
0xba: {  	[sflag:s0] =	ssyncset.done $0x0  }
0xbb: {  	s4 =	simm.s32 $0x4;
	[sflag:s0] =	ssyncadd.s32 $0xFFFF8000  }
0xbc: {  	_ =	swait.ge [sflag:s4], $0x8000  }
0xbd: {  	[sflag:s4] =	ssyncset.done $0x0  }
0xbe: {  	s26 =	rddreg [dreg:$0x7];
	[sflag:s4] =	ssyncadd.s32 $0xFFFF8000  }
0xbf: {  	[tilespmem:s28], [sflag:$0x1] =	stream.linear.gather [hbm4b:s26+s2], $0x8000, $0x38;
	[tilespmem:$0x10400] =	vst v63  }
0xc0: {  	_ =	swait.ge [sflag:s1], $0x8000  }
0xc1: {  	[sflag:s1] =	ssyncset.done $0x0  }
0xc2: {  	[sflag:s1] =	ssyncadd.s32 $0xFFFF8000  }
0xc3: {  	v3 =	vld [tilespmem:$0x100];
	_ =	sdelay $0x4  }
0xc4: {  	v60 =	vshll.u32 v3, $0x4  }
0xc5: {  	v3 =	vand.u32 $0x7, v3;
	v4 =	vand.u32 $0xFFFFFF80, v60  }
0xc6: {  	v3 =	vor.u32 v3, v4  }
0xc7: {  	v4 =	vperm.xlane v3, v0;
	_ =	sdelay $0x1  }
0xc8: {  	v4 =	vadd.s32 v1, v4;
	_ =	sdelay $0x4  }
0xc9: {  	[hbm4b:s3+s2] =	stream.indirect_vreg.scatter [tilespmem:s28], [sflag:$0x3], $0x80, v4, vm0, $0xb8;
	[tilespmem:$0x10400] =	vst v63  }
0xca: {  	s1 =	simm.s32 $0xC00  }
0xcb: {  	[hbm4b:s5+s2] =	stream.indirect_vreg.scatter [tilespmem:s1], [sflag:$0x3], $0x80, v4, vm0, $0xb8;
	[tilespmem:$0x10400] =	vst v63  }
0xcc: {  	s13 =	simm.s32 $0x1400  }
0xcd: {  	[hbm4b:s6+s2] =	stream.indirect_vreg.scatter [tilespmem:s13], [sflag:$0x3], $0x80, v4, vm0, $0xb8;
	[tilespmem:$0x10400] =	vst v63  }
0xce: {  	s14 =	simm.s32 $0x1C00  }
0xcf: {  	[hbm4b:s7+s2] =	stream.indirect_vreg.scatter [tilespmem:s14], [sflag:$0x3], $0x80, v4, vm0, $0xb8;
	[tilespmem:$0x10400] =	vst v63  }
0xd0: {  	s24 =	simm.s32 $0x2400  }
0xd1: {  	[hbm4b:s8+s2] =	stream.indirect_vreg.scatter [tilespmem:s24], [sflag:$0x3], $0x80, v4, vm0, $0xb8;
	[tilespmem:$0x10400] =	vst v63  }
0xd2: {  	s25 =	simm.s32 $0x2C00;
	v3 =	vperm.xlane v3, v2  }
0xd3: {  	[hbm4b:s9+s2] =	stream.indirect_vreg.scatter [tilespmem:s25], [sflag:$0x3], $0x80, v4, vm0, $0xb8;
	[tilespmem:$0x10400] =	vst v63  }
0xd4: {  	s15 =	simm.s32 $0x3400;
	v3 =	vadd.s32 v1, v3  }
0xd5: {  	[hbm4b:s10+s2] =	stream.indirect_vreg.scatter [tilespmem:s15], [sflag:$0x3], $0x80, v4, vm0, $0xb8;
	[tilespmem:$0x10400] =	vst v63  }
0xd6: {  	s18 =	simm.s32 $0x3C00  }
0xd7: {  	[hbm4b:s11+s2] =	stream.indirect_vreg.scatter [tilespmem:s18], [sflag:$0x3], $0x80, v4, vm0, $0xb8;
	[tilespmem:$0x10400] =	vst v63  }
0xd8: {  	s12 =	simm.s32 $0x4400  }
0xd9: {  	[hbm4b:s3+s2] =	stream.indirect_vreg.scatter [tilespmem:s12], [sflag:$0x3], $0x80, v3, vm0, $0xb8;
	[tilespmem:$0x10400] =	vst v63  }
0xda: {  	_ = 	snop  }
0xdb: {  	[hbm4b:s5+s2] =	stream.indirect_vreg.scatter [tilespmem:s31], [sflag:$0x3], $0x80, v3, vm0, $0xb8;
	[tilespmem:$0x10400] =	vst v63  }
0xdc: {  	s29 =	simm.s32 $0x5400  }
0xdd: {  	[hbm4b:s6+s2] =	stream.indirect_vreg.scatter [tilespmem:s29], [sflag:$0x3], $0x80, v3, vm0, $0xb8;
	[tilespmem:$0x10400] =	vst v63  }
0xde: {  	_ = 	snop  }
0xdf: {  	[hbm4b:s7+s2] =	stream.indirect_vreg.scatter [tilespmem:s30], [sflag:$0x3], $0x80, v3, vm0, $0xb8;
	[tilespmem:$0x10400] =	vst v63  }
0xe0: {  	s17 =	simm.s32 $0x6400  }
0xe1: {  	[hbm4b:s8+s2] =	stream.indirect_vreg.scatter [tilespmem:s17], [sflag:$0x3], $0x80, v3, vm0, $0xb8;
	[tilespmem:$0x10400] =	vst v63  }
0xe2: {  	s20 =	simm.s32 $0x6C00  }
0xe3: {  	[hbm4b:s9+s2] =	stream.indirect_vreg.scatter [tilespmem:s20], [sflag:$0x3], $0x80, v3, vm0, $0xb8;
	[tilespmem:$0x10400] =	vst v63  }
0xe4: {  	s21 =	simm.s32 $0x7400  }
0xe5: {  	[hbm4b:s10+s2] =	stream.indirect_vreg.scatter [tilespmem:s21], [sflag:$0x3], $0x80, v3, vm0, $0xb8;
	[tilespmem:$0x10400] =	vst v63  }
0xe6: {  	s26 =	simm.s32 $0x7C00  }
0xe7: {  	[hbm4b:s11+s2] =	stream.indirect_vreg.scatter [tilespmem:s26], [sflag:$0x3], $0x80, v3, vm0, $0xb8;
	[tilespmem:$0x10400] =	vst v63  }
0xe8: {  	v3 =	vld [tilespmem:$0x300];
	_ =	sdelay $0x4  }
0xe9: {  	v61 =	vshll.u32 v3, $0x4  }
0xea: {  	v3 =	vand.u32 $0x7, v3;
	v4 =	vand.u32 $0xFFFFFF80, v61  }
0xeb: {  	v3 =	vor.u32 v3, v4  }
0xec: {  	v4 =	vperm.xlane v3, v0;
	_ =	sdelay $0x1  }
0xed: {  	v4 =	vadd.s32 v1, v4;
	_ =	sdelay $0x4  }
0xee: {  	[hbm4b:s3+s2] =	stream.indirect_vreg.scatter [tilespmem:s28], [sflag:$0x4], $0x80, v4, vm0, $0xb8;
	[tilespmem:$0x10400] =	vst v63  }
0xef: {  	_ = 	snop  }
0xf0: {  	[hbm4b:s5+s2] =	stream.indirect_vreg.scatter [tilespmem:s1], [sflag:$0x4], $0x80, v4, vm0, $0xb8;
	[tilespmem:$0x10400] =	vst v63  }
0xf1: {  	_ = 	snop  }
0xf2: {  	[hbm4b:s6+s2] =	stream.indirect_vreg.scatter [tilespmem:s13], [sflag:$0x4], $0x80, v4, vm0, $0xb8;
	[tilespmem:$0x10400] =	vst v63  }
0xf3: {  	_ = 	snop  }
0xf4: {  	[hbm4b:s7+s2] =	stream.indirect_vreg.scatter [tilespmem:s14], [sflag:$0x4], $0x80, v4, vm0, $0xb8;
	[tilespmem:$0x10400] =	vst v63  }
0xf5: {  	_ = 	snop  }
0xf6: {  	[hbm4b:s8+s2] =	stream.indirect_vreg.scatter [tilespmem:s24], [sflag:$0x4], $0x80, v4, vm0, $0xb8;
	[tilespmem:$0x10400] =	vst v63  }
0xf7: {  	v3 =	vperm.xlane v3, v2  }
0xf8: {  	[hbm4b:s9+s2] =	stream.indirect_vreg.scatter [tilespmem:s25], [sflag:$0x4], $0x80, v4, vm0, $0xb8;
	[tilespmem:$0x10400] =	vst v63  }
0xf9: {  	v3 =	vadd.s32 v1, v3  }
0xfa: {  	[hbm4b:s10+s2] =	stream.indirect_vreg.scatter [tilespmem:s15], [sflag:$0x4], $0x80, v4, vm0, $0xb8;
	[tilespmem:$0x10400] =	vst v63  }
0xfb: {  	_ = 	snop  }
0xfc: {  	[hbm4b:s11+s2] =	stream.indirect_vreg.scatter [tilespmem:s18], [sflag:$0x4], $0x80, v4, vm0, $0xb8;
	[tilespmem:$0x10400] =	vst v63  }
0xfd: {  	_ = 	snop  }
0xfe: {  	[hbm4b:s3+s2] =	stream.indirect_vreg.scatter [tilespmem:s12], [sflag:$0x4], $0x80, v3, vm0, $0xb8;
	[tilespmem:$0x10400] =	vst v63  }
0xff: {  	_ = 	snop  }
0x100: {  	[hbm4b:s5+s2] =	stream.indirect_vreg.scatter [tilespmem:s31], [sflag:$0x4], $0x80, v3, vm0, $0xb8;
	[tilespmem:$0x10400] =	vst v63  }
0x101: {  	_ = 	snop  }
0x102: {  	[hbm4b:s6+s2] =	stream.indirect_vreg.scatter [tilespmem:s29], [sflag:$0x4], $0x80, v3, vm0, $0xb8;
	[tilespmem:$0x10400] =	vst v63  }
0x103: {  	_ = 	snop  }
0x104: {  	[hbm4b:s7+s2] =	stream.indirect_vreg.scatter [tilespmem:s30], [sflag:$0x4], $0x80, v3, vm0, $0xb8;
	[tilespmem:$0x10400] =	vst v63  }
0x105: {  	_ = 	snop  }
0x106: {  	[hbm4b:s8+s2] =	stream.indirect_vreg.scatter [tilespmem:s17], [sflag:$0x4], $0x80, v3, vm0, $0xb8;
	[tilespmem:$0x10400] =	vst v63  }
0x107: {  	_ = 	snop  }
0x108: {  	[hbm4b:s9+s2] =	stream.indirect_vreg.scatter [tilespmem:s20], [sflag:$0x4], $0x80, v3, vm0, $0xb8;
	[tilespmem:$0x10400] =	vst v63  }
0x109: {  	_ = 	snop  }
0x10a: {  	[hbm4b:s10+s2] =	stream.indirect_vreg.scatter [tilespmem:s21], [sflag:$0x4], $0x80, v3, vm0, $0xb8;
	[tilespmem:$0x10400] =	vst v63  }
0x10b: {  	s1 =	simm.s32 $0x5  }
0x10c: {  	[hbm4b:s11+s2] =	stream.indirect_vreg.scatter [tilespmem:s26], [sflag:$0x4], $0x80, v3, vm0, $0xb8;
	[tilespmem:$0x10400] =	vst v63  }
0x10d: {  	_ =	swait.ge [sflag:s1], $0x8000  }
0x10e: {  	[sflag:s1] =	ssyncset.done $0x0  }
0x10f: {  	s14 =	simm.s32 $0x6;
	[sflag:s1] =	ssyncadd.s32 $0xFFFF8000  }
0x110: {  	_ =	swait.ge [sflag:s14], $0x8000  }
0x111: {  	[sflag:s14] =	ssyncset.done $0x0  }
0x112: {  	s30 =	simm.s32 $0x8400;
	s29 =	rddreg [dreg:$0x8];
	[sflag:s14] =	ssyncadd.s32 $0xFFFF8000  }
0x113: {  	[tilespmem:s30], [sflag:$0x2] =	stream.linear.gather [hbm4b:s29+s2], $0x8000, $0x38;
	[tilespmem:$0x10400] =	vst v63  }
0x114: {  	_ =	swait.ge [sflag:s16], $0x8000  }
0x115: {  	[sflag:s16] =	ssyncset.done $0x0  }
0x116: {  	[sflag:s16] =	ssyncadd.s32 $0xFFFF8000  }
0x117: {  	v3 =	vld [tilespmem:$0x180];
	_ =	sdelay $0x4  }
0x118: {  	v62 =	vshll.u32 v3, $0x4  }
0x119: {  	v3 =	vand.u32 $0x7, v3;
	v4 =	vand.u32 $0xFFFFFF80, v62  }
0x11a: {  	v3 =	vor.u32 v3, v4  }
0x11b: {  	v4 =	vperm.xlane v3, v0;
	_ =	sdelay $0x1  }
0x11c: {  	v4 =	vadd.s32 v1, v4;
	_ =	sdelay $0x4  }
0x11d: {  	[hbm4b:s3+s2] =	stream.indirect_vreg.scatter [tilespmem:s30], [sflag:$0x5], $0x80, v4, vm0, $0xb8;
	[tilespmem:$0x10400] =	vst v63  }
0x11e: {  	s15 =	simm.s32 $0x8C00  }
0x11f: {  	[hbm4b:s5+s2] =	stream.indirect_vreg.scatter [tilespmem:s15], [sflag:$0x5], $0x80, v4, vm0, $0xb8;
	[tilespmem:$0x10400] =	vst v63  }
0x120: {  	s16 =	simm.s32 $0x9400  }
0x121: {  	[hbm4b:s6+s2] =	stream.indirect_vreg.scatter [tilespmem:s16], [sflag:$0x5], $0x80, v4, vm0, $0xb8;
	[tilespmem:$0x10400] =	vst v63  }
0x122: {  	s13 =	simm.s32 $0x9C00  }
0x123: {  	[hbm4b:s7+s2] =	stream.indirect_vreg.scatter [tilespmem:s13], [sflag:$0x5], $0x80, v4, vm0, $0xb8;
	[tilespmem:$0x10400] =	vst v63  }
0x124: {  	s30 =	simm.s32 $0xA400  }
0x125: {  	[hbm4b:s8+s2] =	stream.indirect_vreg.scatter [tilespmem:s30], [sflag:$0x5], $0x80, v4, vm0, $0xb8;
	[tilespmem:$0x10400] =	vst v63  }
0x126: {  	s24 =	simm.s32 $0xAC00;
	v3 =	vperm.xlane v3, v2  }
0x127: {  	[hbm4b:s9+s2] =	stream.indirect_vreg.scatter [tilespmem:s24], [sflag:$0x5], $0x80, v4, vm0, $0xb8;
	[tilespmem:$0x10400] =	vst v63  }
0x128: {  	s18 =	simm.s32 $0xB400;
	v3 =	vadd.s32 v1, v3  }
0x129: {  	[hbm4b:s10+s2] =	stream.indirect_vreg.scatter [tilespmem:s18], [sflag:$0x5], $0x80, v4, vm0, $0xb8;
	[tilespmem:$0x10400] =	vst v63  }
0x12a: {  	s25 =	simm.s32 $0xBC00  }
0x12b: {  	[hbm4b:s11+s2] =	stream.indirect_vreg.scatter [tilespmem:s25], [sflag:$0x5], $0x80, v4, vm0, $0xb8;
	[tilespmem:$0x10400] =	vst v63  }
0x12c: {  	s28 =	simm.s32 $0xC400  }
0x12d: {  	[hbm4b:s3+s2] =	stream.indirect_vreg.scatter [tilespmem:s28], [sflag:$0x5], $0x80, v3, vm0, $0xb8;
	[tilespmem:$0x10400] =	vst v63  }
0x12e: {  	s29 =	simm.s32 $0xCC00  }
0x12f: {  	[hbm4b:s5+s2] =	stream.indirect_vreg.scatter [tilespmem:s29], [sflag:$0x5], $0x80, v3, vm0, $0xb8;
	[tilespmem:$0x10400] =	vst v63  }
0x130: {  	s19 =	simm.s32 $0xD400  }
0x131: {  	[hbm4b:s6+s2] =	stream.indirect_vreg.scatter [tilespmem:s19], [sflag:$0x5], $0x80, v3, vm0, $0xb8;
	[tilespmem:$0x10400] =	vst v63  }
0x132: {  	s17 =	simm.s32 $0xDC00  }
0x133: {  	[hbm4b:s7+s2] =	stream.indirect_vreg.scatter [tilespmem:s17], [sflag:$0x5], $0x80, v3, vm0, $0xb8;
	[tilespmem:$0x10400] =	vst v63  }
0x134: {  	s20 =	simm.s32 $0xE400  }
0x135: {  	[hbm4b:s8+s2] =	stream.indirect_vreg.scatter [tilespmem:s20], [sflag:$0x5], $0x80, v3, vm0, $0xb8;
	[tilespmem:$0x10400] =	vst v63  }
0x136: {  	s26 =	simm.s32 $0xEC00  }
0x137: {  	[hbm4b:s9+s2] =	stream.indirect_vreg.scatter [tilespmem:s26], [sflag:$0x5], $0x80, v3, vm0, $0xb8;
	[tilespmem:$0x10400] =	vst v63  }
0x138: {  	s23 =	simm.s32 $0xF400  }
0x139: {  	[hbm4b:s10+s2] =	stream.indirect_vreg.scatter [tilespmem:s23], [sflag:$0x5], $0x80, v3, vm0, $0xb8;
	[tilespmem:$0x10400] =	vst v63  }
0x13a: {  	s21 =	simm.s32 $0xFC00  }
0x13b: {  	[hbm4b:s11+s2] =	stream.indirect_vreg.scatter [tilespmem:s21], [sflag:$0x5], $0x80, v3, vm0, $0xb8;
	[tilespmem:$0x10400] =	vst v63  }
0x13c: {  	v3 =	vld [tilespmem:$0x380];
	_ =	sdelay $0x4  }
0x13d: {  	v63 =	vshll.u32 v3, $0x4  }
0x13e: {  	v3 =	vand.u32 $0x7, v3;
	v4 =	vand.u32 $0xFFFFFF80, v63  }
0x13f: {  	v3 =	vor.u32 v3, v4  }
0x140: {  	v4 =	vperm.xlane v3, v0;
	_ =	sdelay $0x1  }
0x141: {  	v4 =	vadd.s32 v1, v4;
	_ =	sdelay $0x3  }
0x142: {  	s12 =	simm.s32 $0x8400  }
0x143: {  	[hbm4b:s3+s2] =	stream.indirect_vreg.scatter [tilespmem:s12], [sflag:$0x6], $0x80, v4, vm0, $0xb8;
	[tilespmem:$0x10400] =	vst v63  }
0x144: {  	_ = 	snop  }
0x145: {  	[hbm4b:s5+s2] =	stream.indirect_vreg.scatter [tilespmem:s15], [sflag:$0x6], $0x80, v4, vm0, $0xb8;
	[tilespmem:$0x10400] =	vst v63  }
0x146: {  	_ = 	snop  }
0x147: {  	[hbm4b:s6+s2] =	stream.indirect_vreg.scatter [tilespmem:s16], [sflag:$0x6], $0x80, v4, vm0, $0xb8;
	[tilespmem:$0x10400] =	vst v63  }
0x148: {  	_ = 	snop  }
0x149: {  	[hbm4b:s7+s2] =	stream.indirect_vreg.scatter [tilespmem:s13], [sflag:$0x6], $0x80, v4, vm0, $0xb8;
	[tilespmem:$0x10400] =	vst v63  }
0x14a: {  	_ = 	snop  }
0x14b: {  	[hbm4b:s8+s2] =	stream.indirect_vreg.scatter [tilespmem:s30], [sflag:$0x6], $0x80, v4, vm0, $0xb8;
	[tilespmem:$0x10400] =	vst v63  }
0x14c: {  	v3 =	vperm.xlane v3, v2  }
0x14d: {  	[hbm4b:s9+s2] =	stream.indirect_vreg.scatter [tilespmem:s24], [sflag:$0x6], $0x80, v4, vm0, $0xb8;
	[tilespmem:$0x10400] =	vst v63  }
0x14e: {  	v3 =	vadd.s32 v1, v3  }
0x14f: {  	[hbm4b:s10+s2] =	stream.indirect_vreg.scatter [tilespmem:s18], [sflag:$0x6], $0x80, v4, vm0, $0xb8;
	[tilespmem:$0x10400] =	vst v63  }
0x150: {  	_ = 	snop  }
0x151: {  	[hbm4b:s11+s2] =	stream.indirect_vreg.scatter [tilespmem:s25], [sflag:$0x6], $0x80, v4, vm0, $0xb8;
	[tilespmem:$0x10400] =	vst v63  }
0x152: {  	_ = 	snop  }
0x153: {  	[hbm4b:s3+s2] =	stream.indirect_vreg.scatter [tilespmem:s28], [sflag:$0x6], $0x80, v3, vm0, $0xb8;
	[tilespmem:$0x10400] =	vst v63  }
0x154: {  	_ = 	snop  }
0x155: {  	[hbm4b:s5+s2] =	stream.indirect_vreg.scatter [tilespmem:s29], [sflag:$0x6], $0x80, v3, vm0, $0xb8;
	[tilespmem:$0x10400] =	vst v63  }
0x156: {  	_ = 	snop  }
0x157: {  	[hbm4b:s6+s2] =	stream.indirect_vreg.scatter [tilespmem:s19], [sflag:$0x6], $0x80, v3, vm0, $0xb8;
	[tilespmem:$0x10400] =	vst v63  }
0x158: {  	_ = 	snop  }
0x159: {  	[hbm4b:s7+s2] =	stream.indirect_vreg.scatter [tilespmem:s17], [sflag:$0x6], $0x80, v3, vm0, $0xb8;
	[tilespmem:$0x10400] =	vst v63  }
0x15a: {  	_ = 	snop  }
0x15b: {  	[hbm4b:s8+s2] =	stream.indirect_vreg.scatter [tilespmem:s20], [sflag:$0x6], $0x80, v3, vm0, $0xb8;
	[tilespmem:$0x10400] =	vst v63  }
0x15c: {  	_ = 	snop  }
0x15d: {  	[hbm4b:s9+s2] =	stream.indirect_vreg.scatter [tilespmem:s26], [sflag:$0x6], $0x80, v3, vm0, $0xb8;
	[tilespmem:$0x10400] =	vst v63  }
0x15e: {  	_ = 	snop  }
0x15f: {  	[hbm4b:s10+s2] =	stream.indirect_vreg.scatter [tilespmem:s23], [sflag:$0x6], $0x80, v3, vm0, $0xb8;
	[tilespmem:$0x10400] =	vst v63  }
0x160: {  	_ = 	snop  }
0x161: {  	[hbm4b:s11+s2] =	stream.indirect_vreg.scatter [tilespmem:s21], [sflag:$0x6], $0x80, v3, vm0, $0xb8;
	[tilespmem:$0x10400] =	vst v63  }
0x162: {  	_ =	swait.ge [sflag:s0], $0x8000  }
0x163: {  	[sflag:s0] =	ssyncset.done $0x0  }
0x164: {  	[sflag:s0] =	ssyncadd.s32 $0xFFFF8000  }
0x165: {  	_ =	swait.ge [sflag:s4], $0x8000  }
0x166: {  	[sflag:s4] =	ssyncset.done $0x0  }
0x167: {  	[sflag:s4] =	ssyncadd.s32 $0xFFFF8000  }
0x168: {  	p0 =	sne.s32 s22, $0x1;
	_ =	swait.ge [sflag:s1], $0x8000  }
.Ltmp0:
0x169: {  	[sflag:s1] =	ssyncset.done $0x0;
	(pc) =	sbr.rel @p0 .LBB2_1-.Ltmp0, $4  }
0x16a: {  	[sflag:s1] =	ssyncadd.s32 $0xFFFF8000  }
0x16b: {  	_ =	swait.ge [sflag:s14], $0x8000  }
0x16c: {  	[sflag:s14] =	ssyncset.done $0x0  }
0x16d: {  	s22 =	sadd.s32 $0xFFFFFFFF, s22;
	[sflag:s14] =	ssyncadd.s32 $0xFFFF8000  }
0x16e: {  	_ =	sfence.sel $0x180000  }
0x16f: {  	[bflag:$0x0] =	sbarrier.arrive $0xFFFF  }
0x170: {  	_ =	strace $0x90000047  }
0x171: {  	s0 =	stileid.u32;
	[bflag:$0x2] =	sbarrier.arrive $0xFFFF  }
0x172: {  	p0 =	sne.s32 s0, $0x0;
	s0 =	rddreg [dreg:$0x3]  }
0x173: {  	s0 =	sadd.s32 @!p0 $0x100000, s0  }
0x174: {  	[sflag:s0] =	ssyncadd.tile.s32 @!p0 $0x1;
	_ =	shalt  }
.Lfunc_end2:
_tile_overlayer_lowered:
.L_overlay_start_2:
0x175: {  	(tag) =	ssettag $0x2  }
0x176: {  	s0 =	rddreg [dreg:$0x0];
	s2 =	stileid.u32  }
0x177: {  	s1 =	rddreg [dreg:$0x1];
	p0 =	sne.s32 s2, $0x0  }
0x178: {  	s3 =	rddreg [dreg:$0x2];
	[bflag:$0x3] =	sbarrier.arrive $0xFFFF;
	s2 =	simm.s32 @!p0 $0x1C07  }
0x179: {  	[timem:s3], [sflag:s2] =	dma.local @!p0 [hbm:s0], s1  }
0x17a: {  	s0 =	simm.s32 @!p0 $0x7  }
0x17b: {  	_ =	swait.ge @!p0 [sflag:s0], s1  }
0x17c: {  	s1 =	ssub.s32 @!p0 $0x0, s1;
	[sflag:s0] =	ssyncset.done @!p0 $0x0  }
0x17d: {  	[sflag:s0] =	ssyncadd.s32 @!p0 s1  }
0x17e: {  	[bflag:$0x3] =	sbarrier.arrive $0xFFFF  }
0x17f: {  	_ =	shalt  }

</sc_bundles>
